<compile_context>
chip_gen: v7x
topology: tpu7x:2x2x1
jax: 0.10.2.dev20260603
libtpu: 0.0.44.dev20260713+nightly
codegen_flags: <defaults>
</compile_context>

<pallas_src>
import functools

import jax
import jax.numpy as jnp
from jax import lax
from jax.experimental import pallas as pl
from jax.experimental.pallas import tpu as pltpu
from jax.experimental.pallas import tpu_sc as plsc

HIDDEN_SIZE = 512
NUM_SCENARIOS = 8
BATCH = 4096
NUM_CORES = 2
NUM_SUBCORES = 16
NUM_WORKERS = NUM_CORES * NUM_SUBCORES
B_PER_W = BATCH // NUM_WORKERS
LANES = 16
VPR = HIDDEN_SIZE // LANES
NCHUNK = 2
CHUNK = B_PER_W // NCHUNK

_mesh = plsc.VectorSubcoreMesh(core_axis_name="c", subcore_axis_name="s")


@functools.partial(
    pl.kernel,
    mesh=_mesh,
    out_type=jax.ShapeDtypeStruct((BATCH, HIDDEN_SIZE), jnp.float32),
    scratch_types=[
        pltpu.VMEM((B_PER_W,), jnp.int32),
        pltpu.VMEM((NUM_SCENARIOS, HIDDEN_SIZE), jnp.float32),
        pltpu.VMEM((B_PER_W, HIDDEN_SIZE), jnp.float32),
        pltpu.SMEM((B_PER_W,), jnp.int32),
        pltpu.SemaphoreType.DMA,
        pltpu.SemaphoreType.DMA((NCHUNK,)),
    ],
)
def _gather_kernel(idx_hbm, table_hbm, out_hbm, idx_v, tbl_v, rows_v, idx_s, tsem, wsem):
    wid = lax.axis_index("s") * NUM_CORES + lax.axis_index("c")
    base = wid * B_PER_W
    tbl_copy = pltpu.async_copy(table_hbm, tbl_v, tsem)
    pltpu.sync_copy(idx_hbm.at[pl.ds(base, B_PER_W)], idx_v)

    for g in range(B_PER_W // LANES):
        vec = idx_v[pl.ds(g * LANES, LANES)]
        for l in range(LANES):
            idx_s[g * LANES + l] = vec[l]

    tbl_copy.wait()

    writes = []
    for ch in range(NCHUNK):

        @plsc.parallel_loop(ch * CHUNK, (ch + 1) * CHUNK, unroll=2)
        def _(j):
            r = idx_s[j]
            for c in range(VPR):
                rows_v[j, pl.ds(c * LANES, LANES)] = tbl_v[r, pl.ds(c * LANES, LANES)]

        writes.append(
            pltpu.async_copy(
                rows_v.at[pl.ds(ch * CHUNK, CHUNK)],
                out_hbm.at[pl.ds(base + ch * CHUNK, CHUNK)],
                wsem.at[ch],
            )
        )
    for w in writes:
        w.wait()


def kernel(scenarios, table):
    return _gather_kernel(scenarios.astype(jnp.int32), table)

# --- scband reference (transcript-rebuilt; emitter-appended) ---
"""Pipeline reference for scband-korean-text-encoder-lite-40261023433409 (READ-ONLY COPY).

The authoritative reference and input builder live on the scoring server;
editing this copy changes nothing except your own understanding.
"""

import jax, jax.numpy as jnp
import numpy as np

HIDDEN_SIZE = 512
NUM_SCENARIOS = 8
BATCH = 4096

def setup_inputs(seed: int = 0) -> dict:
    key = jax.random.key(seed)
    k1, k2 = jax.random.split(key)
    scenarios = jax.random.randint(k1, (BATCH,), 0, NUM_SCENARIOS, dtype=jnp.int64 if jax.config.read('jax_enable_x64') else jnp.int32)
    # nn.Embedding default init: N(0, 1)
    table = jax.random.normal(k2, (NUM_SCENARIOS, HIDDEN_SIZE), dtype=jnp.float32)
    return {"scenarios": scenarios, "table": table}

def reference(scenarios, table):
    # Faithful to forward: each scenario name is mapped to an id (modeled as int ids here),
    # then looked up in the scenario embedding table.
    scenario_features = jnp.take(table, scenarios, axis=0)
    return scenario_features

if __name__ == "__main__":
    import jax
    _d = setup_inputs()
    print(jax.jit(kernel)(*tuple(_d.values())))

</pallas_src>

<mosaic_0001>
#map = affine_map<(d0, d1) -> (0)>
#map1 = affine_map<(d0, d1) -> (0, 0)>
module attributes {stable_mosaic.version = 14 : i64} {
  func.func @_gather_kernel(%arg0: i32, %arg1: i32, %arg2: memref<4096xi32, #tpu.memory_space<hbm>>, %arg3: memref<8x512xf32, #tpu.memory_space<hbm>>, %arg4: memref<4096x512xf32, #tpu.memory_space<hbm>>, %arg5: memref<128xi32, #tpu.memory_space<vmem>>, %arg6: memref<8x512xf32, #tpu.memory_space<vmem>>, %arg7: memref<128x512xf32, #tpu.memory_space<vmem>>, %arg8: memref<128xi32, #tpu.memory_space<smem>>, %arg9: memref<!tpu.dma_semaphore, #tpu.memory_space<semaphore_mem>>, %arg10: memref<2x!tpu.dma_semaphore, #tpu.memory_space<semaphore_mem>>) attributes {dimension_semantics = [#tpu.dimension_semantics<core_parallel>, #tpu.dimension_semantics<subcore_parallel>], iteration_bounds = array<i64: 2, 16>, scalar_prefetch = 0 : i64, scratch_operands = 6 : i64, tpu.core_type = #tpu.core_type<sc_vector_subcore>, window_params = [{transform_indices = #map}, {transform_indices = #map1}, {transform_indices = #map1}]} {
    %mul3A = arith.constant 2 : i32
    %mul3A_0 = arith.muli %arg1, %mul3A : i32
    %add3A = arith.addi %mul3A_0, %arg0 : i32
    %mul3A_1 = arith.constant 128 : i32
    %mul3A_2 = arith.muli %add3A, %mul3A_1 : i32
    tpu.enqueue_dma source(%arg3 : memref<8x512xf32, #tpu.memory_space<hbm>>) target(%arg6 : memref<8x512xf32, #tpu.memory_space<vmem>>) target_semaphore(%arg9 : memref<!tpu.dma_semaphore, #tpu.memory_space<semaphore_mem>>)
    "tpu.region"() ({
      %run_scoped3A = tpu.sem_alloc : memref<!tpu.dma_semaphore, #tpu.memory_space<semaphore_mem>>
      %dma_start3A_722 = tpu.memref_slice %arg2[%mul3A_2] : memref<4096xi32, #tpu.memory_space<hbm>> -> memref<128xi32, #tpu.memory_space<hbm>>
      %dma_start3A_723 = tpu.memref_slice %arg2[%mul3A_2] : memref<4096xi32, #tpu.memory_space<hbm>> -> memref<128xi32, #tpu.memory_space<hbm>>
      tpu.enqueue_dma source(%dma_start3A_723 : memref<128xi32, #tpu.memory_space<hbm>>) target(%arg5 : memref<128xi32, #tpu.memory_space<vmem>>) target_semaphore(%run_scoped3A : memref<!tpu.dma_semaphore, #tpu.memory_space<semaphore_mem>>)
      %dma_wait3A_724 = tpu.memref_slice %arg2[%mul3A_2] : memref<4096xi32, #tpu.memory_space<hbm>> -> memref<128xi32, #tpu.memory_space<hbm>>
      %dma_wait3A_725 = tpu.memref_slice %arg2[%mul3A_2] : memref<4096xi32, #tpu.memory_space<hbm>> -> memref<128xi32, #tpu.memory_space<hbm>>
      tpu.wait_dma2 semaphore(%run_scoped3A : memref<!tpu.dma_semaphore, #tpu.memory_space<semaphore_mem>>) src(%dma_wait3A_725 : memref<128xi32, #tpu.memory_space<hbm>>) dst(%arg5 : memref<128xi32, #tpu.memory_space<vmem>>)
      tpu.yield
    }) : () -> ()
    %get3A = arith.constant 0 : index
    %get3A_3 = tpu.vector_load %arg5[%get3A] {strides = array<i32>} : memref<128xi32, #tpu.memory_space<vmem>>, vector<16xi32>,
    %get3A_4 = vector.shape_cast %get3A_3 : vector<16xi32> to vector<16xi32>
    %slice3A = vector.extract_strided_slice %get3A_4 {offsets = [0], sizes = [1], strides = [1]} : vector<16xi32> to vector<1xi32>
    %squeeze3A = vector.extract %slice3A[0] : i32 from vector<1xi32>
    %swap3A = arith.constant 0 : i32
    %swap3A_5 = arith.index_cast %swap3A : i32 to index
    %swap3A_6 = memref.load %arg8[%swap3A_5] : memref<128xi32, #tpu.memory_space<smem>>
    memref.store %squeeze3A, %arg8[%swap3A_5] : memref<128xi32, #tpu.memory_space<smem>>
    %slice3A_7 = vector.extract_strided_slice %get3A_4 {offsets = [1], sizes = [1], strides = [1]} : vector<16xi32> to vector<1xi32>
    %squeeze3A_8 = vector.extract %slice3A_7[0] : i32 from vector<1xi32>
    %swap3A_9 = arith.constant 1 : i32
    %swap3A_10 = arith.index_cast %swap3A_9 : i32 to index
    %swap3A_11 = memref.load %arg8[%swap3A_10] : memref<128xi32, #tpu.memory_space<smem>>
    memref.store %squeeze3A_8, %arg8[%swap3A_10] : memref<128xi32, #tpu.memory_space<smem>>
    %slice3A_12 = vector.extract_strided_slice %get3A_4 {offsets = [2], sizes = [1], strides = [1]} : vector<16xi32> to vector<1xi32>
    %squeeze3A_13 = vector.extract %slice3A_12[0] : i32 from vector<1xi32>
    %swap3A_14 = arith.constant 2 : i32
    %swap3A_15 = arith.index_cast %swap3A_14 : i32 to index
    %swap3A_16 = memref.load %arg8[%swap3A_15] : memref<128xi32, #tpu.memory_space<smem>>
    memref.store %squeeze3A_13, %arg8[%swap3A_15] : memref<128xi32, #tpu.memory_space<smem>>
    %slice3A_17 = vector.extract_strided_slice %get3A_4 {offsets = [3], sizes = [1], strides = [1]} : vector<16xi32> to vector<1xi32>
    %squeeze3A_18 = vector.extract %slice3A_17[0] : i32 from vector<1xi32>
    %swap3A_19 = arith.constant 3 : i32
    %swap3A_20 = arith.index_cast %swap3A_19 : i32 to index
    %swap3A_21 = memref.load %arg8[%swap3A_20] : memref<128xi32, #tpu.memory_space<smem>>
    memref.store %squeeze3A_18, %arg8[%swap3A_20] : memref<128xi32, #tpu.memory_space<smem>>
    %slice3A_22 = vector.extract_strided_slice %get3A_4 {offsets = [4], sizes = [1], strides = [1]} : vector<16xi32> to vector<1xi32>
    %squeeze3A_23 = vector.extract %slice3A_22[0] : i32 from vector<1xi32>
    %swap3A_24 = arith.constant 4 : i32
    %swap3A_25 = arith.index_cast %swap3A_24 : i32 to index
    %swap3A_26 = memref.load %arg8[%swap3A_25] : memref<128xi32, #tpu.memory_space<smem>>
    memref.store %squeeze3A_23, %arg8[%swap3A_25] : memref<128xi32, #tpu.memory_space<smem>>
    %slice3A_27 = vector.extract_strided_slice %get3A_4 {offsets = [5], sizes = [1], strides = [1]} : vector<16xi32> to vector<1xi32>
    %squeeze3A_28 = vector.extract %slice3A_27[0] : i32 from vector<1xi32>
    %swap3A_29 = arith.constant 5 : i32
    %swap3A_30 = arith.index_cast %swap3A_29 : i32 to index
    %swap3A_31 = memref.load %arg8[%swap3A_30] : memref<128xi32, #tpu.memory_space<smem>>
    memref.store %squeeze3A_28, %arg8[%swap3A_30] : memref<128xi32, #tpu.memory_space<smem>>
    %slice3A_32 = vector.extract_strided_slice %get3A_4 {offsets = [6], sizes = [1], strides = [1]} : vector<16xi32> to vector<1xi32>
    %squeeze3A_33 = vector.extract %slice3A_32[0] : i32 from vector<1xi32>
    %swap3A_34 = arith.constant 6 : i32
    %swap3A_35 = arith.index_cast %swap3A_34 : i32 to index
    %swap3A_36 = memref.load %arg8[%swap3A_35] : memref<128xi32, #tpu.memory_space<smem>>
    memref.store %squeeze3A_33, %arg8[%swap3A_35] : memref<128xi32, #tpu.memory_space<smem>>
    %slice3A_37 = vector.extract_strided_slice %get3A_4 {offsets = [7], sizes = [1], strides = [1]} : vector<16xi32> to vector<1xi32>
    %squeeze3A_38 = vector.extract %slice3A_37[0] : i32 from vector<1xi32>
    %swap3A_39 = arith.constant 7 : i32
    %swap3A_40 = arith.index_cast %swap3A_39 : i32 to index
    %swap3A_41 = memref.load %arg8[%swap3A_40] : memref<128xi32, #tpu.memory_space<smem>>
    memref.store %squeeze3A_38, %arg8[%swap3A_40] : memref<128xi32, #tpu.memory_space<smem>>
    %slice3A_42 = vector.extract_strided_slice %get3A_4 {offsets = [8], sizes = [1], strides = [1]} : vector<16xi32> to vector<1xi32>
    %squeeze3A_43 = vector.extract %slice3A_42[0] : i32 from vector<1xi32>
    %swap3A_44 = arith.constant 8 : i32
    %swap3A_45 = arith.index_cast %swap3A_44 : i32 to index
    %swap3A_46 = memref.load %arg8[%swap3A_45] : memref<128xi32, #tpu.memory_space<smem>>
    memref.store %squeeze3A_43, %arg8[%swap3A_45] : memref<128xi32, #tpu.memory_space<smem>>
    %slice3A_47 = vector.extract_strided_slice %get3A_4 {offsets = [9], sizes = [1], strides = [1]} : vector<16xi32> to vector<1xi32>
    %squeeze3A_48 = vector.extract %slice3A_47[0] : i32 from vector<1xi32>
    %swap3A_49 = arith.constant 9 : i32
    %swap3A_50 = arith.index_cast %swap3A_49 : i32 to index
    %swap3A_51 = memref.load %arg8[%swap3A_50] : memref<128xi32, #tpu.memory_space<smem>>
    memref.store %squeeze3A_48, %arg8[%swap3A_50] : memref<128xi32, #tpu.memory_space<smem>>
    %slice3A_52 = vector.extract_strided_slice %get3A_4 {offsets = [10], sizes = [1], strides = [1]} : vector<16xi32> to vector<1xi32>
    %squeeze3A_53 = vector.extract %slice3A_52[0] : i32 from vector<1xi32>
    %swap3A_54 = arith.constant 10 : i32
    %swap3A_55 = arith.index_cast %swap3A_54 : i32 to index
    %swap3A_56 = memref.load %arg8[%swap3A_55] : memref<128xi32, #tpu.memory_space<smem>>
    memref.store %squeeze3A_53, %arg8[%swap3A_55] : memref<128xi32, #tpu.memory_space<smem>>
    %slice3A_57 = vector.extract_strided_slice %get3A_4 {offsets = [11], sizes = [1], strides = [1]} : vector<16xi32> to vector<1xi32>
    %squeeze3A_58 = vector.extract %slice3A_57[0] : i32 from vector<1xi32>
    %swap3A_59 = arith.constant 11 : i32
    %swap3A_60 = arith.index_cast %swap3A_59 : i32 to index
    %swap3A_61 = memref.load %arg8[%swap3A_60] : memref<128xi32, #tpu.memory_space<smem>>
    memref.store %squeeze3A_58, %arg8[%swap3A_60] : memref<128xi32, #tpu.memory_space<smem>>
    %slice3A_62 = vector.extract_strided_slice %get3A_4 {offsets = [12], sizes = [1], strides = [1]} : vector<16xi32> to vector<1xi32>
    %squeeze3A_63 = vector.extract %slice3A_62[0] : i32 from vector<1xi32>
    %swap3A_64 = arith.constant 12 : i32
    %swap3A_65 = arith.index_cast %swap3A_64 : i32 to index
    %swap3A_66 = memref.load %arg8[%swap3A_65] : memref<128xi32, #tpu.memory_space<smem>>
    memref.store %squeeze3A_63, %arg8[%swap3A_65] : memref<128xi32, #tpu.memory_space<smem>>
    %slice3A_67 = vector.extract_strided_slice %get3A_4 {offsets = [13], sizes = [1], strides = [1]} : vector<16xi32> to vector<1xi32>
    %squeeze3A_68 = vector.extract %slice3A_67[0] : i32 from vector<1xi32>
    %swap3A_69 = arith.constant 13 : i32
    %swap3A_70 = arith.index_cast %swap3A_69 : i32 to index
    %swap3A_71 = memref.load %arg8[%swap3A_70] : memref<128xi32, #tpu.memory_space<smem>>
    memref.store %squeeze3A_68, %arg8[%swap3A_70] : memref<128xi32, #tpu.memory_space<smem>>
    %slice3A_72 = vector.extract_strided_slice %get3A_4 {offsets = [14], sizes = [1], strides = [1]} : vector<16xi32> to vector<1xi32>
    %squeeze3A_73 = vector.extract %slice3A_72[0] : i32 from vector<1xi32>
    %swap3A_74 = arith.constant 14 : i32
    %swap3A_75 = arith.index_cast %swap3A_74 : i32 to index
    %swap3A_76 = memref.load %arg8[%swap3A_75] : memref<128xi32, #tpu.memory_space<smem>>
    memref.store %squeeze3A_73, %arg8[%swap3A_75] : memref<128xi32, #tpu.memory_space<smem>>
    %slice3A_77 = vector.extract_strided_slice %get3A_4 {offsets = [15], sizes = [1], strides = [1]} : vector<16xi32> to vector<1xi32>
    %squeeze3A_78 = vector.extract %slice3A_77[0] : i32 from vector<1xi32>
    %swap3A_79 = arith.constant 15 : i32
    %swap3A_80 = arith.index_cast %swap3A_79 : i32 to index
    %swap3A_81 = memref.load %arg8[%swap3A_80] : memref<128xi32, #tpu.memory_space<smem>>
    memref.store %squeeze3A_78, %arg8[%swap3A_80] : memref<128xi32, #tpu.memory_space<smem>>
    %get3A_82 = arith.constant 16 : index
    %get3A_83 = tpu.vector_load %arg5[%get3A_82] {strides = array<i32>} : memref<128xi32, #tpu.memory_space<vmem>>, vector<16xi32>,
    %get3A_84 = vector.shape_cast %get3A_83 : vector<16xi32> to vector<16xi32>
    %slice3A_85 = vector.extract_strided_slice %get3A_84 {offsets = [0], sizes = [1], strides = [1]} : vector<16xi32> to vector<1xi32>
    %squeeze3A_86 = vector.extract %slice3A_85[0] : i32 from vector<1xi32>
    %swap3A_87 = arith.constant 16 : i32
    %swap3A_88 = arith.index_cast %swap3A_87 : i32 to index
    %swap3A_89 = memref.load %arg8[%swap3A_88] : memref<128xi32, #tpu.memory_space<smem>>
    memref.store %squeeze3A_86, %arg8[%swap3A_88] : memref<128xi32, #tpu.memory_space<smem>>
    %slice3A_90 = vector.extract_strided_slice %get3A_84 {offsets = [1], sizes = [1], strides = [1]} : vector<16xi32> to vector<1xi32>
    %squeeze3A_91 = vector.extract %slice3A_90[0] : i32 from vector<1xi32>
    %swap3A_92 = arith.constant 17 : i32
    %swap3A_93 = arith.index_cast %swap3A_92 : i32 to index
    %swap3A_94 = memref.load %arg8[%swap3A_93] : memref<128xi32, #tpu.memory_space<smem>>
    memref.store %squeeze3A_91, %arg8[%swap3A_93] : memref<128xi32, #tpu.memory_space<smem>>
    %slice3A_95 = vector.extract_strided_slice %get3A_84 {offsets = [2], sizes = [1], strides = [1]} : vector<16xi32> to vector<1xi32>
    %squeeze3A_96 = vector.extract %slice3A_95[0] : i32 from vector<1xi32>
    %swap3A_97 = arith.constant 18 : i32
    %swap3A_98 = arith.index_cast %swap3A_97 : i32 to index
    %swap3A_99 = memref.load %arg8[%swap3A_98] : memref<128xi32, #tpu.memory_space<smem>>
    memref.store %squeeze3A_96, %arg8[%swap3A_98] : memref<128xi32, #tpu.memory_space<smem>>
    %slice3A_100 = vector.extract_strided_slice %get3A_84 {offsets = [3], sizes = [1], strides = [1]} : vector<16xi32> to vector<1xi32>
    %squeeze3A_101 = vector.extract %slice3A_100[0] : i32 from vector<1xi32>
    %swap3A_102 = arith.constant 19 : i32
    %swap3A_103 = arith.index_cast %swap3A_102 : i32 to index
    %swap3A_104 = memref.load %arg8[%swap3A_103] : memref<128xi32, #tpu.memory_space<smem>>
    memref.store %squeeze3A_101, %arg8[%swap3A_103] : memref<128xi32, #tpu.memory_space<smem>>
    %slice3A_105 = vector.extract_strided_slice %get3A_84 {offsets = [4], sizes = [1], strides = [1]} : vector<16xi32> to vector<1xi32>
    %squeeze3A_106 = vector.extract %slice3A_105[0] : i32 from vector<1xi32>
    %swap3A_107 = arith.constant 20 : i32
    %swap3A_108 = arith.index_cast %swap3A_107 : i32 to index
    %swap3A_109 = memref.load %arg8[%swap3A_108] : memref<128xi32, #tpu.memory_space<smem>>
    memref.store %squeeze3A_106, %arg8[%swap3A_108] : memref<128xi32, #tpu.memory_space<smem>>
    %slice3A_110 = vector.extract_strided_slice %get3A_84 {offsets = [5], sizes = [1], strides = [1]} : vector<16xi32> to vector<1xi32>
    %squeeze3A_111 = vector.extract %slice3A_110[0] : i32 from vector<1xi32>
    %swap3A_112 = arith.constant 21 : i32
    %swap3A_113 = arith.index_cast %swap3A_112 : i32 to index
    %swap3A_114 = memref.load %arg8[%swap3A_113] : memref<128xi32, #tpu.memory_space<smem>>
    memref.store %squeeze3A_111, %arg8[%swap3A_113] : memref<128xi32, #tpu.memory_space<smem>>
    %slice3A_115 = vector.extract_strided_slice %get3A_84 {offsets = [6], sizes = [1], strides = [1]} : vector<16xi32> to vector<1xi32>
    %squeeze3A_116 = vector.extract %slice3A_115[0] : i32 from vector<1xi32>
    %swap3A_117 = arith.constant 22 : i32
    %swap3A_118 = arith.index_cast %swap3A_117 : i32 to index
    %swap3A_119 = memref.load %arg8[%swap3A_118] : memref<128xi32, #tpu.memory_space<smem>>
    memref.store %squeeze3A_116, %arg8[%swap3A_118] : memref<128xi32, #tpu.memory_space<smem>>
    %slice3A_120 = vector.extract_strided_slice %get3A_84 {offsets = [7], sizes = [1], strides = [1]} : vector<16xi32> to vector<1xi32>
    %squeeze3A_121 = vector.extract %slice3A_120[0] : i32 from vector<1xi32>
    %swap3A_122 = arith.constant 23 : i32
    %swap3A_123 = arith.index_cast %swap3A_122 : i32 to index
    %swap3A_124 = memref.load %arg8[%swap3A_123] : memref<128xi32, #tpu.memory_space<smem>>
    memref.store %squeeze3A_121, %arg8[%swap3A_123] : memref<128xi32, #tpu.memory_space<smem>>
    %slice3A_125 = vector.extract_strided_slice %get3A_84 {offsets = [8], sizes = [1], strides = [1]} : vector<16xi32> to vector<1xi32>
    %squeeze3A_126 = vector.extract %slice3A_125[0] : i32 from vector<1xi32>
    %swap3A_127 = arith.constant 24 : i32
    %swap3A_128 = arith.index_cast %swap3A_127 : i32 to index
    %swap3A_129 = memref.load %arg8[%swap3A_128] : memref<128xi32, #tpu.memory_space<smem>>
    memref.store %squeeze3A_126, %arg8[%swap3A_128] : memref<128xi32, #tpu.memory_space<smem>>
    %slice3A_130 = vector.extract_strided_slice %get3A_84 {offsets = [9], sizes = [1], strides = [1]} : vector<16xi32> to vector<1xi32>
    %squeeze3A_131 = vector.extract %slice3A_130[0] : i32 from vector<1xi32>
    %swap3A_132 = arith.constant 25 : i32
    %swap3A_133 = arith.index_cast %swap3A_132 : i32 to index
    %swap3A_134 = memref.load %arg8[%swap3A_133] : memref<128xi32, #tpu.memory_space<smem>>
    memref.store %squeeze3A_131, %arg8[%swap3A_133] : memref<128xi32, #tpu.memory_space<smem>>
    %slice3A_135 = vector.extract_strided_slice %get3A_84 {offsets = [10], sizes = [1], strides = [1]} : vector<16xi32> to vector<1xi32>
    %squeeze3A_136 = vector.extract %slice3A_135[0] : i32 from vector<1xi32>
    %swap3A_137 = arith.constant 26 : i32
    %swap3A_138 = arith.index_cast %swap3A_137 : i32 to index
    %swap3A_139 = memref.load %arg8[%swap3A_138] : memref<128xi32, #tpu.memory_space<smem>>
    memref.store %squeeze3A_136, %arg8[%swap3A_138] : memref<128xi32, #tpu.memory_space<smem>>
    %slice3A_140 = vector.extract_strided_slice %get3A_84 {offsets = [11], sizes = [1], strides = [1]} : vector<16xi32> to vector<1xi32>
    %squeeze3A_141 = vector.extract %slice3A_140[0] : i32 from vector<1xi32>
    %swap3A_142 = arith.constant 27 : i32
    %swap3A_143 = arith.index_cast %swap3A_142 : i32 to index
    %swap3A_144 = memref.load %arg8[%swap3A_143] : memref<128xi32, #tpu.memory_space<smem>>
    memref.store %squeeze3A_141, %arg8[%swap3A_143] : memref<128xi32, #tpu.memory_space<smem>>
    %slice3A_145 = vector.extract_strided_slice %get3A_84 {offsets = [12], sizes = [1], strides = [1]} : vector<16xi32> to vector<1xi32>
    %squeeze3A_146 = vector.extract %slice3A_145[0] : i32 from vector<1xi32>
    %swap3A_147 = arith.constant 28 : i32
    %swap3A_148 = arith.index_cast %swap3A_147 : i32 to index
    %swap3A_149 = memref.load %arg8[%swap3A_148] : memref<128xi32, #tpu.memory_space<smem>>
    memref.store %squeeze3A_146, %arg8[%swap3A_148] : memref<128xi32, #tpu.memory_space<smem>>
    %slice3A_150 = vector.extract_strided_slice %get3A_84 {offsets = [13], sizes = [1], strides = [1]} : vector<16xi32> to vector<1xi32>
    %squeeze3A_151 = vector.extract %slice3A_150[0] : i32 from vector<1xi32>
    %swap3A_152 = arith.constant 29 : i32
    %swap3A_153 = arith.index_cast %swap3A_152 : i32 to index
    %swap3A_154 = memref.load %arg8[%swap3A_153] : memref<128xi32, #tpu.memory_space<smem>>
    memref.store %squeeze3A_151, %arg8[%swap3A_153] : memref<128xi32, #tpu.memory_space<smem>>
    %slice3A_155 = vector.extract_strided_slice %get3A_84 {offsets = [14], sizes = [1], strides = [1]} : vector<16xi32> to vector<1xi32>
    %squeeze3A_156 = vector.extract %slice3A_155[0] : i32 from vector<1xi32>
    %swap3A_157 = arith.constant 30 : i32
    %swap3A_158 = arith.index_cast %swap3A_157 : i32 to index
    %swap3A_159 = memref.load %arg8[%swap3A_158] : memref<128xi32, #tpu.memory_space<smem>>
    memref.store %squeeze3A_156, %arg8[%swap3A_158] : memref<128xi32, #tpu.memory_space<smem>>
    %slice3A_160 = vector.extract_strided_slice %get3A_84 {offsets = [15], sizes = [1], strides = [1]} : vector<16xi32> to vector<1xi32>
    %squeeze3A_161 = vector.extract %slice3A_160[0] : i32 from vector<1xi32>
    %swap3A_162 = arith.constant 31 : i32
    %swap3A_163 = arith.index_cast %swap3A_162 : i32 to index
    %swap3A_164 = memref.load %arg8[%swap3A_163] : memref<128xi32, #tpu.memory_space<smem>>
    memref.store %squeeze3A_161, %arg8[%swap3A_163] : memref<128xi32, #tpu.memory_space<smem>>
    %get3A_165 = arith.constant 32 : index
    %get3A_166 = tpu.vector_load %arg5[%get3A_165] {strides = array<i32>} : memref<128xi32, #tpu.memory_space<vmem>>, vector<16xi32>,
    %get3A_167 = vector.shape_cast %get3A_166 : vector<16xi32> to vector<16xi32>
    %slice3A_168 = vector.extract_strided_slice %get3A_167 {offsets = [0], sizes = [1], strides = [1]} : vector<16xi32> to vector<1xi32>
    %squeeze3A_169 = vector.extract %slice3A_168[0] : i32 from vector<1xi32>
    %swap3A_170 = arith.constant 32 : i32
    %swap3A_171 = arith.index_cast %swap3A_170 : i32 to index
    %swap3A_172 = memref.load %arg8[%swap3A_171] : memref<128xi32, #tpu.memory_space<smem>>
    memref.store %squeeze3A_169, %arg8[%swap3A_171] : memref<128xi32, #tpu.memory_space<smem>>
    %slice3A_173 = vector.extract_strided_slice %get3A_167 {offsets = [1], sizes = [1], strides = [1]} : vector<16xi32> to vector<1xi32>
    %squeeze3A_174 = vector.extract %slice3A_173[0] : i32 from vector<1xi32>
    %swap3A_175 = arith.constant 33 : i32
    %swap3A_176 = arith.index_cast %swap3A_175 : i32 to index
    %swap3A_177 = memref.load %arg8[%swap3A_176] : memref<128xi32, #tpu.memory_space<smem>>
    memref.store %squeeze3A_174, %arg8[%swap3A_176] : memref<128xi32, #tpu.memory_space<smem>>
    %slice3A_178 = vector.extract_strided_slice %get3A_167 {offsets = [2], sizes = [1], strides = [1]} : vector<16xi32> to vector<1xi32>
    %squeeze3A_179 = vector.extract %slice3A_178[0] : i32 from vector<1xi32>
    %swap3A_180 = arith.constant 34 : i32
    %swap3A_181 = arith.index_cast %swap3A_180 : i32 to index
    %swap3A_182 = memref.load %arg8[%swap3A_181] : memref<128xi32, #tpu.memory_space<smem>>
    memref.store %squeeze3A_179, %arg8[%swap3A_181] : memref<128xi32, #tpu.memory_space<smem>>
    %slice3A_183 = vector.extract_strided_slice %get3A_167 {offsets = [3], sizes = [1], strides = [1]} : vector<16xi32> to vector<1xi32>
    %squeeze3A_184 = vector.extract %slice3A_183[0] : i32 from vector<1xi32>
    %swap3A_185 = arith.constant 35 : i32
    %swap3A_186 = arith.index_cast %swap3A_185 : i32 to index
    %swap3A_187 = memref.load %arg8[%swap3A_186] : memref<128xi32, #tpu.memory_space<smem>>
    memref.store %squeeze3A_184, %arg8[%swap3A_186] : memref<128xi32, #tpu.memory_space<smem>>
    %slice3A_188 = vector.extract_strided_slice %get3A_167 {offsets = [4], sizes = [1], strides = [1]} : vector<16xi32> to vector<1xi32>
    %squeeze3A_189 = vector.extract %slice3A_188[0] : i32 from vector<1xi32>
    %swap3A_190 = arith.constant 36 : i32
    %swap3A_191 = arith.index_cast %swap3A_190 : i32 to index
    %swap3A_192 = memref.load %arg8[%swap3A_191] : memref<128xi32, #tpu.memory_space<smem>>
    memref.store %squeeze3A_189, %arg8[%swap3A_191] : memref<128xi32, #tpu.memory_space<smem>>
    %slice3A_193 = vector.extract_strided_slice %get3A_167 {offsets = [5], sizes = [1], strides = [1]} : vector<16xi32> to vector<1xi32>
    %squeeze3A_194 = vector.extract %slice3A_193[0] : i32 from vector<1xi32>
    %swap3A_195 = arith.constant 37 : i32
    %swap3A_196 = arith.index_cast %swap3A_195 : i32 to index
    %swap3A_197 = memref.load %arg8[%swap3A_196] : memref<128xi32, #tpu.memory_space<smem>>
    memref.store %squeeze3A_194, %arg8[%swap3A_196] : memref<128xi32, #tpu.memory_space<smem>>
    %slice3A_198 = vector.extract_strided_slice %get3A_167 {offsets = [6], sizes = [1], strides = [1]} : vector<16xi32> to vector<1xi32>
    %squeeze3A_199 = vector.extract %slice3A_198[0] : i32 from vector<1xi32>
    %swap3A_200 = arith.constant 38 : i32
    %swap3A_201 = arith.index_cast %swap3A_200 : i32 to index
    %swap3A_202 = memref.load %arg8[%swap3A_201] : memref<128xi32, #tpu.memory_space<smem>>
    memref.store %squeeze3A_199, %arg8[%swap3A_201] : memref<128xi32, #tpu.memory_space<smem>>
    %slice3A_203 = vector.extract_strided_slice %get3A_167 {offsets = [7], sizes = [1], strides = [1]} : vector<16xi32> to vector<1xi32>
    %squeeze3A_204 = vector.extract %slice3A_203[0] : i32 from vector<1xi32>
    %swap3A_205 = arith.constant 39 : i32
    %swap3A_206 = arith.index_cast %swap3A_205 : i32 to index
    %swap3A_207 = memref.load %arg8[%swap3A_206] : memref<128xi32, #tpu.memory_space<smem>>
    memref.store %squeeze3A_204, %arg8[%swap3A_206] : memref<128xi32, #tpu.memory_space<smem>>
    %slice3A_208 = vector.extract_strided_slice %get3A_167 {offsets = [8], sizes = [1], strides = [1]} : vector<16xi32> to vector<1xi32>
    %squeeze3A_209 = vector.extract %slice3A_208[0] : i32 from vector<1xi32>
    %swap3A_210 = arith.constant 40 : i32
    %swap3A_211 = arith.index_cast %swap3A_210 : i32 to index
    %swap3A_212 = memref.load %arg8[%swap3A_211] : memref<128xi32, #tpu.memory_space<smem>>
    memref.store %squeeze3A_209, %arg8[%swap3A_211] : memref<128xi32, #tpu.memory_space<smem>>
    %slice3A_213 = vector.extract_strided_slice %get3A_167 {offsets = [9], sizes = [1], strides = [1]} : vector<16xi32> to vector<1xi32>
    %squeeze3A_214 = vector.extract %slice3A_213[0] : i32 from vector<1xi32>
    %swap3A_215 = arith.constant 41 : i32
    %swap3A_216 = arith.index_cast %swap3A_215 : i32 to index
    %swap3A_217 = memref.load %arg8[%swap3A_216] : memref<128xi32, #tpu.memory_space<smem>>
    memref.store %squeeze3A_214, %arg8[%swap3A_216] : memref<128xi32, #tpu.memory_space<smem>>
    %slice3A_218 = vector.extract_strided_slice %get3A_167 {offsets = [10], sizes = [1], strides = [1]} : vector<16xi32> to vector<1xi32>
    %squeeze3A_219 = vector.extract %slice3A_218[0] : i32 from vector<1xi32>
    %swap3A_220 = arith.constant 42 : i32
    %swap3A_221 = arith.index_cast %swap3A_220 : i32 to index
    %swap3A_222 = memref.load %arg8[%swap3A_221] : memref<128xi32, #tpu.memory_space<smem>>
    memref.store %squeeze3A_219, %arg8[%swap3A_221] : memref<128xi32, #tpu.memory_space<smem>>
    %slice3A_223 = vector.extract_strided_slice %get3A_167 {offsets = [11], sizes = [1], strides = [1]} : vector<16xi32> to vector<1xi32>
    %squeeze3A_224 = vector.extract %slice3A_223[0] : i32 from vector<1xi32>
    %swap3A_225 = arith.constant 43 : i32
    %swap3A_226 = arith.index_cast %swap3A_225 : i32 to index
    %swap3A_227 = memref.load %arg8[%swap3A_226] : memref<128xi32, #tpu.memory_space<smem>>
    memref.store %squeeze3A_224, %arg8[%swap3A_226] : memref<128xi32, #tpu.memory_space<smem>>
    %slice3A_228 = vector.extract_strided_slice %get3A_167 {offsets = [12], sizes = [1], strides = [1]} : vector<16xi32> to vector<1xi32>
    %squeeze3A_229 = vector.extract %slice3A_228[0] : i32 from vector<1xi32>
    %swap3A_230 = arith.constant 44 : i32
    %swap3A_231 = arith.index_cast %swap3A_230 : i32 to index
    %swap3A_232 = memref.load %arg8[%swap3A_231] : memref<128xi32, #tpu.memory_space<smem>>
    memref.store %squeeze3A_229, %arg8[%swap3A_231] : memref<128xi32, #tpu.memory_space<smem>>
    %slice3A_233 = vector.extract_strided_slice %get3A_167 {offsets = [13], sizes = [1], strides = [1]} : vector<16xi32> to vector<1xi32>
    %squeeze3A_234 = vector.extract %slice3A_233[0] : i32 from vector<1xi32>
    %swap3A_235 = arith.constant 45 : i32
    %swap3A_236 = arith.index_cast %swap3A_235 : i32 to index
    %swap3A_237 = memref.load %arg8[%swap3A_236] : memref<128xi32, #tpu.memory_space<smem>>
    memref.store %squeeze3A_234, %arg8[%swap3A_236] : memref<128xi32, #tpu.memory_space<smem>>
    %slice3A_238 = vector.extract_strided_slice %get3A_167 {offsets = [14], sizes = [1], strides = [1]} : vector<16xi32> to vector<1xi32>
    %squeeze3A_239 = vector.extract %slice3A_238[0] : i32 from vector<1xi32>
    %swap3A_240 = arith.constant 46 : i32
    %swap3A_241 = arith.index_cast %swap3A_240 : i32 to index
    %swap3A_242 = memref.load %arg8[%swap3A_241] : memref<128xi32, #tpu.memory_space<smem>>
    memref.store %squeeze3A_239, %arg8[%swap3A_241] : memref<128xi32, #tpu.memory_space<smem>>
    %slice3A_243 = vector.extract_strided_slice %get3A_167 {offsets = [15], sizes = [1], strides = [1]} : vector<16xi32> to vector<1xi32>
    %squeeze3A_244 = vector.extract %slice3A_243[0] : i32 from vector<1xi32>
    %swap3A_245 = arith.constant 47 : i32
    %swap3A_246 = arith.index_cast %swap3A_245 : i32 to index
    %swap3A_247 = memref.load %arg8[%swap3A_246] : memref<128xi32, #tpu.memory_space<smem>>
    memref.store %squeeze3A_244, %arg8[%swap3A_246] : memref<128xi32, #tpu.memory_space<smem>>
    %get3A_248 = arith.constant 48 : index
    %get3A_249 = tpu.vector_load %arg5[%get3A_248] {strides = array<i32>} : memref<128xi32, #tpu.memory_space<vmem>>, vector<16xi32>,
    %get3A_250 = vector.shape_cast %get3A_249 : vector<16xi32> to vector<16xi32>
    %slice3A_251 = vector.extract_strided_slice %get3A_250 {offsets = [0], sizes = [1], strides = [1]} : vector<16xi32> to vector<1xi32>
    %squeeze3A_252 = vector.extract %slice3A_251[0] : i32 from vector<1xi32>
    %swap3A_253 = arith.constant 48 : i32
    %swap3A_254 = arith.index_cast %swap3A_253 : i32 to index
    %swap3A_255 = memref.load %arg8[%swap3A_254] : memref<128xi32, #tpu.memory_space<smem>>
    memref.store %squeeze3A_252, %arg8[%swap3A_254] : memref<128xi32, #tpu.memory_space<smem>>
    %slice3A_256 = vector.extract_strided_slice %get3A_250 {offsets = [1], sizes = [1], strides = [1]} : vector<16xi32> to vector<1xi32>
    %squeeze3A_257 = vector.extract %slice3A_256[0] : i32 from vector<1xi32>
    %swap3A_258 = arith.constant 49 : i32
    %swap3A_259 = arith.index_cast %swap3A_258 : i32 to index
    %swap3A_260 = memref.load %arg8[%swap3A_259] : memref<128xi32, #tpu.memory_space<smem>>
    memref.store %squeeze3A_257, %arg8[%swap3A_259] : memref<128xi32, #tpu.memory_space<smem>>
    %slice3A_261 = vector.extract_strided_slice %get3A_250 {offsets = [2], sizes = [1], strides = [1]} : vector<16xi32> to vector<1xi32>
    %squeeze3A_262 = vector.extract %slice3A_261[0] : i32 from vector<1xi32>
    %swap3A_263 = arith.constant 50 : i32
    %swap3A_264 = arith.index_cast %swap3A_263 : i32 to index
    %swap3A_265 = memref.load %arg8[%swap3A_264] : memref<128xi32, #tpu.memory_space<smem>>
    memref.store %squeeze3A_262, %arg8[%swap3A_264] : memref<128xi32, #tpu.memory_space<smem>>
    %slice3A_266 = vector.extract_strided_slice %get3A_250 {offsets = [3], sizes = [1], strides = [1]} : vector<16xi32> to vector<1xi32>
    %squeeze3A_267 = vector.extract %slice3A_266[0] : i32 from vector<1xi32>
    %swap3A_268 = arith.constant 51 : i32
    %swap3A_269 = arith.index_cast %swap3A_268 : i32 to index
    %swap3A_270 = memref.load %arg8[%swap3A_269] : memref<128xi32, #tpu.memory_space<smem>>
    memref.store %squeeze3A_267, %arg8[%swap3A_269] : memref<128xi32, #tpu.memory_space<smem>>
    %slice3A_271 = vector.extract_strided_slice %get3A_250 {offsets = [4], sizes = [1], strides = [1]} : vector<16xi32> to vector<1xi32>
    %squeeze3A_272 = vector.extract %slice3A_271[0] : i32 from vector<1xi32>
    %swap3A_273 = arith.constant 52 : i32
    %swap3A_274 = arith.index_cast %swap3A_273 : i32 to index
    %swap3A_275 = memref.load %arg8[%swap3A_274] : memref<128xi32, #tpu.memory_space<smem>>
    memref.store %squeeze3A_272, %arg8[%swap3A_274] : memref<128xi32, #tpu.memory_space<smem>>
    %slice3A_276 = vector.extract_strided_slice %get3A_250 {offsets = [5], sizes = [1], strides = [1]} : vector<16xi32> to vector<1xi32>
    %squeeze3A_277 = vector.extract %slice3A_276[0] : i32 from vector<1xi32>
    %swap3A_278 = arith.constant 53 : i32
    %swap3A_279 = arith.index_cast %swap3A_278 : i32 to index
    %swap3A_280 = memref.load %arg8[%swap3A_279] : memref<128xi32, #tpu.memory_space<smem>>
    memref.store %squeeze3A_277, %arg8[%swap3A_279] : memref<128xi32, #tpu.memory_space<smem>>
    %slice3A_281 = vector.extract_strided_slice %get3A_250 {offsets = [6], sizes = [1], strides = [1]} : vector<16xi32> to vector<1xi32>
    %squeeze3A_282 = vector.extract %slice3A_281[0] : i32 from vector<1xi32>
    %swap3A_283 = arith.constant 54 : i32
    %swap3A_284 = arith.index_cast %swap3A_283 : i32 to index
    %swap3A_285 = memref.load %arg8[%swap3A_284] : memref<128xi32, #tpu.memory_space<smem>>
    memref.store %squeeze3A_282, %arg8[%swap3A_284] : memref<128xi32, #tpu.memory_space<smem>>
    %slice3A_286 = vector.extract_strided_slice %get3A_250 {offsets = [7], sizes = [1], strides = [1]} : vector<16xi32> to vector<1xi32>
    %squeeze3A_287 = vector.extract %slice3A_286[0] : i32 from vector<1xi32>
    %swap3A_288 = arith.constant 55 : i32
    %swap3A_289 = arith.index_cast %swap3A_288 : i32 to index
    %swap3A_290 = memref.load %arg8[%swap3A_289] : memref<128xi32, #tpu.memory_space<smem>>
    memref.store %squeeze3A_287, %arg8[%swap3A_289] : memref<128xi32, #tpu.memory_space<smem>>
    %slice3A_291 = vector.extract_strided_slice %get3A_250 {offsets = [8], sizes = [1], strides = [1]} : vector<16xi32> to vector<1xi32>
    %squeeze3A_292 = vector.extract %slice3A_291[0] : i32 from vector<1xi32>
    %swap3A_293 = arith.constant 56 : i32
    %swap3A_294 = arith.index_cast %swap3A_293 : i32 to index
    %swap3A_295 = memref.load %arg8[%swap3A_294] : memref<128xi32, #tpu.memory_space<smem>>
    memref.store %squeeze3A_292, %arg8[%swap3A_294] : memref<128xi32, #tpu.memory_space<smem>>
    %slice3A_296 = vector.extract_strided_slice %get3A_250 {offsets = [9], sizes = [1], strides = [1]} : vector<16xi32> to vector<1xi32>
    %squeeze3A_297 = vector.extract %slice3A_296[0] : i32 from vector<1xi32>
    %swap3A_298 = arith.constant 57 : i32
    %swap3A_299 = arith.index_cast %swap3A_298 : i32 to index
    %swap3A_300 = memref.load %arg8[%swap3A_299] : memref<128xi32, #tpu.memory_space<smem>>
    memref.store %squeeze3A_297, %arg8[%swap3A_299] : memref<128xi32, #tpu.memory_space<smem>>
    %slice3A_301 = vector.extract_strided_slice %get3A_250 {offsets = [10], sizes = [1], strides = [1]} : vector<16xi32> to vector<1xi32>
    %squeeze3A_302 = vector.extract %slice3A_301[0] : i32 from vector<1xi32>
    %swap3A_303 = arith.constant 58 : i32
    %swap3A_304 = arith.index_cast %swap3A_303 : i32 to index
    %swap3A_305 = memref.load %arg8[%swap3A_304] : memref<128xi32, #tpu.memory_space<smem>>
    memref.store %squeeze3A_302, %arg8[%swap3A_304] : memref<128xi32, #tpu.memory_space<smem>>
    %slice3A_306 = vector.extract_strided_slice %get3A_250 {offsets = [11], sizes = [1], strides = [1]} : vector<16xi32> to vector<1xi32>
    %squeeze3A_307 = vector.extract %slice3A_306[0] : i32 from vector<1xi32>
    %swap3A_308 = arith.constant 59 : i32
    %swap3A_309 = arith.index_cast %swap3A_308 : i32 to index
    %swap3A_310 = memref.load %arg8[%swap3A_309] : memref<128xi32, #tpu.memory_space<smem>>
    memref.store %squeeze3A_307, %arg8[%swap3A_309] : memref<128xi32, #tpu.memory_space<smem>>
    %slice3A_311 = vector.extract_strided_slice %get3A_250 {offsets = [12], sizes = [1], strides = [1]} : vector<16xi32> to vector<1xi32>
    %squeeze3A_312 = vector.extract %slice3A_311[0] : i32 from vector<1xi32>
    %swap3A_313 = arith.constant 60 : i32
    %swap3A_314 = arith.index_cast %swap3A_313 : i32 to index
    %swap3A_315 = memref.load %arg8[%swap3A_314] : memref<128xi32, #tpu.memory_space<smem>>
    memref.store %squeeze3A_312, %arg8[%swap3A_314] : memref<128xi32, #tpu.memory_space<smem>>
    %slice3A_316 = vector.extract_strided_slice %get3A_250 {offsets = [13], sizes = [1], strides = [1]} : vector<16xi32> to vector<1xi32>
    %squeeze3A_317 = vector.extract %slice3A_316[0] : i32 from vector<1xi32>
    %swap3A_318 = arith.constant 61 : i32
    %swap3A_319 = arith.index_cast %swap3A_318 : i32 to index
    %swap3A_320 = memref.load %arg8[%swap3A_319] : memref<128xi32, #tpu.memory_space<smem>>
    memref.store %squeeze3A_317, %arg8[%swap3A_319] : memref<128xi32, #tpu.memory_space<smem>>
    %slice3A_321 = vector.extract_strided_slice %get3A_250 {offsets = [14], sizes = [1], strides = [1]} : vector<16xi32> to vector<1xi32>
    %squeeze3A_322 = vector.extract %slice3A_321[0] : i32 from vector<1xi32>
    %swap3A_323 = arith.constant 62 : i32
    %swap3A_324 = arith.index_cast %swap3A_323 : i32 to index
    %swap3A_325 = memref.load %arg8[%swap3A_324] : memref<128xi32, #tpu.memory_space<smem>>
    memref.store %squeeze3A_322, %arg8[%swap3A_324] : memref<128xi32, #tpu.memory_space<smem>>
    %slice3A_326 = vector.extract_strided_slice %get3A_250 {offsets = [15], sizes = [1], strides = [1]} : vector<16xi32> to vector<1xi32>
    %squeeze3A_327 = vector.extract %slice3A_326[0] : i32 from vector<1xi32>
    %swap3A_328 = arith.constant 63 : i32
    %swap3A_329 = arith.index_cast %swap3A_328 : i32 to index
    %swap3A_330 = memref.load %arg8[%swap3A_329] : memref<128xi32, #tpu.memory_space<smem>>
    memref.store %squeeze3A_327, %arg8[%swap3A_329] : memref<128xi32, #tpu.memory_space<smem>>
    %get3A_331 = arith.constant 64 : index
    %get3A_332 = tpu.vector_load %arg5[%get3A_331] {strides = array<i32>} : memref<128xi32, #tpu.memory_space<vmem>>, vector<16xi32>,
    %get3A_333 = vector.shape_cast %get3A_332 : vector<16xi32> to vector<16xi32>
    %slice3A_334 = vector.extract_strided_slice %get3A_333 {offsets = [0], sizes = [1], strides = [1]} : vector<16xi32> to vector<1xi32>
    %squeeze3A_335 = vector.extract %slice3A_334[0] : i32 from vector<1xi32>
    %swap3A_336 = arith.constant 64 : i32
    %swap3A_337 = arith.index_cast %swap3A_336 : i32 to index
    %swap3A_338 = memref.load %arg8[%swap3A_337] : memref<128xi32, #tpu.memory_space<smem>>
    memref.store %squeeze3A_335, %arg8[%swap3A_337] : memref<128xi32, #tpu.memory_space<smem>>
    %slice3A_339 = vector.extract_strided_slice %get3A_333 {offsets = [1], sizes = [1], strides = [1]} : vector<16xi32> to vector<1xi32>
    %squeeze3A_340 = vector.extract %slice3A_339[0] : i32 from vector<1xi32>
    %swap3A_341 = arith.constant 65 : i32
    %swap3A_342 = arith.index_cast %swap3A_341 : i32 to index
    %swap3A_343 = memref.load %arg8[%swap3A_342] : memref<128xi32, #tpu.memory_space<smem>>
    memref.store %squeeze3A_340, %arg8[%swap3A_342] : memref<128xi32, #tpu.memory_space<smem>>
    %slice3A_344 = vector.extract_strided_slice %get3A_333 {offsets = [2], sizes = [1], strides = [1]} : vector<16xi32> to vector<1xi32>
    %squeeze3A_345 = vector.extract %slice3A_344[0] : i32 from vector<1xi32>
    %swap3A_346 = arith.constant 66 : i32
    %swap3A_347 = arith.index_cast %swap3A_346 : i32 to index
    %swap3A_348 = memref.load %arg8[%swap3A_347] : memref<128xi32, #tpu.memory_space<smem>>
    memref.store %squeeze3A_345, %arg8[%swap3A_347] : memref<128xi32, #tpu.memory_space<smem>>
    %slice3A_349 = vector.extract_strided_slice %get3A_333 {offsets = [3], sizes = [1], strides = [1]} : vector<16xi32> to vector<1xi32>
    %squeeze3A_350 = vector.extract %slice3A_349[0] : i32 from vector<1xi32>
    %swap3A_351 = arith.constant 67 : i32
    %swap3A_352 = arith.index_cast %swap3A_351 : i32 to index
    %swap3A_353 = memref.load %arg8[%swap3A_352] : memref<128xi32, #tpu.memory_space<smem>>
    memref.store %squeeze3A_350, %arg8[%swap3A_352] : memref<128xi32, #tpu.memory_space<smem>>
    %slice3A_354 = vector.extract_strided_slice %get3A_333 {offsets = [4], sizes = [1], strides = [1]} : vector<16xi32> to vector<1xi32>
    %squeeze3A_355 = vector.extract %slice3A_354[0] : i32 from vector<1xi32>
    %swap3A_356 = arith.constant 68 : i32
    %swap3A_357 = arith.index_cast %swap3A_356 : i32 to index
    %swap3A_358 = memref.load %arg8[%swap3A_357] : memref<128xi32, #tpu.memory_space<smem>>
    memref.store %squeeze3A_355, %arg8[%swap3A_357] : memref<128xi32, #tpu.memory_space<smem>>
    %slice3A_359 = vector.extract_strided_slice %get3A_333 {offsets = [5], sizes = [1], strides = [1]} : vector<16xi32> to vector<1xi32>
    %squeeze3A_360 = vector.extract %slice3A_359[0] : i32 from vector<1xi32>
    %swap3A_361 = arith.constant 69 : i32
    %swap3A_362 = arith.index_cast %swap3A_361 : i32 to index
    %swap3A_363 = memref.load %arg8[%swap3A_362] : memref<128xi32, #tpu.memory_space<smem>>
    memref.store %squeeze3A_360, %arg8[%swap3A_362] : memref<128xi32, #tpu.memory_space<smem>>
    %slice3A_364 = vector.extract_strided_slice %get3A_333 {offsets = [6], sizes = [1], strides = [1]} : vector<16xi32> to vector<1xi32>
    %squeeze3A_365 = vector.extract %slice3A_364[0] : i32 from vector<1xi32>
    %swap3A_366 = arith.constant 70 : i32
    %swap3A_367 = arith.index_cast %swap3A_366 : i32 to index
    %swap3A_368 = memref.load %arg8[%swap3A_367] : memref<128xi32, #tpu.memory_space<smem>>
    memref.store %squeeze3A_365, %arg8[%swap3A_367] : memref<128xi32, #tpu.memory_space<smem>>
    %slice3A_369 = vector.extract_strided_slice %get3A_333 {offsets = [7], sizes = [1], strides = [1]} : vector<16xi32> to vector<1xi32>
    %squeeze3A_370 = vector.extract %slice3A_369[0] : i32 from vector<1xi32>
    %swap3A_371 = arith.constant 71 : i32
    %swap3A_372 = arith.index_cast %swap3A_371 : i32 to index
    %swap3A_373 = memref.load %arg8[%swap3A_372] : memref<128xi32, #tpu.memory_space<smem>>
    memref.store %squeeze3A_370, %arg8[%swap3A_372] : memref<128xi32, #tpu.memory_space<smem>>
    %slice3A_374 = vector.extract_strided_slice %get3A_333 {offsets = [8], sizes = [1], strides = [1]} : vector<16xi32> to vector<1xi32>
    %squeeze3A_375 = vector.extract %slice3A_374[0] : i32 from vector<1xi32>
    %swap3A_376 = arith.constant 72 : i32
    %swap3A_377 = arith.index_cast %swap3A_376 : i32 to index
    %swap3A_378 = memref.load %arg8[%swap3A_377] : memref<128xi32, #tpu.memory_space<smem>>
    memref.store %squeeze3A_375, %arg8[%swap3A_377] : memref<128xi32, #tpu.memory_space<smem>>
    %slice3A_379 = vector.extract_strided_slice %get3A_333 {offsets = [9], sizes = [1], strides = [1]} : vector<16xi32> to vector<1xi32>
    %squeeze3A_380 = vector.extract %slice3A_379[0] : i32 from vector<1xi32>
    %swap3A_381 = arith.constant 73 : i32
    %swap3A_382 = arith.index_cast %swap3A_381 : i32 to index
    %swap3A_383 = memref.load %arg8[%swap3A_382] : memref<128xi32, #tpu.memory_space<smem>>
    memref.store %squeeze3A_380, %arg8[%swap3A_382] : memref<128xi32, #tpu.memory_space<smem>>
    %slice3A_384 = vector.extract_strided_slice %get3A_333 {offsets = [10], sizes = [1], strides = [1]} : vector<16xi32> to vector<1xi32>
    %squeeze3A_385 = vector.extract %slice3A_384[0] : i32 from vector<1xi32>
    %swap3A_386 = arith.constant 74 : i32
    %swap3A_387 = arith.index_cast %swap3A_386 : i32 to index
    %swap3A_388 = memref.load %arg8[%swap3A_387] : memref<128xi32, #tpu.memory_space<smem>>
    memref.store %squeeze3A_385, %arg8[%swap3A_387] : memref<128xi32, #tpu.memory_space<smem>>
    %slice3A_389 = vector.extract_strided_slice %get3A_333 {offsets = [11], sizes = [1], strides = [1]} : vector<16xi32> to vector<1xi32>
    %squeeze3A_390 = vector.extract %slice3A_389[0] : i32 from vector<1xi32>
    %swap3A_391 = arith.constant 75 : i32
    %swap3A_392 = arith.index_cast %swap3A_391 : i32 to index
    %swap3A_393 = memref.load %arg8[%swap3A_392] : memref<128xi32, #tpu.memory_space<smem>>
    memref.store %squeeze3A_390, %arg8[%swap3A_392] : memref<128xi32, #tpu.memory_space<smem>>
    %slice3A_394 = vector.extract_strided_slice %get3A_333 {offsets = [12], sizes = [1], strides = [1]} : vector<16xi32> to vector<1xi32>
    %squeeze3A_395 = vector.extract %slice3A_394[0] : i32 from vector<1xi32>
    %swap3A_396 = arith.constant 76 : i32
    %swap3A_397 = arith.index_cast %swap3A_396 : i32 to index
    %swap3A_398 = memref.load %arg8[%swap3A_397] : memref<128xi32, #tpu.memory_space<smem>>
    memref.store %squeeze3A_395, %arg8[%swap3A_397] : memref<128xi32, #tpu.memory_space<smem>>
    %slice3A_399 = vector.extract_strided_slice %get3A_333 {offsets = [13], sizes = [1], strides = [1]} : vector<16xi32> to vector<1xi32>
    %squeeze3A_400 = vector.extract %slice3A_399[0] : i32 from vector<1xi32>
    %swap3A_401 = arith.constant 77 : i32
    %swap3A_402 = arith.index_cast %swap3A_401 : i32 to index
    %swap3A_403 = memref.load %arg8[%swap3A_402] : memref<128xi32, #tpu.memory_space<smem>>
    memref.store %squeeze3A_400, %arg8[%swap3A_402] : memref<128xi32, #tpu.memory_space<smem>>
    %slice3A_404 = vector.extract_strided_slice %get3A_333 {offsets = [14], sizes = [1], strides = [1]} : vector<16xi32> to vector<1xi32>
    %squeeze3A_405 = vector.extract %slice3A_404[0] : i32 from vector<1xi32>
    %swap3A_406 = arith.constant 78 : i32
    %swap3A_407 = arith.index_cast %swap3A_406 : i32 to index
    %swap3A_408 = memref.load %arg8[%swap3A_407] : memref<128xi32, #tpu.memory_space<smem>>
    memref.store %squeeze3A_405, %arg8[%swap3A_407] : memref<128xi32, #tpu.memory_space<smem>>
    %slice3A_409 = vector.extract_strided_slice %get3A_333 {offsets = [15], sizes = [1], strides = [1]} : vector<16xi32> to vector<1xi32>
    %squeeze3A_410 = vector.extract %slice3A_409[0] : i32 from vector<1xi32>
    %swap3A_411 = arith.constant 79 : i32
    %swap3A_412 = arith.index_cast %swap3A_411 : i32 to index
    %swap3A_413 = memref.load %arg8[%swap3A_412] : memref<128xi32, #tpu.memory_space<smem>>
    memref.store %squeeze3A_410, %arg8[%swap3A_412] : memref<128xi32, #tpu.memory_space<smem>>
    %get3A_414 = arith.constant 80 : index
    %get3A_415 = tpu.vector_load %arg5[%get3A_414] {strides = array<i32>} : memref<128xi32, #tpu.memory_space<vmem>>, vector<16xi32>,
    %get3A_416 = vector.shape_cast %get3A_415 : vector<16xi32> to vector<16xi32>
    %slice3A_417 = vector.extract_strided_slice %get3A_416 {offsets = [0], sizes = [1], strides = [1]} : vector<16xi32> to vector<1xi32>
    %squeeze3A_418 = vector.extract %slice3A_417[0] : i32 from vector<1xi32>
    %swap3A_419 = arith.constant 80 : i32
    %swap3A_420 = arith.index_cast %swap3A_419 : i32 to index
    %swap3A_421 = memref.load %arg8[%swap3A_420] : memref<128xi32, #tpu.memory_space<smem>>
    memref.store %squeeze3A_418, %arg8[%swap3A_420] : memref<128xi32, #tpu.memory_space<smem>>
    %slice3A_422 = vector.extract_strided_slice %get3A_416 {offsets = [1], sizes = [1], strides = [1]} : vector<16xi32> to vector<1xi32>
    %squeeze3A_423 = vector.extract %slice3A_422[0] : i32 from vector<1xi32>
    %swap3A_424 = arith.constant 81 : i32
    %swap3A_425 = arith.index_cast %swap3A_424 : i32 to index
    %swap3A_426 = memref.load %arg8[%swap3A_425] : memref<128xi32, #tpu.memory_space<smem>>
    memref.store %squeeze3A_423, %arg8[%swap3A_425] : memref<128xi32, #tpu.memory_space<smem>>
    %slice3A_427 = vector.extract_strided_slice %get3A_416 {offsets = [2], sizes = [1], strides = [1]} : vector<16xi32> to vector<1xi32>
    %squeeze3A_428 = vector.extract %slice3A_427[0] : i32 from vector<1xi32>
    %swap3A_429 = arith.constant 82 : i32
    %swap3A_430 = arith.index_cast %swap3A_429 : i32 to index
    %swap3A_431 = memref.load %arg8[%swap3A_430] : memref<128xi32, #tpu.memory_space<smem>>
    memref.store %squeeze3A_428, %arg8[%swap3A_430] : memref<128xi32, #tpu.memory_space<smem>>
    %slice3A_432 = vector.extract_strided_slice %get3A_416 {offsets = [3], sizes = [1], strides = [1]} : vector<16xi32> to vector<1xi32>
    %squeeze3A_433 = vector.extract %slice3A_432[0] : i32 from vector<1xi32>
    %swap3A_434 = arith.constant 83 : i32
    %swap3A_435 = arith.index_cast %swap3A_434 : i32 to index
    %swap3A_436 = memref.load %arg8[%swap3A_435] : memref<128xi32, #tpu.memory_space<smem>>
    memref.store %squeeze3A_433, %arg8[%swap3A_435] : memref<128xi32, #tpu.memory_space<smem>>
    %slice3A_437 = vector.extract_strided_slice %get3A_416 {offsets = [4], sizes = [1], strides = [1]} : vector<16xi32> to vector<1xi32>
    %squeeze3A_438 = vector.extract %slice3A_437[0] : i32 from vector<1xi32>
    %swap3A_439 = arith.constant 84 : i32
    %swap3A_440 = arith.index_cast %swap3A_439 : i32 to index
    %swap3A_441 = memref.load %arg8[%swap3A_440] : memref<128xi32, #tpu.memory_space<smem>>
    memref.store %squeeze3A_438, %arg8[%swap3A_440] : memref<128xi32, #tpu.memory_space<smem>>
    %slice3A_442 = vector.extract_strided_slice %get3A_416 {offsets = [5], sizes = [1], strides = [1]} : vector<16xi32> to vector<1xi32>
    %squeeze3A_443 = vector.extract %slice3A_442[0] : i32 from vector<1xi32>
    %swap3A_444 = arith.constant 85 : i32
    %swap3A_445 = arith.index_cast %swap3A_444 : i32 to index
    %swap3A_446 = memref.load %arg8[%swap3A_445] : memref<128xi32, #tpu.memory_space<smem>>
    memref.store %squeeze3A_443, %arg8[%swap3A_445] : memref<128xi32, #tpu.memory_space<smem>>
    %slice3A_447 = vector.extract_strided_slice %get3A_416 {offsets = [6], sizes = [1], strides = [1]} : vector<16xi32> to vector<1xi32>
    %squeeze3A_448 = vector.extract %slice3A_447[0] : i32 from vector<1xi32>
    %swap3A_449 = arith.constant 86 : i32
    %swap3A_450 = arith.index_cast %swap3A_449 : i32 to index
    %swap3A_451 = memref.load %arg8[%swap3A_450] : memref<128xi32, #tpu.memory_space<smem>>
    memref.store %squeeze3A_448, %arg8[%swap3A_450] : memref<128xi32, #tpu.memory_space<smem>>
    %slice3A_452 = vector.extract_strided_slice %get3A_416 {offsets = [7], sizes = [1], strides = [1]} : vector<16xi32> to vector<1xi32>
    %squeeze3A_453 = vector.extract %slice3A_452[0] : i32 from vector<1xi32>
    %swap3A_454 = arith.constant 87 : i32
    %swap3A_455 = arith.index_cast %swap3A_454 : i32 to index
    %swap3A_456 = memref.load %arg8[%swap3A_455] : memref<128xi32, #tpu.memory_space<smem>>
    memref.store %squeeze3A_453, %arg8[%swap3A_455] : memref<128xi32, #tpu.memory_space<smem>>
    %slice3A_457 = vector.extract_strided_slice %get3A_416 {offsets = [8], sizes = [1], strides = [1]} : vector<16xi32> to vector<1xi32>
    %squeeze3A_458 = vector.extract %slice3A_457[0] : i32 from vector<1xi32>
    %swap3A_459 = arith.constant 88 : i32
    %swap3A_460 = arith.index_cast %swap3A_459 : i32 to index
    %swap3A_461 = memref.load %arg8[%swap3A_460] : memref<128xi32, #tpu.memory_space<smem>>
    memref.store %squeeze3A_458, %arg8[%swap3A_460] : memref<128xi32, #tpu.memory_space<smem>>
    %slice3A_462 = vector.extract_strided_slice %get3A_416 {offsets = [9], sizes = [1], strides = [1]} : vector<16xi32> to vector<1xi32>
    %squeeze3A_463 = vector.extract %slice3A_462[0] : i32 from vector<1xi32>
    %swap3A_464 = arith.constant 89 : i32
    %swap3A_465 = arith.index_cast %swap3A_464 : i32 to index
    %swap3A_466 = memref.load %arg8[%swap3A_465] : memref<128xi32, #tpu.memory_space<smem>>
    memref.store %squeeze3A_463, %arg8[%swap3A_465] : memref<128xi32, #tpu.memory_space<smem>>
    %slice3A_467 = vector.extract_strided_slice %get3A_416 {offsets = [10], sizes = [1], strides = [1]} : vector<16xi32> to vector<1xi32>
    %squeeze3A_468 = vector.extract %slice3A_467[0] : i32 from vector<1xi32>
    %swap3A_469 = arith.constant 90 : i32
    %swap3A_470 = arith.index_cast %swap3A_469 : i32 to index
    %swap3A_471 = memref.load %arg8[%swap3A_470] : memref<128xi32, #tpu.memory_space<smem>>
    memref.store %squeeze3A_468, %arg8[%swap3A_470] : memref<128xi32, #tpu.memory_space<smem>>
    %slice3A_472 = vector.extract_strided_slice %get3A_416 {offsets = [11], sizes = [1], strides = [1]} : vector<16xi32> to vector<1xi32>
    %squeeze3A_473 = vector.extract %slice3A_472[0] : i32 from vector<1xi32>
    %swap3A_474 = arith.constant 91 : i32
    %swap3A_475 = arith.index_cast %swap3A_474 : i32 to index
    %swap3A_476 = memref.load %arg8[%swap3A_475] : memref<128xi32, #tpu.memory_space<smem>>
    memref.store %squeeze3A_473, %arg8[%swap3A_475] : memref<128xi32, #tpu.memory_space<smem>>
    %slice3A_477 = vector.extract_strided_slice %get3A_416 {offsets = [12], sizes = [1], strides = [1]} : vector<16xi32> to vector<1xi32>
    %squeeze3A_478 = vector.extract %slice3A_477[0] : i32 from vector<1xi32>
    %swap3A_479 = arith.constant 92 : i32
    %swap3A_480 = arith.index_cast %swap3A_479 : i32 to index
    %swap3A_481 = memref.load %arg8[%swap3A_480] : memref<128xi32, #tpu.memory_space<smem>>
    memref.store %squeeze3A_478, %arg8[%swap3A_480] : memref<128xi32, #tpu.memory_space<smem>>
    %slice3A_482 = vector.extract_strided_slice %get3A_416 {offsets = [13], sizes = [1], strides = [1]} : vector<16xi32> to vector<1xi32>
    %squeeze3A_483 = vector.extract %slice3A_482[0] : i32 from vector<1xi32>
    %swap3A_484 = arith.constant 93 : i32
    %swap3A_485 = arith.index_cast %swap3A_484 : i32 to index
    %swap3A_486 = memref.load %arg8[%swap3A_485] : memref<128xi32, #tpu.memory_space<smem>>
    memref.store %squeeze3A_483, %arg8[%swap3A_485] : memref<128xi32, #tpu.memory_space<smem>>
    %slice3A_487 = vector.extract_strided_slice %get3A_416 {offsets = [14], sizes = [1], strides = [1]} : vector<16xi32> to vector<1xi32>
    %squeeze3A_488 = vector.extract %slice3A_487[0] : i32 from vector<1xi32>
    %swap3A_489 = arith.constant 94 : i32
    %swap3A_490 = arith.index_cast %swap3A_489 : i32 to index
    %swap3A_491 = memref.load %arg8[%swap3A_490] : memref<128xi32, #tpu.memory_space<smem>>
    memref.store %squeeze3A_488, %arg8[%swap3A_490] : memref<128xi32, #tpu.memory_space<smem>>
    %slice3A_492 = vector.extract_strided_slice %get3A_416 {offsets = [15], sizes = [1], strides = [1]} : vector<16xi32> to vector<1xi32>
    %squeeze3A_493 = vector.extract %slice3A_492[0] : i32 from vector<1xi32>
    %swap3A_494 = arith.constant 95 : i32
    %swap3A_495 = arith.index_cast %swap3A_494 : i32 to index
    %swap3A_496 = memref.load %arg8[%swap3A_495] : memref<128xi32, #tpu.memory_space<smem>>
    memref.store %squeeze3A_493, %arg8[%swap3A_495] : memref<128xi32, #tpu.memory_space<smem>>
    %get3A_497 = arith.constant 96 : index
    %get3A_498 = tpu.vector_load %arg5[%get3A_497] {strides = array<i32>} : memref<128xi32, #tpu.memory_space<vmem>>, vector<16xi32>,
    %get3A_499 = vector.shape_cast %get3A_498 : vector<16xi32> to vector<16xi32>
    %slice3A_500 = vector.extract_strided_slice %get3A_499 {offsets = [0], sizes = [1], strides = [1]} : vector<16xi32> to vector<1xi32>
    %squeeze3A_501 = vector.extract %slice3A_500[0] : i32 from vector<1xi32>
    %swap3A_502 = arith.constant 96 : i32
    %swap3A_503 = arith.index_cast %swap3A_502 : i32 to index
    %swap3A_504 = memref.load %arg8[%swap3A_503] : memref<128xi32, #tpu.memory_space<smem>>
    memref.store %squeeze3A_501, %arg8[%swap3A_503] : memref<128xi32, #tpu.memory_space<smem>>
    %slice3A_505 = vector.extract_strided_slice %get3A_499 {offsets = [1], sizes = [1], strides = [1]} : vector<16xi32> to vector<1xi32>
    %squeeze3A_506 = vector.extract %slice3A_505[0] : i32 from vector<1xi32>
    %swap3A_507 = arith.constant 97 : i32
    %swap3A_508 = arith.index_cast %swap3A_507 : i32 to index
    %swap3A_509 = memref.load %arg8[%swap3A_508] : memref<128xi32, #tpu.memory_space<smem>>
    memref.store %squeeze3A_506, %arg8[%swap3A_508] : memref<128xi32, #tpu.memory_space<smem>>
    %slice3A_510 = vector.extract_strided_slice %get3A_499 {offsets = [2], sizes = [1], strides = [1]} : vector<16xi32> to vector<1xi32>
    %squeeze3A_511 = vector.extract %slice3A_510[0] : i32 from vector<1xi32>
    %swap3A_512 = arith.constant 98 : i32
    %swap3A_513 = arith.index_cast %swap3A_512 : i32 to index
    %swap3A_514 = memref.load %arg8[%swap3A_513] : memref<128xi32, #tpu.memory_space<smem>>
    memref.store %squeeze3A_511, %arg8[%swap3A_513] : memref<128xi32, #tpu.memory_space<smem>>
    %slice3A_515 = vector.extract_strided_slice %get3A_499 {offsets = [3], sizes = [1], strides = [1]} : vector<16xi32> to vector<1xi32>
    %squeeze3A_516 = vector.extract %slice3A_515[0] : i32 from vector<1xi32>
    %swap3A_517 = arith.constant 99 : i32
    %swap3A_518 = arith.index_cast %swap3A_517 : i32 to index
    %swap3A_519 = memref.load %arg8[%swap3A_518] : memref<128xi32, #tpu.memory_space<smem>>
    memref.store %squeeze3A_516, %arg8[%swap3A_518] : memref<128xi32, #tpu.memory_space<smem>>
    %slice3A_520 = vector.extract_strided_slice %get3A_499 {offsets = [4], sizes = [1], strides = [1]} : vector<16xi32> to vector<1xi32>
    %squeeze3A_521 = vector.extract %slice3A_520[0] : i32 from vector<1xi32>
    %swap3A_522 = arith.constant 100 : i32
    %swap3A_523 = arith.index_cast %swap3A_522 : i32 to index
    %swap3A_524 = memref.load %arg8[%swap3A_523] : memref<128xi32, #tpu.memory_space<smem>>
    memref.store %squeeze3A_521, %arg8[%swap3A_523] : memref<128xi32, #tpu.memory_space<smem>>
    %slice3A_525 = vector.extract_strided_slice %get3A_499 {offsets = [5], sizes = [1], strides = [1]} : vector<16xi32> to vector<1xi32>
    %squeeze3A_526 = vector.extract %slice3A_525[0] : i32 from vector<1xi32>
    %swap3A_527 = arith.constant 101 : i32
    %swap3A_528 = arith.index_cast %swap3A_527 : i32 to index
    %swap3A_529 = memref.load %arg8[%swap3A_528] : memref<128xi32, #tpu.memory_space<smem>>
    memref.store %squeeze3A_526, %arg8[%swap3A_528] : memref<128xi32, #tpu.memory_space<smem>>
    %slice3A_530 = vector.extract_strided_slice %get3A_499 {offsets = [6], sizes = [1], strides = [1]} : vector<16xi32> to vector<1xi32>
    %squeeze3A_531 = vector.extract %slice3A_530[0] : i32 from vector<1xi32>
    %swap3A_532 = arith.constant 102 : i32
    %swap3A_533 = arith.index_cast %swap3A_532 : i32 to index
    %swap3A_534 = memref.load %arg8[%swap3A_533] : memref<128xi32, #tpu.memory_space<smem>>
    memref.store %squeeze3A_531, %arg8[%swap3A_533] : memref<128xi32, #tpu.memory_space<smem>>
    %slice3A_535 = vector.extract_strided_slice %get3A_499 {offsets = [7], sizes = [1], strides = [1]} : vector<16xi32> to vector<1xi32>
    %squeeze3A_536 = vector.extract %slice3A_535[0] : i32 from vector<1xi32>
    %swap3A_537 = arith.constant 103 : i32
    %swap3A_538 = arith.index_cast %swap3A_537 : i32 to index
    %swap3A_539 = memref.load %arg8[%swap3A_538] : memref<128xi32, #tpu.memory_space<smem>>
    memref.store %squeeze3A_536, %arg8[%swap3A_538] : memref<128xi32, #tpu.memory_space<smem>>
    %slice3A_540 = vector.extract_strided_slice %get3A_499 {offsets = [8], sizes = [1], strides = [1]} : vector<16xi32> to vector<1xi32>
    %squeeze3A_541 = vector.extract %slice3A_540[0] : i32 from vector<1xi32>
    %swap3A_542 = arith.constant 104 : i32
    %swap3A_543 = arith.index_cast %swap3A_542 : i32 to index
    %swap3A_544 = memref.load %arg8[%swap3A_543] : memref<128xi32, #tpu.memory_space<smem>>
    memref.store %squeeze3A_541, %arg8[%swap3A_543] : memref<128xi32, #tpu.memory_space<smem>>
    %slice3A_545 = vector.extract_strided_slice %get3A_499 {offsets = [9], sizes = [1], strides = [1]} : vector<16xi32> to vector<1xi32>
    %squeeze3A_546 = vector.extract %slice3A_545[0] : i32 from vector<1xi32>
    %swap3A_547 = arith.constant 105 : i32
    %swap3A_548 = arith.index_cast %swap3A_547 : i32 to index
    %swap3A_549 = memref.load %arg8[%swap3A_548] : memref<128xi32, #tpu.memory_space<smem>>
    memref.store %squeeze3A_546, %arg8[%swap3A_548] : memref<128xi32, #tpu.memory_space<smem>>
    %slice3A_550 = vector.extract_strided_slice %get3A_499 {offsets = [10], sizes = [1], strides = [1]} : vector<16xi32> to vector<1xi32>
    %squeeze3A_551 = vector.extract %slice3A_550[0] : i32 from vector<1xi32>
    %swap3A_552 = arith.constant 106 : i32
    %swap3A_553 = arith.index_cast %swap3A_552 : i32 to index
    %swap3A_554 = memref.load %arg8[%swap3A_553] : memref<128xi32, #tpu.memory_space<smem>>
    memref.store %squeeze3A_551, %arg8[%swap3A_553] : memref<128xi32, #tpu.memory_space<smem>>
    %slice3A_555 = vector.extract_strided_slice %get3A_499 {offsets = [11], sizes = [1], strides = [1]} : vector<16xi32> to vector<1xi32>
    %squeeze3A_556 = vector.extract %slice3A_555[0] : i32 from vector<1xi32>
    %swap3A_557 = arith.constant 107 : i32
    %swap3A_558 = arith.index_cast %swap3A_557 : i32 to index
    %swap3A_559 = memref.load %arg8[%swap3A_558] : memref<128xi32, #tpu.memory_space<smem>>
    memref.store %squeeze3A_556, %arg8[%swap3A_558] : memref<128xi32, #tpu.memory_space<smem>>
    %slice3A_560 = vector.extract_strided_slice %get3A_499 {offsets = [12], sizes = [1], strides = [1]} : vector<16xi32> to vector<1xi32>
    %squeeze3A_561 = vector.extract %slice3A_560[0] : i32 from vector<1xi32>
    %swap3A_562 = arith.constant 108 : i32
    %swap3A_563 = arith.index_cast %swap3A_562 : i32 to index
    %swap3A_564 = memref.load %arg8[%swap3A_563] : memref<128xi32, #tpu.memory_space<smem>>
    memref.store %squeeze3A_561, %arg8[%swap3A_563] : memref<128xi32, #tpu.memory_space<smem>>
    %slice3A_565 = vector.extract_strided_slice %get3A_499 {offsets = [13], sizes = [1], strides = [1]} : vector<16xi32> to vector<1xi32>
    %squeeze3A_566 = vector.extract %slice3A_565[0] : i32 from vector<1xi32>
    %swap3A_567 = arith.constant 109 : i32
    %swap3A_568 = arith.index_cast %swap3A_567 : i32 to index
    %swap3A_569 = memref.load %arg8[%swap3A_568] : memref<128xi32, #tpu.memory_space<smem>>
    memref.store %squeeze3A_566, %arg8[%swap3A_568] : memref<128xi32, #tpu.memory_space<smem>>
    %slice3A_570 = vector.extract_strided_slice %get3A_499 {offsets = [14], sizes = [1], strides = [1]} : vector<16xi32> to vector<1xi32>
    %squeeze3A_571 = vector.extract %slice3A_570[0] : i32 from vector<1xi32>
    %swap3A_572 = arith.constant 110 : i32
    %swap3A_573 = arith.index_cast %swap3A_572 : i32 to index
    %swap3A_574 = memref.load %arg8[%swap3A_573] : memref<128xi32, #tpu.memory_space<smem>>
    memref.store %squeeze3A_571, %arg8[%swap3A_573] : memref<128xi32, #tpu.memory_space<smem>>
    %slice3A_575 = vector.extract_strided_slice %get3A_499 {offsets = [15], sizes = [1], strides = [1]} : vector<16xi32> to vector<1xi32>
    %squeeze3A_576 = vector.extract %slice3A_575[0] : i32 from vector<1xi32>
    %swap3A_577 = arith.constant 111 : i32
    %swap3A_578 = arith.index_cast %swap3A_577 : i32 to index
    %swap3A_579 = memref.load %arg8[%swap3A_578] : memref<128xi32, #tpu.memory_space<smem>>
    memref.store %squeeze3A_576, %arg8[%swap3A_578] : memref<128xi32, #tpu.memory_space<smem>>
    %get3A_580 = arith.constant 112 : index
    %get3A_581 = tpu.vector_load %arg5[%get3A_580] {strides = array<i32>} : memref<128xi32, #tpu.memory_space<vmem>>, vector<16xi32>,
    %get3A_582 = vector.shape_cast %get3A_581 : vector<16xi32> to vector<16xi32>
    %slice3A_583 = vector.extract_strided_slice %get3A_582 {offsets = [0], sizes = [1], strides = [1]} : vector<16xi32> to vector<1xi32>
    %squeeze3A_584 = vector.extract %slice3A_583[0] : i32 from vector<1xi32>
    %swap3A_585 = arith.constant 112 : i32
    %swap3A_586 = arith.index_cast %swap3A_585 : i32 to index
    %swap3A_587 = memref.load %arg8[%swap3A_586] : memref<128xi32, #tpu.memory_space<smem>>
    memref.store %squeeze3A_584, %arg8[%swap3A_586] : memref<128xi32, #tpu.memory_space<smem>>
    %slice3A_588 = vector.extract_strided_slice %get3A_582 {offsets = [1], sizes = [1], strides = [1]} : vector<16xi32> to vector<1xi32>
    %squeeze3A_589 = vector.extract %slice3A_588[0] : i32 from vector<1xi32>
    %swap3A_590 = arith.constant 113 : i32
    %swap3A_591 = arith.index_cast %swap3A_590 : i32 to index
    %swap3A_592 = memref.load %arg8[%swap3A_591] : memref<128xi32, #tpu.memory_space<smem>>
    memref.store %squeeze3A_589, %arg8[%swap3A_591] : memref<128xi32, #tpu.memory_space<smem>>
    %slice3A_593 = vector.extract_strided_slice %get3A_582 {offsets = [2], sizes = [1], strides = [1]} : vector<16xi32> to vector<1xi32>
    %squeeze3A_594 = vector.extract %slice3A_593[0] : i32 from vector<1xi32>
    %swap3A_595 = arith.constant 114 : i32
    %swap3A_596 = arith.index_cast %swap3A_595 : i32 to index
    %swap3A_597 = memref.load %arg8[%swap3A_596] : memref<128xi32, #tpu.memory_space<smem>>
    memref.store %squeeze3A_594, %arg8[%swap3A_596] : memref<128xi32, #tpu.memory_space<smem>>
    %slice3A_598 = vector.extract_strided_slice %get3A_582 {offsets = [3], sizes = [1], strides = [1]} : vector<16xi32> to vector<1xi32>
    %squeeze3A_599 = vector.extract %slice3A_598[0] : i32 from vector<1xi32>
    %swap3A_600 = arith.constant 115 : i32
    %swap3A_601 = arith.index_cast %swap3A_600 : i32 to index
    %swap3A_602 = memref.load %arg8[%swap3A_601] : memref<128xi32, #tpu.memory_space<smem>>
    memref.store %squeeze3A_599, %arg8[%swap3A_601] : memref<128xi32, #tpu.memory_space<smem>>
    %slice3A_603 = vector.extract_strided_slice %get3A_582 {offsets = [4], sizes = [1], strides = [1]} : vector<16xi32> to vector<1xi32>
    %squeeze3A_604 = vector.extract %slice3A_603[0] : i32 from vector<1xi32>
    %swap3A_605 = arith.constant 116 : i32
    %swap3A_606 = arith.index_cast %swap3A_605 : i32 to index
    %swap3A_607 = memref.load %arg8[%swap3A_606] : memref<128xi32, #tpu.memory_space<smem>>
    memref.store %squeeze3A_604, %arg8[%swap3A_606] : memref<128xi32, #tpu.memory_space<smem>>
    %slice3A_608 = vector.extract_strided_slice %get3A_582 {offsets = [5], sizes = [1], strides = [1]} : vector<16xi32> to vector<1xi32>
    %squeeze3A_609 = vector.extract %slice3A_608[0] : i32 from vector<1xi32>
    %swap3A_610 = arith.constant 117 : i32
    %swap3A_611 = arith.index_cast %swap3A_610 : i32 to index
    %swap3A_612 = memref.load %arg8[%swap3A_611] : memref<128xi32, #tpu.memory_space<smem>>
    memref.store %squeeze3A_609, %arg8[%swap3A_611] : memref<128xi32, #tpu.memory_space<smem>>
    %slice3A_613 = vector.extract_strided_slice %get3A_582 {offsets = [6], sizes = [1], strides = [1]} : vector<16xi32> to vector<1xi32>
    %squeeze3A_614 = vector.extract %slice3A_613[0] : i32 from vector<1xi32>
    %swap3A_615 = arith.constant 118 : i32
    %swap3A_616 = arith.index_cast %swap3A_615 : i32 to index
    %swap3A_617 = memref.load %arg8[%swap3A_616] : memref<128xi32, #tpu.memory_space<smem>>
    memref.store %squeeze3A_614, %arg8[%swap3A_616] : memref<128xi32, #tpu.memory_space<smem>>
    %slice3A_618 = vector.extract_strided_slice %get3A_582 {offsets = [7], sizes = [1], strides = [1]} : vector<16xi32> to vector<1xi32>
    %squeeze3A_619 = vector.extract %slice3A_618[0] : i32 from vector<1xi32>
    %swap3A_620 = arith.constant 119 : i32
    %swap3A_621 = arith.index_cast %swap3A_620 : i32 to index
    %swap3A_622 = memref.load %arg8[%swap3A_621] : memref<128xi32, #tpu.memory_space<smem>>
    memref.store %squeeze3A_619, %arg8[%swap3A_621] : memref<128xi32, #tpu.memory_space<smem>>
    %slice3A_623 = vector.extract_strided_slice %get3A_582 {offsets = [8], sizes = [1], strides = [1]} : vector<16xi32> to vector<1xi32>
    %squeeze3A_624 = vector.extract %slice3A_623[0] : i32 from vector<1xi32>
    %swap3A_625 = arith.constant 120 : i32
    %swap3A_626 = arith.index_cast %swap3A_625 : i32 to index
    %swap3A_627 = memref.load %arg8[%swap3A_626] : memref<128xi32, #tpu.memory_space<smem>>
    memref.store %squeeze3A_624, %arg8[%swap3A_626] : memref<128xi32, #tpu.memory_space<smem>>
    %slice3A_628 = vector.extract_strided_slice %get3A_582 {offsets = [9], sizes = [1], strides = [1]} : vector<16xi32> to vector<1xi32>
    %squeeze3A_629 = vector.extract %slice3A_628[0] : i32 from vector<1xi32>
    %swap3A_630 = arith.constant 121 : i32
    %swap3A_631 = arith.index_cast %swap3A_630 : i32 to index
    %swap3A_632 = memref.load %arg8[%swap3A_631] : memref<128xi32, #tpu.memory_space<smem>>
    memref.store %squeeze3A_629, %arg8[%swap3A_631] : memref<128xi32, #tpu.memory_space<smem>>
    %slice3A_633 = vector.extract_strided_slice %get3A_582 {offsets = [10], sizes = [1], strides = [1]} : vector<16xi32> to vector<1xi32>
    %squeeze3A_634 = vector.extract %slice3A_633[0] : i32 from vector<1xi32>
    %swap3A_635 = arith.constant 122 : i32
    %swap3A_636 = arith.index_cast %swap3A_635 : i32 to index
    %swap3A_637 = memref.load %arg8[%swap3A_636] : memref<128xi32, #tpu.memory_space<smem>>
    memref.store %squeeze3A_634, %arg8[%swap3A_636] : memref<128xi32, #tpu.memory_space<smem>>
    %slice3A_638 = vector.extract_strided_slice %get3A_582 {offsets = [11], sizes = [1], strides = [1]} : vector<16xi32> to vector<1xi32>
    %squeeze3A_639 = vector.extract %slice3A_638[0] : i32 from vector<1xi32>
    %swap3A_640 = arith.constant 123 : i32
    %swap3A_641 = arith.index_cast %swap3A_640 : i32 to index
    %swap3A_642 = memref.load %arg8[%swap3A_641] : memref<128xi32, #tpu.memory_space<smem>>
    memref.store %squeeze3A_639, %arg8[%swap3A_641] : memref<128xi32, #tpu.memory_space<smem>>
    %slice3A_643 = vector.extract_strided_slice %get3A_582 {offsets = [12], sizes = [1], strides = [1]} : vector<16xi32> to vector<1xi32>
    %squeeze3A_644 = vector.extract %slice3A_643[0] : i32 from vector<1xi32>
    %swap3A_645 = arith.constant 124 : i32
    %swap3A_646 = arith.index_cast %swap3A_645 : i32 to index
    %swap3A_647 = memref.load %arg8[%swap3A_646] : memref<128xi32, #tpu.memory_space<smem>>
    memref.store %squeeze3A_644, %arg8[%swap3A_646] : memref<128xi32, #tpu.memory_space<smem>>
    %slice3A_648 = vector.extract_strided_slice %get3A_582 {offsets = [13], sizes = [1], strides = [1]} : vector<16xi32> to vector<1xi32>
    %squeeze3A_649 = vector.extract %slice3A_648[0] : i32 from vector<1xi32>
    %swap3A_650 = arith.constant 125 : i32
    %swap3A_651 = arith.index_cast %swap3A_650 : i32 to index
    %swap3A_652 = memref.load %arg8[%swap3A_651] : memref<128xi32, #tpu.memory_space<smem>>
    memref.store %squeeze3A_649, %arg8[%swap3A_651] : memref<128xi32, #tpu.memory_space<smem>>
    %slice3A_653 = vector.extract_strided_slice %get3A_582 {offsets = [14], sizes = [1], strides = [1]} : vector<16xi32> to vector<1xi32>
    %squeeze3A_654 = vector.extract %slice3A_653[0] : i32 from vector<1xi32>
    %swap3A_655 = arith.constant 126 : i32
    %swap3A_656 = arith.index_cast %swap3A_655 : i32 to index
    %swap3A_657 = memref.load %arg8[%swap3A_656] : memref<128xi32, #tpu.memory_space<smem>>
    memref.store %squeeze3A_654, %arg8[%swap3A_656] : memref<128xi32, #tpu.memory_space<smem>>
    %slice3A_658 = vector.extract_strided_slice %get3A_582 {offsets = [15], sizes = [1], strides = [1]} : vector<16xi32> to vector<1xi32>
    %squeeze3A_659 = vector.extract %slice3A_658[0] : i32 from vector<1xi32>
    %swap3A_660 = arith.constant 127 : i32
    %swap3A_661 = arith.index_cast %swap3A_660 : i32 to index
    %swap3A_662 = memref.load %arg8[%swap3A_661] : memref<128xi32, #tpu.memory_space<smem>>
    memref.store %squeeze3A_659, %arg8[%swap3A_661] : memref<128xi32, #tpu.memory_space<smem>>
    tpu.wait_dma2 semaphore(%arg9 : memref<!tpu.dma_semaphore, #tpu.memory_space<semaphore_mem>>) src(%arg3 : memref<8x512xf32, #tpu.memory_space<hbm>>) dst(%arg6 : memref<8x512xf32, #tpu.memory_space<vmem>>)
    %parallel_loop3A = arith.constant 0 : i32
    %parallel_loop3A_663 = arith.constant 64 : i32
    %parallel_loop3A_664 = arith.constant 1 : i32
    scf.for %parallel_loop3A_722 = %parallel_loop3A to %parallel_loop3A_663 step %parallel_loop3A_664  : i32 {
      %parallel_loop3A_723 = arith.index_cast %parallel_loop3A_722 : i32 to index
      %parallel_loop3A_724 = memref.load %arg8[%parallel_loop3A_723] : memref<128xi32, #tpu.memory_space<smem>>
      %parallel_loop3A_725 = arith.index_cast %parallel_loop3A_724 : i32 to index
      %parallel_loop3A_726 = arith.constant 0 : index
      %parallel_loop3A_727 = tpu.vector_load %arg6[%parallel_loop3A_725, %parallel_loop3A_726] {strides = array<i32>} : memref<8x512xf32, #tpu.memory_space<vmem>>, vector<1x16xf32>,
      %parallel_loop3A_728 = vector.shape_cast %parallel_loop3A_727 : vector<1x16xf32> to vector<16xf32>
      %parallel_loop3A_729 = arith.index_cast %parallel_loop3A_722 : i32 to index
      %parallel_loop3A_730 = arith.constant 0 : index
      %parallel_loop3A_731 = tpu.vector_load %arg7[%parallel_loop3A_729, %parallel_loop3A_730] {strides = array<i32>} : memref<128x512xf32, #tpu.memory_space<vmem>>, vector<1x16xf32>,
      %parallel_loop3A_732 = vector.shape_cast %parallel_loop3A_731 : vector<1x16xf32> to vector<16xf32>
      %parallel_loop3A_733 = vector.shape_cast %parallel_loop3A_728 : vector<16xf32> to vector<1x16xf32>
      tpu.vector_store %arg7[%parallel_loop3A_729, %parallel_loop3A_730], %parallel_loop3A_733 {strides = array<i32>} : memref<128x512xf32, #tpu.memory_space<vmem>>, vector<1x16xf32>,
      %parallel_loop3A_734 = arith.index_cast %parallel_loop3A_724 : i32 to index
      %parallel_loop3A_735 = arith.constant 16 : index
      %parallel_loop3A_736 = tpu.vector_load %arg6[%parallel_loop3A_734, %parallel_loop3A_735] {strides = array<i32>} : memref<8x512xf32, #tpu.memory_space<vmem>>, vector<1x16xf32>,
      %parallel_loop3A_737 = vector.shape_cast %parallel_loop3A_736 : vector<1x16xf32> to vector<16xf32>
      %parallel_loop3A_738 = arith.index_cast %parallel_loop3A_722 : i32 to index
      %parallel_loop3A_739 = arith.constant 16 : index
      %parallel_loop3A_740 = tpu.vector_load %arg7[%parallel_loop3A_738, %parallel_loop3A_739] {strides = array<i32>} : memref<128x512xf32, #tpu.memory_space<vmem>>, vector<1x16xf32>,
      %parallel_loop3A_741 = vector.shape_cast %parallel_loop3A_740 : vector<1x16xf32> to vector<16xf32>
      %parallel_loop3A_742 = vector.shape_cast %parallel_loop3A_737 : vector<16xf32> to vector<1x16xf32>
      tpu.vector_store %arg7[%parallel_loop3A_738, %parallel_loop3A_739], %parallel_loop3A_742 {strides = array<i32>} : memref<128x512xf32, #tpu.memory_space<vmem>>, vector<1x16xf32>,
      %parallel_loop3A_743 = arith.index_cast %parallel_loop3A_724 : i32 to index
      %parallel_loop3A_744 = arith.constant 32 : index
      %parallel_loop3A_745 = tpu.vector_load %arg6[%parallel_loop3A_743, %parallel_loop3A_744] {strides = array<i32>} : memref<8x512xf32, #tpu.memory_space<vmem>>, vector<1x16xf32>,
      %parallel_loop3A_746 = vector.shape_cast %parallel_loop3A_745 : vector<1x16xf32> to vector<16xf32>
      %parallel_loop3A_747 = arith.index_cast %parallel_loop3A_722 : i32 to index
      %parallel_loop3A_748 = arith.constant 32 : index
      %parallel_loop3A_749 = tpu.vector_load %arg7[%parallel_loop3A_747, %parallel_loop3A_748] {strides = array<i32>} : memref<128x512xf32, #tpu.memory_space<vmem>>, vector<1x16xf32>,
      %parallel_loop3A_750 = vector.shape_cast %parallel_loop3A_749 : vector<1x16xf32> to vector<16xf32>
      %parallel_loop3A_751 = vector.shape_cast %parallel_loop3A_746 : vector<16xf32> to vector<1x16xf32>
      tpu.vector_store %arg7[%parallel_loop3A_747, %parallel_loop3A_748], %parallel_loop3A_751 {strides = array<i32>} : memref<128x512xf32, #tpu.memory_space<vmem>>, vector<1x16xf32>,
      %parallel_loop3A_752 = arith.index_cast %parallel_loop3A_724 : i32 to index
      %parallel_loop3A_753 = arith.constant 48 : index
      %parallel_loop3A_754 = tpu.vector_load %arg6[%parallel_loop3A_752, %parallel_loop3A_753] {strides = array<i32>} : memref<8x512xf32, #tpu.memory_space<vmem>>, vector<1x16xf32>,
      %parallel_loop3A_755 = vector.shape_cast %parallel_loop3A_754 : vector<1x16xf32> to vector<16xf32>
      %parallel_loop3A_756 = arith.index_cast %parallel_loop3A_722 : i32 to index
      %parallel_loop3A_757 = arith.constant 48 : index
      %parallel_loop3A_758 = tpu.vector_load %arg7[%parallel_loop3A_756, %parallel_loop3A_757] {strides = array<i32>} : memref<128x512xf32, #tpu.memory_space<vmem>>, vector<1x16xf32>,
      %parallel_loop3A_759 = vector.shape_cast %parallel_loop3A_758 : vector<1x16xf32> to vector<16xf32>
      %parallel_loop3A_760 = vector.shape_cast %parallel_loop3A_755 : vector<16xf32> to vector<1x16xf32>
      tpu.vector_store %arg7[%parallel_loop3A_756, %parallel_loop3A_757], %parallel_loop3A_760 {strides = array<i32>} : memref<128x512xf32, #tpu.memory_space<vmem>>, vector<1x16xf32>,
      %parallel_loop3A_761 = arith.index_cast %parallel_loop3A_724 : i32 to index
      %parallel_loop3A_762 = arith.constant 64 : index
      %parallel_loop3A_763 = tpu.vector_load %arg6[%parallel_loop3A_761, %parallel_loop3A_762] {strides = array<i32>} : memref<8x512xf32, #tpu.memory_space<vmem>>, vector<1x16xf32>,
      %parallel_loop3A_764 = vector.shape_cast %parallel_loop3A_763 : vector<1x16xf32> to vector<16xf32>
      %parallel_loop3A_765 = arith.index_cast %parallel_loop3A_722 : i32 to index
      %parallel_loop3A_766 = arith.constant 64 : index
      %parallel_loop3A_767 = tpu.vector_load %arg7[%parallel_loop3A_765, %parallel_loop3A_766] {strides = array<i32>} : memref<128x512xf32, #tpu.memory_space<vmem>>, vector<1x16xf32>,
      %parallel_loop3A_768 = vector.shape_cast %parallel_loop3A_767 : vector<1x16xf32> to vector<16xf32>
      %parallel_loop3A_769 = vector.shape_cast %parallel_loop3A_764 : vector<16xf32> to vector<1x16xf32>
      tpu.vector_store %arg7[%parallel_loop3A_765, %parallel_loop3A_766], %parallel_loop3A_769 {strides = array<i32>} : memref<128x512xf32, #tpu.memory_space<vmem>>, vector<1x16xf32>,
      %parallel_loop3A_770 = arith.index_cast %parallel_loop3A_724 : i32 to index
      %parallel_loop3A_771 = arith.constant 80 : index
      %parallel_loop3A_772 = tpu.vector_load %arg6[%parallel_loop3A_770, %parallel_loop3A_771] {strides = array<i32>} : memref<8x512xf32, #tpu.memory_space<vmem>>, vector<1x16xf32>,
      %parallel_loop3A_773 = vector.shape_cast %parallel_loop3A_772 : vector<1x16xf32> to vector<16xf32>
      %parallel_loop3A_774 = arith.index_cast %parallel_loop3A_722 : i32 to index
      %parallel_loop3A_775 = arith.constant 80 : index
      %parallel_loop3A_776 = tpu.vector_load %arg7[%parallel_loop3A_774, %parallel_loop3A_775] {strides = array<i32>} : memref<128x512xf32, #tpu.memory_space<vmem>>, vector<1x16xf32>,
      %parallel_loop3A_777 = vector.shape_cast %parallel_loop3A_776 : vector<1x16xf32> to vector<16xf32>
      %parallel_loop3A_778 = vector.shape_cast %parallel_loop3A_773 : vector<16xf32> to vector<1x16xf32>
      tpu.vector_store %arg7[%parallel_loop3A_774, %parallel_loop3A_775], %parallel_loop3A_778 {strides = array<i32>} : memref<128x512xf32, #tpu.memory_space<vmem>>, vector<1x16xf32>,
      %parallel_loop3A_779 = arith.index_cast %parallel_loop3A_724 : i32 to index
      %parallel_loop3A_780 = arith.constant 96 : index
      %parallel_loop3A_781 = tpu.vector_load %arg6[%parallel_loop3A_779, %parallel_loop3A_780] {strides = array<i32>} : memref<8x512xf32, #tpu.memory_space<vmem>>, vector<1x16xf32>,
      %parallel_loop3A_782 = vector.shape_cast %parallel_loop3A_781 : vector<1x16xf32> to vector<16xf32>
      %parallel_loop3A_783 = arith.index_cast %parallel_loop3A_722 : i32 to index
      %parallel_loop3A_784 = arith.constant 96 : index
      %parallel_loop3A_785 = tpu.vector_load %arg7[%parallel_loop3A_783, %parallel_loop3A_784] {strides = array<i32>} : memref<128x512xf32, #tpu.memory_space<vmem>>, vector<1x16xf32>,
      %parallel_loop3A_786 = vector.shape_cast %parallel_loop3A_785 : vector<1x16xf32> to vector<16xf32>
      %parallel_loop3A_787 = vector.shape_cast %parallel_loop3A_782 : vector<16xf32> to vector<1x16xf32>
      tpu.vector_store %arg7[%parallel_loop3A_783, %parallel_loop3A_784], %parallel_loop3A_787 {strides = array<i32>} : memref<128x512xf32, #tpu.memory_space<vmem>>, vector<1x16xf32>,
      %parallel_loop3A_788 = arith.index_cast %parallel_loop3A_724 : i32 to index
      %parallel_loop3A_789 = arith.constant 112 : index
      %parallel_loop3A_790 = tpu.vector_load %arg6[%parallel_loop3A_788, %parallel_loop3A_789] {strides = array<i32>} : memref<8x512xf32, #tpu.memory_space<vmem>>, vector<1x16xf32>,
      %parallel_loop3A_791 = vector.shape_cast %parallel_loop3A_790 : vector<1x16xf32> to vector<16xf32>
      %parallel_loop3A_792 = arith.index_cast %parallel_loop3A_722 : i32 to index
      %parallel_loop3A_793 = arith.constant 112 : index
      %parallel_loop3A_794 = tpu.vector_load %arg7[%parallel_loop3A_792, %parallel_loop3A_793] {strides = array<i32>} : memref<128x512xf32, #tpu.memory_space<vmem>>, vector<1x16xf32>,
      %parallel_loop3A_795 = vector.shape_cast %parallel_loop3A_794 : vector<1x16xf32> to vector<16xf32>
      %parallel_loop3A_796 = vector.shape_cast %parallel_loop3A_791 : vector<16xf32> to vector<1x16xf32>
      tpu.vector_store %arg7[%parallel_loop3A_792, %parallel_loop3A_793], %parallel_loop3A_796 {strides = array<i32>} : memref<128x512xf32, #tpu.memory_space<vmem>>, vector<1x16xf32>,
      %parallel_loop3A_797 = arith.index_cast %parallel_loop3A_724 : i32 to index
      %parallel_loop3A_798 = arith.constant 128 : index
      %parallel_loop3A_799 = tpu.vector_load %arg6[%parallel_loop3A_797, %parallel_loop3A_798] {strides = array<i32>} : memref<8x512xf32, #tpu.memory_space<vmem>>, vector<1x16xf32>,
      %parallel_loop3A_800 = vector.shape_cast %parallel_loop3A_799 : vector<1x16xf32> to vector<16xf32>
      %parallel_loop3A_801 = arith.index_cast %parallel_loop3A_722 : i32 to index
      %parallel_loop3A_802 = arith.constant 128 : index
      %parallel_loop3A_803 = tpu.vector_load %arg7[%parallel_loop3A_801, %parallel_loop3A_802] {strides = array<i32>} : memref<128x512xf32, #tpu.memory_space<vmem>>, vector<1x16xf32>,
      %parallel_loop3A_804 = vector.shape_cast %parallel_loop3A_803 : vector<1x16xf32> to vector<16xf32>
      %parallel_loop3A_805 = vector.shape_cast %parallel_loop3A_800 : vector<16xf32> to vector<1x16xf32>
      tpu.vector_store %arg7[%parallel_loop3A_801, %parallel_loop3A_802], %parallel_loop3A_805 {strides = array<i32>} : memref<128x512xf32, #tpu.memory_space<vmem>>, vector<1x16xf32>,
      %parallel_loop3A_806 = arith.index_cast %parallel_loop3A_724 : i32 to index
      %parallel_loop3A_807 = arith.constant 144 : index
      %parallel_loop3A_808 = tpu.vector_load %arg6[%parallel_loop3A_806, %parallel_loop3A_807] {strides = array<i32>} : memref<8x512xf32, #tpu.memory_space<vmem>>, vector<1x16xf32>,
      %parallel_loop3A_809 = vector.shape_cast %parallel_loop3A_808 : vector<1x16xf32> to vector<16xf32>
      %parallel_loop3A_810 = arith.index_cast %parallel_loop3A_722 : i32 to index
      %parallel_loop3A_811 = arith.constant 144 : index
      %parallel_loop3A_812 = tpu.vector_load %arg7[%parallel_loop3A_810, %parallel_loop3A_811] {strides = array<i32>} : memref<128x512xf32, #tpu.memory_space<vmem>>, vector<1x16xf32>,
      %parallel_loop3A_813 = vector.shape_cast %parallel_loop3A_812 : vector<1x16xf32> to vector<16xf32>
      %parallel_loop3A_814 = vector.shape_cast %parallel_loop3A_809 : vector<16xf32> to vector<1x16xf32>
      tpu.vector_store %arg7[%parallel_loop3A_810, %parallel_loop3A_811], %parallel_loop3A_814 {strides = array<i32>} : memref<128x512xf32, #tpu.memory_space<vmem>>, vector<1x16xf32>,
      %parallel_loop3A_815 = arith.index_cast %parallel_loop3A_724 : i32 to index
      %parallel_loop3A_816 = arith.constant 160 : index
      %parallel_loop3A_817 = tpu.vector_load %arg6[%parallel_loop3A_815, %parallel_loop3A_816] {strides = array<i32>} : memref<8x512xf32, #tpu.memory_space<vmem>>, vector<1x16xf32>,
      %parallel_loop3A_818 = vector.shape_cast %parallel_loop3A_817 : vector<1x16xf32> to vector<16xf32>
      %parallel_loop3A_819 = arith.index_cast %parallel_loop3A_722 : i32 to index
      %parallel_loop3A_820 = arith.constant 160 : index
      %parallel_loop3A_821 = tpu.vector_load %arg7[%parallel_loop3A_819, %parallel_loop3A_820] {strides = array<i32>} : memref<128x512xf32, #tpu.memory_space<vmem>>, vector<1x16xf32>,
      %parallel_loop3A_822 = vector.shape_cast %parallel_loop3A_821 : vector<1x16xf32> to vector<16xf32>
      %parallel_loop3A_823 = vector.shape_cast %parallel_loop3A_818 : vector<16xf32> to vector<1x16xf32>
      tpu.vector_store %arg7[%parallel_loop3A_819, %parallel_loop3A_820], %parallel_loop3A_823 {strides = array<i32>} : memref<128x512xf32, #tpu.memory_space<vmem>>, vector<1x16xf32>,
      %parallel_loop3A_824 = arith.index_cast %parallel_loop3A_724 : i32 to index
      %parallel_loop3A_825 = arith.constant 176 : index
      %parallel_loop3A_826 = tpu.vector_load %arg6[%parallel_loop3A_824, %parallel_loop3A_825] {strides = array<i32>} : memref<8x512xf32, #tpu.memory_space<vmem>>, vector<1x16xf32>,
      %parallel_loop3A_827 = vector.shape_cast %parallel_loop3A_826 : vector<1x16xf32> to vector<16xf32>
      %parallel_loop3A_828 = arith.index_cast %parallel_loop3A_722 : i32 to index
      %parallel_loop3A_829 = arith.constant 176 : index
      %parallel_loop3A_830 = tpu.vector_load %arg7[%parallel_loop3A_828, %parallel_loop3A_829] {strides = array<i32>} : memref<128x512xf32, #tpu.memory_space<vmem>>, vector<1x16xf32>,
      %parallel_loop3A_831 = vector.shape_cast %parallel_loop3A_830 : vector<1x16xf32> to vector<16xf32>
      %parallel_loop3A_832 = vector.shape_cast %parallel_loop3A_827 : vector<16xf32> to vector<1x16xf32>
      tpu.vector_store %arg7[%parallel_loop3A_828, %parallel_loop3A_829], %parallel_loop3A_832 {strides = array<i32>} : memref<128x512xf32, #tpu.memory_space<vmem>>, vector<1x16xf32>,
      %parallel_loop3A_833 = arith.index_cast %parallel_loop3A_724 : i32 to index
      %parallel_loop3A_834 = arith.constant 192 : index
      %parallel_loop3A_835 = tpu.vector_load %arg6[%parallel_loop3A_833, %parallel_loop3A_834] {strides = array<i32>} : memref<8x512xf32, #tpu.memory_space<vmem>>, vector<1x16xf32>,
      %parallel_loop3A_836 = vector.shape_cast %parallel_loop3A_835 : vector<1x16xf32> to vector<16xf32>
      %parallel_loop3A_837 = arith.index_cast %parallel_loop3A_722 : i32 to index
      %parallel_loop3A_838 = arith.constant 192 : index
      %parallel_loop3A_839 = tpu.vector_load %arg7[%parallel_loop3A_837, %parallel_loop3A_838] {strides = array<i32>} : memref<128x512xf32, #tpu.memory_space<vmem>>, vector<1x16xf32>,
      %parallel_loop3A_840 = vector.shape_cast %parallel_loop3A_839 : vector<1x16xf32> to vector<16xf32>
      %parallel_loop3A_841 = vector.shape_cast %parallel_loop3A_836 : vector<16xf32> to vector<1x16xf32>
      tpu.vector_store %arg7[%parallel_loop3A_837, %parallel_loop3A_838], %parallel_loop3A_841 {strides = array<i32>} : memref<128x512xf32, #tpu.memory_space<vmem>>, vector<1x16xf32>,
      %parallel_loop3A_842 = arith.index_cast %parallel_loop3A_724 : i32 to index
      %parallel_loop3A_843 = arith.constant 208 : index
      %parallel_loop3A_844 = tpu.vector_load %arg6[%parallel_loop3A_842, %parallel_loop3A_843] {strides = array<i32>} : memref<8x512xf32, #tpu.memory_space<vmem>>, vector<1x16xf32>,
      %parallel_loop3A_845 = vector.shape_cast %parallel_loop3A_844 : vector<1x16xf32> to vector<16xf32>
      %parallel_loop3A_846 = arith.index_cast %parallel_loop3A_722 : i32 to index
      %parallel_loop3A_847 = arith.constant 208 : index
      %parallel_loop3A_848 = tpu.vector_load %arg7[%parallel_loop3A_846, %parallel_loop3A_847] {strides = array<i32>} : memref<128x512xf32, #tpu.memory_space<vmem>>, vector<1x16xf32>,
      %parallel_loop3A_849 = vector.shape_cast %parallel_loop3A_848 : vector<1x16xf32> to vector<16xf32>
      %parallel_loop3A_850 = vector.shape_cast %parallel_loop3A_845 : vector<16xf32> to vector<1x16xf32>
      tpu.vector_store %arg7[%parallel_loop3A_846, %parallel_loop3A_847], %parallel_loop3A_850 {strides = array<i32>} : memref<128x512xf32, #tpu.memory_space<vmem>>, vector<1x16xf32>,
      %parallel_loop3A_851 = arith.index_cast %parallel_loop3A_724 : i32 to index
      %parallel_loop3A_852 = arith.constant 224 : index
      %parallel_loop3A_853 = tpu.vector_load %arg6[%parallel_loop3A_851, %parallel_loop3A_852] {strides = array<i32>} : memref<8x512xf32, #tpu.memory_space<vmem>>, vector<1x16xf32>,
      %parallel_loop3A_854 = vector.shape_cast %parallel_loop3A_853 : vector<1x16xf32> to vector<16xf32>
      %parallel_loop3A_855 = arith.index_cast %parallel_loop3A_722 : i32 to index
      %parallel_loop3A_856 = arith.constant 224 : index
      %parallel_loop3A_857 = tpu.vector_load %arg7[%parallel_loop3A_855, %parallel_loop3A_856] {strides = array<i32>} : memref<128x512xf32, #tpu.memory_space<vmem>>, vector<1x16xf32>,
      %parallel_loop3A_858 = vector.shape_cast %parallel_loop3A_857 : vector<1x16xf32> to vector<16xf32>
      %parallel_loop3A_859 = vector.shape_cast %parallel_loop3A_854 : vector<16xf32> to vector<1x16xf32>
      tpu.vector_store %arg7[%parallel_loop3A_855, %parallel_loop3A_856], %parallel_loop3A_859 {strides = array<i32>} : memref<128x512xf32, #tpu.memory_space<vmem>>, vector<1x16xf32>,
      %parallel_loop3A_860 = arith.index_cast %parallel_loop3A_724 : i32 to index
      %parallel_loop3A_861 = arith.constant 240 : index
      %parallel_loop3A_862 = tpu.vector_load %arg6[%parallel_loop3A_860, %parallel_loop3A_861] {strides = array<i32>} : memref<8x512xf32, #tpu.memory_space<vmem>>, vector<1x16xf32>,
      %parallel_loop3A_863 = vector.shape_cast %parallel_loop3A_862 : vector<1x16xf32> to vector<16xf32>
      %parallel_loop3A_864 = arith.index_cast %parallel_loop3A_722 : i32 to index
      %parallel_loop3A_865 = arith.constant 240 : index
      %parallel_loop3A_866 = tpu.vector_load %arg7[%parallel_loop3A_864, %parallel_loop3A_865] {strides = array<i32>} : memref<128x512xf32, #tpu.memory_space<vmem>>, vector<1x16xf32>,
      %parallel_loop3A_867 = vector.shape_cast %parallel_loop3A_866 : vector<1x16xf32> to vector<16xf32>
      %parallel_loop3A_868 = vector.shape_cast %parallel_loop3A_863 : vector<16xf32> to vector<1x16xf32>
      tpu.vector_store %arg7[%parallel_loop3A_864, %parallel_loop3A_865], %parallel_loop3A_868 {strides = array<i32>} : memref<128x512xf32, #tpu.memory_space<vmem>>, vector<1x16xf32>,
      %parallel_loop3A_869 = arith.index_cast %parallel_loop3A_724 : i32 to index
      %parallel_loop3A_870 = arith.constant 256 : index
      %parallel_loop3A_871 = tpu.vector_load %arg6[%parallel_loop3A_869, %parallel_loop3A_870] {strides = array<i32>} : memref<8x512xf32, #tpu.memory_space<vmem>>, vector<1x16xf32>,
      %parallel_loop3A_872 = vector.shape_cast %parallel_loop3A_871 : vector<1x16xf32> to vector<16xf32>
      %parallel_loop3A_873 = arith.index_cast %parallel_loop3A_722 : i32 to index
      %parallel_loop3A_874 = arith.constant 256 : index
      %parallel_loop3A_875 = tpu.vector_load %arg7[%parallel_loop3A_873, %parallel_loop3A_874] {strides = array<i32>} : memref<128x512xf32, #tpu.memory_space<vmem>>, vector<1x16xf32>,
      %parallel_loop3A_876 = vector.shape_cast %parallel_loop3A_875 : vector<1x16xf32> to vector<16xf32>
      %parallel_loop3A_877 = vector.shape_cast %parallel_loop3A_872 : vector<16xf32> to vector<1x16xf32>
      tpu.vector_store %arg7[%parallel_loop3A_873, %parallel_loop3A_874], %parallel_loop3A_877 {strides = array<i32>} : memref<128x512xf32, #tpu.memory_space<vmem>>, vector<1x16xf32>,
      %parallel_loop3A_878 = arith.index_cast %parallel_loop3A_724 : i32 to index
      %parallel_loop3A_879 = arith.constant 272 : index
      %parallel_loop3A_880 = tpu.vector_load %arg6[%parallel_loop3A_878, %parallel_loop3A_879] {strides = array<i32>} : memref<8x512xf32, #tpu.memory_space<vmem>>, vector<1x16xf32>,
      %parallel_loop3A_881 = vector.shape_cast %parallel_loop3A_880 : vector<1x16xf32> to vector<16xf32>
      %parallel_loop3A_882 = arith.index_cast %parallel_loop3A_722 : i32 to index
      %parallel_loop3A_883 = arith.constant 272 : index
      %parallel_loop3A_884 = tpu.vector_load %arg7[%parallel_loop3A_882, %parallel_loop3A_883] {strides = array<i32>} : memref<128x512xf32, #tpu.memory_space<vmem>>, vector<1x16xf32>,
      %parallel_loop3A_885 = vector.shape_cast %parallel_loop3A_884 : vector<1x16xf32> to vector<16xf32>
      %parallel_loop3A_886 = vector.shape_cast %parallel_loop3A_881 : vector<16xf32> to vector<1x16xf32>
      tpu.vector_store %arg7[%parallel_loop3A_882, %parallel_loop3A_883], %parallel_loop3A_886 {strides = array<i32>} : memref<128x512xf32, #tpu.memory_space<vmem>>, vector<1x16xf32>,
      %parallel_loop3A_887 = arith.index_cast %parallel_loop3A_724 : i32 to index
      %parallel_loop3A_888 = arith.constant 288 : index
      %parallel_loop3A_889 = tpu.vector_load %arg6[%parallel_loop3A_887, %parallel_loop3A_888] {strides = array<i32>} : memref<8x512xf32, #tpu.memory_space<vmem>>, vector<1x16xf32>,
      %parallel_loop3A_890 = vector.shape_cast %parallel_loop3A_889 : vector<1x16xf32> to vector<16xf32>
      %parallel_loop3A_891 = arith.index_cast %parallel_loop3A_722 : i32 to index
      %parallel_loop3A_892 = arith.constant 288 : index
      %parallel_loop3A_893 = tpu.vector_load %arg7[%parallel_loop3A_891, %parallel_loop3A_892] {strides = array<i32>} : memref<128x512xf32, #tpu.memory_space<vmem>>, vector<1x16xf32>,
      %parallel_loop3A_894 = vector.shape_cast %parallel_loop3A_893 : vector<1x16xf32> to vector<16xf32>
      %parallel_loop3A_895 = vector.shape_cast %parallel_loop3A_890 : vector<16xf32> to vector<1x16xf32>
      tpu.vector_store %arg7[%parallel_loop3A_891, %parallel_loop3A_892], %parallel_loop3A_895 {strides = array<i32>} : memref<128x512xf32, #tpu.memory_space<vmem>>, vector<1x16xf32>,
      %parallel_loop3A_896 = arith.index_cast %parallel_loop3A_724 : i32 to index
      %parallel_loop3A_897 = arith.constant 304 : index
      %parallel_loop3A_898 = tpu.vector_load %arg6[%parallel_loop3A_896, %parallel_loop3A_897] {strides = array<i32>} : memref<8x512xf32, #tpu.memory_space<vmem>>, vector<1x16xf32>,
      %parallel_loop3A_899 = vector.shape_cast %parallel_loop3A_898 : vector<1x16xf32> to vector<16xf32>
      %parallel_loop3A_900 = arith.index_cast %parallel_loop3A_722 : i32 to index
      %parallel_loop3A_901 = arith.constant 304 : index
      %parallel_loop3A_902 = tpu.vector_load %arg7[%parallel_loop3A_900, %parallel_loop3A_901] {strides = array<i32>} : memref<128x512xf32, #tpu.memory_space<vmem>>, vector<1x16xf32>,
      %parallel_loop3A_903 = vector.shape_cast %parallel_loop3A_902 : vector<1x16xf32> to vector<16xf32>
      %parallel_loop3A_904 = vector.shape_cast %parallel_loop3A_899 : vector<16xf32> to vector<1x16xf32>
      tpu.vector_store %arg7[%parallel_loop3A_900, %parallel_loop3A_901], %parallel_loop3A_904 {strides = array<i32>} : memref<128x512xf32, #tpu.memory_space<vmem>>, vector<1x16xf32>,
      %parallel_loop3A_905 = arith.index_cast %parallel_loop3A_724 : i32 to index
      %parallel_loop3A_906 = arith.constant 320 : index
      %parallel_loop3A_907 = tpu.vector_load %arg6[%parallel_loop3A_905, %parallel_loop3A_906] {strides = array<i32>} : memref<8x512xf32, #tpu.memory_space<vmem>>, vector<1x16xf32>,
      %parallel_loop3A_908 = vector.shape_cast %parallel_loop3A_907 : vector<1x16xf32> to vector<16xf32>
      %parallel_loop3A_909 = arith.index_cast %parallel_loop3A_722 : i32 to index
      %parallel_loop3A_910 = arith.constant 320 : index
      %parallel_loop3A_911 = tpu.vector_load %arg7[%parallel_loop3A_909, %parallel_loop3A_910] {strides = array<i32>} : memref<128x512xf32, #tpu.memory_space<vmem>>, vector<1x16xf32>,
      %parallel_loop3A_912 = vector.shape_cast %parallel_loop3A_911 : vector<1x16xf32> to vector<16xf32>
      %parallel_loop3A_913 = vector.shape_cast %parallel_loop3A_908 : vector<16xf32> to vector<1x16xf32>
      tpu.vector_store %arg7[%parallel_loop3A_909, %parallel_loop3A_910], %parallel_loop3A_913 {strides = array<i32>} : memref<128x512xf32, #tpu.memory_space<vmem>>, vector<1x16xf32>,
      %parallel_loop3A_914 = arith.index_cast %parallel_loop3A_724 : i32 to index
      %parallel_loop3A_915 = arith.constant 336 : index
      %parallel_loop3A_916 = tpu.vector_load %arg6[%parallel_loop3A_914, %parallel_loop3A_915] {strides = array<i32>} : memref<8x512xf32, #tpu.memory_space<vmem>>, vector<1x16xf32>,
      %parallel_loop3A_917 = vector.shape_cast %parallel_loop3A_916 : vector<1x16xf32> to vector<16xf32>
      %parallel_loop3A_918 = arith.index_cast %parallel_loop3A_722 : i32 to index
      %parallel_loop3A_919 = arith.constant 336 : index
      %parallel_loop3A_920 = tpu.vector_load %arg7[%parallel_loop3A_918, %parallel_loop3A_919] {strides = array<i32>} : memref<128x512xf32, #tpu.memory_space<vmem>>, vector<1x16xf32>,
      %parallel_loop3A_921 = vector.shape_cast %parallel_loop3A_920 : vector<1x16xf32> to vector<16xf32>
      %parallel_loop3A_922 = vector.shape_cast %parallel_loop3A_917 : vector<16xf32> to vector<1x16xf32>
      tpu.vector_store %arg7[%parallel_loop3A_918, %parallel_loop3A_919], %parallel_loop3A_922 {strides = array<i32>} : memref<128x512xf32, #tpu.memory_space<vmem>>, vector<1x16xf32>,
      %parallel_loop3A_923 = arith.index_cast %parallel_loop3A_724 : i32 to index
      %parallel_loop3A_924 = arith.constant 352 : index
      %parallel_loop3A_925 = tpu.vector_load %arg6[%parallel_loop3A_923, %parallel_loop3A_924] {strides = array<i32>} : memref<8x512xf32, #tpu.memory_space<vmem>>, vector<1x16xf32>,
      %parallel_loop3A_926 = vector.shape_cast %parallel_loop3A_925 : vector<1x16xf32> to vector<16xf32>
      %parallel_loop3A_927 = arith.index_cast %parallel_loop3A_722 : i32 to index
      %parallel_loop3A_928 = arith.constant 352 : index
      %parallel_loop3A_929 = tpu.vector_load %arg7[%parallel_loop3A_927, %parallel_loop3A_928] {strides = array<i32>} : memref<128x512xf32, #tpu.memory_space<vmem>>, vector<1x16xf32>,
      %parallel_loop3A_930 = vector.shape_cast %parallel_loop3A_929 : vector<1x16xf32> to vector<16xf32>
      %parallel_loop3A_931 = vector.shape_cast %parallel_loop3A_926 : vector<16xf32> to vector<1x16xf32>
      tpu.vector_store %arg7[%parallel_loop3A_927, %parallel_loop3A_928], %parallel_loop3A_931 {strides = array<i32>} : memref<128x512xf32, #tpu.memory_space<vmem>>, vector<1x16xf32>,
      %parallel_loop3A_932 = arith.index_cast %parallel_loop3A_724 : i32 to index
      %parallel_loop3A_933 = arith.constant 368 : index
      %parallel_loop3A_934 = tpu.vector_load %arg6[%parallel_loop3A_932, %parallel_loop3A_933] {strides = array<i32>} : memref<8x512xf32, #tpu.memory_space<vmem>>, vector<1x16xf32>,
      %parallel_loop3A_935 = vector.shape_cast %parallel_loop3A_934 : vector<1x16xf32> to vector<16xf32>
      %parallel_loop3A_936 = arith.index_cast %parallel_loop3A_722 : i32 to index
      %parallel_loop3A_937 = arith.constant 368 : index
      %parallel_loop3A_938 = tpu.vector_load %arg7[%parallel_loop3A_936, %parallel_loop3A_937] {strides = array<i32>} : memref<128x512xf32, #tpu.memory_space<vmem>>, vector<1x16xf32>,
      %parallel_loop3A_939 = vector.shape_cast %parallel_loop3A_938 : vector<1x16xf32> to vector<16xf32>
      %parallel_loop3A_940 = vector.shape_cast %parallel_loop3A_935 : vector<16xf32> to vector<1x16xf32>
      tpu.vector_store %arg7[%parallel_loop3A_936, %parallel_loop3A_937], %parallel_loop3A_940 {strides = array<i32>} : memref<128x512xf32, #tpu.memory_space<vmem>>, vector<1x16xf32>,
      %parallel_loop3A_941 = arith.index_cast %parallel_loop3A_724 : i32 to index
      %parallel_loop3A_942 = arith.constant 384 : index
      %parallel_loop3A_943 = tpu.vector_load %arg6[%parallel_loop3A_941, %parallel_loop3A_942] {strides = array<i32>} : memref<8x512xf32, #tpu.memory_space<vmem>>, vector<1x16xf32>,
      %parallel_loop3A_944 = vector.shape_cast %parallel_loop3A_943 : vector<1x16xf32> to vector<16xf32>
      %parallel_loop3A_945 = arith.index_cast %parallel_loop3A_722 : i32 to index
      %parallel_loop3A_946 = arith.constant 384 : index
      %parallel_loop3A_947 = tpu.vector_load %arg7[%parallel_loop3A_945, %parallel_loop3A_946] {strides = array<i32>} : memref<128x512xf32, #tpu.memory_space<vmem>>, vector<1x16xf32>,
      %parallel_loop3A_948 = vector.shape_cast %parallel_loop3A_947 : vector<1x16xf32> to vector<16xf32>
      %parallel_loop3A_949 = vector.shape_cast %parallel_loop3A_944 : vector<16xf32> to vector<1x16xf32>
      tpu.vector_store %arg7[%parallel_loop3A_945, %parallel_loop3A_946], %parallel_loop3A_949 {strides = array<i32>} : memref<128x512xf32, #tpu.memory_space<vmem>>, vector<1x16xf32>,
      %parallel_loop3A_950 = arith.index_cast %parallel_loop3A_724 : i32 to index
      %parallel_loop3A_951 = arith.constant 400 : index
      %parallel_loop3A_952 = tpu.vector_load %arg6[%parallel_loop3A_950, %parallel_loop3A_951] {strides = array<i32>} : memref<8x512xf32, #tpu.memory_space<vmem>>, vector<1x16xf32>,
      %parallel_loop3A_953 = vector.shape_cast %parallel_loop3A_952 : vector<1x16xf32> to vector<16xf32>
      %parallel_loop3A_954 = arith.index_cast %parallel_loop3A_722 : i32 to index
      %parallel_loop3A_955 = arith.constant 400 : index
      %parallel_loop3A_956 = tpu.vector_load %arg7[%parallel_loop3A_954, %parallel_loop3A_955] {strides = array<i32>} : memref<128x512xf32, #tpu.memory_space<vmem>>, vector<1x16xf32>,
      %parallel_loop3A_957 = vector.shape_cast %parallel_loop3A_956 : vector<1x16xf32> to vector<16xf32>
      %parallel_loop3A_958 = vector.shape_cast %parallel_loop3A_953 : vector<16xf32> to vector<1x16xf32>
      tpu.vector_store %arg7[%parallel_loop3A_954, %parallel_loop3A_955], %parallel_loop3A_958 {strides = array<i32>} : memref<128x512xf32, #tpu.memory_space<vmem>>, vector<1x16xf32>,
      %parallel_loop3A_959 = arith.index_cast %parallel_loop3A_724 : i32 to index
      %parallel_loop3A_960 = arith.constant 416 : index
      %parallel_loop3A_961 = tpu.vector_load %arg6[%parallel_loop3A_959, %parallel_loop3A_960] {strides = array<i32>} : memref<8x512xf32, #tpu.memory_space<vmem>>, vector<1x16xf32>,
      %parallel_loop3A_962 = vector.shape_cast %parallel_loop3A_961 : vector<1x16xf32> to vector<16xf32>
      %parallel_loop3A_963 = arith.index_cast %parallel_loop3A_722 : i32 to index
      %parallel_loop3A_964 = arith.constant 416 : index
      %parallel_loop3A_965 = tpu.vector_load %arg7[%parallel_loop3A_963, %parallel_loop3A_964] {strides = array<i32>} : memref<128x512xf32, #tpu.memory_space<vmem>>, vector<1x16xf32>,
      %parallel_loop3A_966 = vector.shape_cast %parallel_loop3A_965 : vector<1x16xf32> to vector<16xf32>
      %parallel_loop3A_967 = vector.shape_cast %parallel_loop3A_962 : vector<16xf32> to vector<1x16xf32>
      tpu.vector_store %arg7[%parallel_loop3A_963, %parallel_loop3A_964], %parallel_loop3A_967 {strides = array<i32>} : memref<128x512xf32, #tpu.memory_space<vmem>>, vector<1x16xf32>,
      %parallel_loop3A_968 = arith.index_cast %parallel_loop3A_724 : i32 to index
      %parallel_loop3A_969 = arith.constant 432 : index
      %parallel_loop3A_970 = tpu.vector_load %arg6[%parallel_loop3A_968, %parallel_loop3A_969] {strides = array<i32>} : memref<8x512xf32, #tpu.memory_space<vmem>>, vector<1x16xf32>,
      %parallel_loop3A_971 = vector.shape_cast %parallel_loop3A_970 : vector<1x16xf32> to vector<16xf32>
      %parallel_loop3A_972 = arith.index_cast %parallel_loop3A_722 : i32 to index
      %parallel_loop3A_973 = arith.constant 432 : index
      %parallel_loop3A_974 = tpu.vector_load %arg7[%parallel_loop3A_972, %parallel_loop3A_973] {strides = array<i32>} : memref<128x512xf32, #tpu.memory_space<vmem>>, vector<1x16xf32>,
      %parallel_loop3A_975 = vector.shape_cast %parallel_loop3A_974 : vector<1x16xf32> to vector<16xf32>
      %parallel_loop3A_976 = vector.shape_cast %parallel_loop3A_971 : vector<16xf32> to vector<1x16xf32>
      tpu.vector_store %arg7[%parallel_loop3A_972, %parallel_loop3A_973], %parallel_loop3A_976 {strides = array<i32>} : memref<128x512xf32, #tpu.memory_space<vmem>>, vector<1x16xf32>,
      %parallel_loop3A_977 = arith.index_cast %parallel_loop3A_724 : i32 to index
      %parallel_loop3A_978 = arith.constant 448 : index
      %parallel_loop3A_979 = tpu.vector_load %arg6[%parallel_loop3A_977, %parallel_loop3A_978] {strides = array<i32>} : memref<8x512xf32, #tpu.memory_space<vmem>>, vector<1x16xf32>,
      %parallel_loop3A_980 = vector.shape_cast %parallel_loop3A_979 : vector<1x16xf32> to vector<16xf32>
      %parallel_loop3A_981 = arith.index_cast %parallel_loop3A_722 : i32 to index
      %parallel_loop3A_982 = arith.constant 448 : index
      %parallel_loop3A_983 = tpu.vector_load %arg7[%parallel_loop3A_981, %parallel_loop3A_982] {strides = array<i32>} : memref<128x512xf32, #tpu.memory_space<vmem>>, vector<1x16xf32>,
      %parallel_loop3A_984 = vector.shape_cast %parallel_loop3A_983 : vector<1x16xf32> to vector<16xf32>
      %parallel_loop3A_985 = vector.shape_cast %parallel_loop3A_980 : vector<16xf32> to vector<1x16xf32>
      tpu.vector_store %arg7[%parallel_loop3A_981, %parallel_loop3A_982], %parallel_loop3A_985 {strides = array<i32>} : memref<128x512xf32, #tpu.memory_space<vmem>>, vector<1x16xf32>,
      %parallel_loop3A_986 = arith.index_cast %parallel_loop3A_724 : i32 to index
      %parallel_loop3A_987 = arith.constant 464 : index
      %parallel_loop3A_988 = tpu.vector_load %arg6[%parallel_loop3A_986, %parallel_loop3A_987] {strides = array<i32>} : memref<8x512xf32, #tpu.memory_space<vmem>>, vector<1x16xf32>,
      %parallel_loop3A_989 = vector.shape_cast %parallel_loop3A_988 : vector<1x16xf32> to vector<16xf32>
      %parallel_loop3A_990 = arith.index_cast %parallel_loop3A_722 : i32 to index
      %parallel_loop3A_991 = arith.constant 464 : index
      %parallel_loop3A_992 = tpu.vector_load %arg7[%parallel_loop3A_990, %parallel_loop3A_991] {strides = array<i32>} : memref<128x512xf32, #tpu.memory_space<vmem>>, vector<1x16xf32>,
      %parallel_loop3A_993 = vector.shape_cast %parallel_loop3A_992 : vector<1x16xf32> to vector<16xf32>
      %parallel_loop3A_994 = vector.shape_cast %parallel_loop3A_989 : vector<16xf32> to vector<1x16xf32>
      tpu.vector_store %arg7[%parallel_loop3A_990, %parallel_loop3A_991], %parallel_loop3A_994 {strides = array<i32>} : memref<128x512xf32, #tpu.memory_space<vmem>>, vector<1x16xf32>,
      %parallel_loop3A_995 = arith.index_cast %parallel_loop3A_724 : i32 to index
      %parallel_loop3A_996 = arith.constant 480 : index
      %parallel_loop3A_997 = tpu.vector_load %arg6[%parallel_loop3A_995, %parallel_loop3A_996] {strides = array<i32>} : memref<8x512xf32, #tpu.memory_space<vmem>>, vector<1x16xf32>,
      %parallel_loop3A_998 = vector.shape_cast %parallel_loop3A_997 : vector<1x16xf32> to vector<16xf32>
      %parallel_loop3A_999 = arith.index_cast %parallel_loop3A_722 : i32 to index
      %parallel_loop3A_1000 = arith.constant 480 : index
      %parallel_loop3A_1001 = tpu.vector_load %arg7[%parallel_loop3A_999, %parallel_loop3A_1000] {strides = array<i32>} : memref<128x512xf32, #tpu.memory_space<vmem>>, vector<1x16xf32>,
      %parallel_loop3A_1002 = vector.shape_cast %parallel_loop3A_1001 : vector<1x16xf32> to vector<16xf32>
      %parallel_loop3A_1003 = vector.shape_cast %parallel_loop3A_998 : vector<16xf32> to vector<1x16xf32>
      tpu.vector_store %arg7[%parallel_loop3A_999, %parallel_loop3A_1000], %parallel_loop3A_1003 {strides = array<i32>} : memref<128x512xf32, #tpu.memory_space<vmem>>, vector<1x16xf32>,
      %parallel_loop3A_1004 = arith.index_cast %parallel_loop3A_724 : i32 to index
      %parallel_loop3A_1005 = arith.constant 496 : index
      %parallel_loop3A_1006 = tpu.vector_load %arg6[%parallel_loop3A_1004, %parallel_loop3A_1005] {strides = array<i32>} : memref<8x512xf32, #tpu.memory_space<vmem>>, vector<1x16xf32>,
      %parallel_loop3A_1007 = vector.shape_cast %parallel_loop3A_1006 : vector<1x16xf32> to vector<16xf32>
      %parallel_loop3A_1008 = arith.index_cast %parallel_loop3A_722 : i32 to index
      %parallel_loop3A_1009 = arith.constant 496 : index
      %parallel_loop3A_1010 = tpu.vector_load %arg7[%parallel_loop3A_1008, %parallel_loop3A_1009] {strides = array<i32>} : memref<128x512xf32, #tpu.memory_space<vmem>>, vector<1x16xf32>,
      %parallel_loop3A_1011 = vector.shape_cast %parallel_loop3A_1010 : vector<1x16xf32> to vector<16xf32>
      %parallel_loop3A_1012 = vector.shape_cast %parallel_loop3A_1007 : vector<16xf32> to vector<1x16xf32>
      tpu.vector_store %arg7[%parallel_loop3A_1008, %parallel_loop3A_1009], %parallel_loop3A_1012 {strides = array<i32>} : memref<128x512xf32, #tpu.memory_space<vmem>>, vector<1x16xf32>,
    } {sc.loop_unroll_factor = 2 : i64, sc.parallel_access}
    %add3A_665 = arith.constant 0 : i32
    %add3A_666 = arith.addi %mul3A_2, %add3A_665 : i32
    %dma_start3A = arith.constant 0 : i32
    %dma_start3A_667 = arith.constant 0 : i32
    %dma_start3A_668 = arith.constant 0 : i32
    %dma_start3A_669 = tpu.memref_slice %arg7[%dma_start3A_667, %dma_start3A_668] : memref<128x512xf32, #tpu.memory_space<vmem>> -> memref<64x512xf32, #tpu.memory_space<vmem>>
    %dma_start3A_670 = arith.constant 0 : i32
    %dma_start3A_671 = tpu.memref_slice %arg4[%add3A_666, %dma_start3A_670] : memref<4096x512xf32, #tpu.memory_space<hbm>> -> memref<64x512xf32, #tpu.memory_space<hbm>>
    %dma_start3A_672 = tpu.memref_slice %arg10[%dma_start3A] : memref<2x!tpu.dma_semaphore, #tpu.memory_space<semaphore_mem>> -> memref<1x!tpu.dma_semaphore, #tpu.memory_space<semaphore_mem>>
    %dma_start3A_673 = tpu.memref_squeeze %dma_start3A_672 : memref<1x!tpu.dma_semaphore, #tpu.memory_space<semaphore_mem>> -> memref<!tpu.dma_semaphore, #tpu.memory_space<semaphore_mem>>
    %dma_start3A_674 = arith.constant 0 : i32
    %dma_start3A_675 = tpu.memref_slice %arg4[%add3A_666, %dma_start3A_674] : memref<4096x512xf32, #tpu.memory_space<hbm>> -> memref<64x512xf32, #tpu.memory_space<hbm>>
    %dma_start3A_676 = arith.constant 0 : i32
    %dma_start3A_677 = arith.constant 0 : i32
    %dma_start3A_678 = tpu.memref_slice %arg7[%dma_start3A_676, %dma_start3A_677] : memref<128x512xf32, #tpu.memory_space<vmem>> -> memref<64x512xf32, #tpu.memory_space<vmem>>
    tpu.enqueue_dma source(%dma_start3A_678 : memref<64x512xf32, #tpu.memory_space<vmem>>) target(%dma_start3A_675 : memref<64x512xf32, #tpu.memory_space<hbm>>) target_semaphore(%dma_start3A_673 : memref<!tpu.dma_semaphore, #tpu.memory_space<semaphore_mem>>)
    %parallel_loop3A_679 = arith.constant 64 : i32
    %parallel_loop3A_680 = arith.constant 128 : i32
    %parallel_loop3A_681 = arith.constant 1 : i32
    scf.for %parallel_loop3A_722 = %parallel_loop3A_679 to %parallel_loop3A_680 step %parallel_loop3A_681  : i32 {
      %parallel_loop3A_723 = arith.index_cast %parallel_loop3A_722 : i32 to index
      %parallel_loop3A_724 = memref.load %arg8[%parallel_loop3A_723] : memref<128xi32, #tpu.memory_space<smem>>
      %parallel_loop3A_725 = arith.index_cast %parallel_loop3A_724 : i32 to index
      %parallel_loop3A_726 = arith.constant 0 : index
      %parallel_loop3A_727 = tpu.vector_load %arg6[%parallel_loop3A_725, %parallel_loop3A_726] {strides = array<i32>} : memref<8x512xf32, #tpu.memory_space<vmem>>, vector<1x16xf32>,
      %parallel_loop3A_728 = vector.shape_cast %parallel_loop3A_727 : vector<1x16xf32> to vector<16xf32>
      %parallel_loop3A_729 = arith.index_cast %parallel_loop3A_722 : i32 to index
      %parallel_loop3A_730 = arith.constant 0 : index
      %parallel_loop3A_731 = tpu.vector_load %arg7[%parallel_loop3A_729, %parallel_loop3A_730] {strides = array<i32>} : memref<128x512xf32, #tpu.memory_space<vmem>>, vector<1x16xf32>,
      %parallel_loop3A_732 = vector.shape_cast %parallel_loop3A_731 : vector<1x16xf32> to vector<16xf32>
      %parallel_loop3A_733 = vector.shape_cast %parallel_loop3A_728 : vector<16xf32> to vector<1x16xf32>
      tpu.vector_store %arg7[%parallel_loop3A_729, %parallel_loop3A_730], %parallel_loop3A_733 {strides = array<i32>} : memref<128x512xf32, #tpu.memory_space<vmem>>, vector<1x16xf32>,
      %parallel_loop3A_734 = arith.index_cast %parallel_loop3A_724 : i32 to index
      %parallel_loop3A_735 = arith.constant 16 : index
      %parallel_loop3A_736 = tpu.vector_load %arg6[%parallel_loop3A_734, %parallel_loop3A_735] {strides = array<i32>} : memref<8x512xf32, #tpu.memory_space<vmem>>, vector<1x16xf32>,
      %parallel_loop3A_737 = vector.shape_cast %parallel_loop3A_736 : vector<1x16xf32> to vector<16xf32>
      %parallel_loop3A_738 = arith.index_cast %parallel_loop3A_722 : i32 to index
      %parallel_loop3A_739 = arith.constant 16 : index
      %parallel_loop3A_740 = tpu.vector_load %arg7[%parallel_loop3A_738, %parallel_loop3A_739] {strides = array<i32>} : memref<128x512xf32, #tpu.memory_space<vmem>>, vector<1x16xf32>,
      %parallel_loop3A_741 = vector.shape_cast %parallel_loop3A_740 : vector<1x16xf32> to vector<16xf32>
      %parallel_loop3A_742 = vector.shape_cast %parallel_loop3A_737 : vector<16xf32> to vector<1x16xf32>
      tpu.vector_store %arg7[%parallel_loop3A_738, %parallel_loop3A_739], %parallel_loop3A_742 {strides = array<i32>} : memref<128x512xf32, #tpu.memory_space<vmem>>, vector<1x16xf32>,
      %parallel_loop3A_743 = arith.index_cast %parallel_loop3A_724 : i32 to index
      %parallel_loop3A_744 = arith.constant 32 : index
      %parallel_loop3A_745 = tpu.vector_load %arg6[%parallel_loop3A_743, %parallel_loop3A_744] {strides = array<i32>} : memref<8x512xf32, #tpu.memory_space<vmem>>, vector<1x16xf32>,
      %parallel_loop3A_746 = vector.shape_cast %parallel_loop3A_745 : vector<1x16xf32> to vector<16xf32>
      %parallel_loop3A_747 = arith.index_cast %parallel_loop3A_722 : i32 to index
      %parallel_loop3A_748 = arith.constant 32 : index
      %parallel_loop3A_749 = tpu.vector_load %arg7[%parallel_loop3A_747, %parallel_loop3A_748] {strides = array<i32>} : memref<128x512xf32, #tpu.memory_space<vmem>>, vector<1x16xf32>,
      %parallel_loop3A_750 = vector.shape_cast %parallel_loop3A_749 : vector<1x16xf32> to vector<16xf32>
      %parallel_loop3A_751 = vector.shape_cast %parallel_loop3A_746 : vector<16xf32> to vector<1x16xf32>
      tpu.vector_store %arg7[%parallel_loop3A_747, %parallel_loop3A_748], %parallel_loop3A_751 {strides = array<i32>} : memref<128x512xf32, #tpu.memory_space<vmem>>, vector<1x16xf32>,
      %parallel_loop3A_752 = arith.index_cast %parallel_loop3A_724 : i32 to index
      %parallel_loop3A_753 = arith.constant 48 : index
      %parallel_loop3A_754 = tpu.vector_load %arg6[%parallel_loop3A_752, %parallel_loop3A_753] {strides = array<i32>} : memref<8x512xf32, #tpu.memory_space<vmem>>, vector<1x16xf32>,
      %parallel_loop3A_755 = vector.shape_cast %parallel_loop3A_754 : vector<1x16xf32> to vector<16xf32>
      %parallel_loop3A_756 = arith.index_cast %parallel_loop3A_722 : i32 to index
      %parallel_loop3A_757 = arith.constant 48 : index
      %parallel_loop3A_758 = tpu.vector_load %arg7[%parallel_loop3A_756, %parallel_loop3A_757] {strides = array<i32>} : memref<128x512xf32, #tpu.memory_space<vmem>>, vector<1x16xf32>,
      %parallel_loop3A_759 = vector.shape_cast %parallel_loop3A_758 : vector<1x16xf32> to vector<16xf32>
      %parallel_loop3A_760 = vector.shape_cast %parallel_loop3A_755 : vector<16xf32> to vector<1x16xf32>
      tpu.vector_store %arg7[%parallel_loop3A_756, %parallel_loop3A_757], %parallel_loop3A_760 {strides = array<i32>} : memref<128x512xf32, #tpu.memory_space<vmem>>, vector<1x16xf32>,
      %parallel_loop3A_761 = arith.index_cast %parallel_loop3A_724 : i32 to index
      %parallel_loop3A_762 = arith.constant 64 : index
      %parallel_loop3A_763 = tpu.vector_load %arg6[%parallel_loop3A_761, %parallel_loop3A_762] {strides = array<i32>} : memref<8x512xf32, #tpu.memory_space<vmem>>, vector<1x16xf32>,
      %parallel_loop3A_764 = vector.shape_cast %parallel_loop3A_763 : vector<1x16xf32> to vector<16xf32>
      %parallel_loop3A_765 = arith.index_cast %parallel_loop3A_722 : i32 to index
      %parallel_loop3A_766 = arith.constant 64 : index
      %parallel_loop3A_767 = tpu.vector_load %arg7[%parallel_loop3A_765, %parallel_loop3A_766] {strides = array<i32>} : memref<128x512xf32, #tpu.memory_space<vmem>>, vector<1x16xf32>,
      %parallel_loop3A_768 = vector.shape_cast %parallel_loop3A_767 : vector<1x16xf32> to vector<16xf32>
      %parallel_loop3A_769 = vector.shape_cast %parallel_loop3A_764 : vector<16xf32> to vector<1x16xf32>
      tpu.vector_store %arg7[%parallel_loop3A_765, %parallel_loop3A_766], %parallel_loop3A_769 {strides = array<i32>} : memref<128x512xf32, #tpu.memory_space<vmem>>, vector<1x16xf32>,
      %parallel_loop3A_770 = arith.index_cast %parallel_loop3A_724 : i32 to index
      %parallel_loop3A_771 = arith.constant 80 : index
      %parallel_loop3A_772 = tpu.vector_load %arg6[%parallel_loop3A_770, %parallel_loop3A_771] {strides = array<i32>} : memref<8x512xf32, #tpu.memory_space<vmem>>, vector<1x16xf32>,
      %parallel_loop3A_773 = vector.shape_cast %parallel_loop3A_772 : vector<1x16xf32> to vector<16xf32>
      %parallel_loop3A_774 = arith.index_cast %parallel_loop3A_722 : i32 to index
      %parallel_loop3A_775 = arith.constant 80 : index
      %parallel_loop3A_776 = tpu.vector_load %arg7[%parallel_loop3A_774, %parallel_loop3A_775] {strides = array<i32>} : memref<128x512xf32, #tpu.memory_space<vmem>>, vector<1x16xf32>,
      %parallel_loop3A_777 = vector.shape_cast %parallel_loop3A_776 : vector<1x16xf32> to vector<16xf32>
      %parallel_loop3A_778 = vector.shape_cast %parallel_loop3A_773 : vector<16xf32> to vector<1x16xf32>
      tpu.vector_store %arg7[%parallel_loop3A_774, %parallel_loop3A_775], %parallel_loop3A_778 {strides = array<i32>} : memref<128x512xf32, #tpu.memory_space<vmem>>, vector<1x16xf32>,
      %parallel_loop3A_779 = arith.index_cast %parallel_loop3A_724 : i32 to index
      %parallel_loop3A_780 = arith.constant 96 : index
      %parallel_loop3A_781 = tpu.vector_load %arg6[%parallel_loop3A_779, %parallel_loop3A_780] {strides = array<i32>} : memref<8x512xf32, #tpu.memory_space<vmem>>, vector<1x16xf32>,
      %parallel_loop3A_782 = vector.shape_cast %parallel_loop3A_781 : vector<1x16xf32> to vector<16xf32>
      %parallel_loop3A_783 = arith.index_cast %parallel_loop3A_722 : i32 to index
      %parallel_loop3A_784 = arith.constant 96 : index
      %parallel_loop3A_785 = tpu.vector_load %arg7[%parallel_loop3A_783, %parallel_loop3A_784] {strides = array<i32>} : memref<128x512xf32, #tpu.memory_space<vmem>>, vector<1x16xf32>,
      %parallel_loop3A_786 = vector.shape_cast %parallel_loop3A_785 : vector<1x16xf32> to vector<16xf32>
      %parallel_loop3A_787 = vector.shape_cast %parallel_loop3A_782 : vector<16xf32> to vector<1x16xf32>
      tpu.vector_store %arg7[%parallel_loop3A_783, %parallel_loop3A_784], %parallel_loop3A_787 {strides = array<i32>} : memref<128x512xf32, #tpu.memory_space<vmem>>, vector<1x16xf32>,
      %parallel_loop3A_788 = arith.index_cast %parallel_loop3A_724 : i32 to index
      %parallel_loop3A_789 = arith.constant 112 : index
      %parallel_loop3A_790 = tpu.vector_load %arg6[%parallel_loop3A_788, %parallel_loop3A_789] {strides = array<i32>} : memref<8x512xf32, #tpu.memory_space<vmem>>, vector<1x16xf32>,
      %parallel_loop3A_791 = vector.shape_cast %parallel_loop3A_790 : vector<1x16xf32> to vector<16xf32>
      %parallel_loop3A_792 = arith.index_cast %parallel_loop3A_722 : i32 to index
      %parallel_loop3A_793 = arith.constant 112 : index
      %parallel_loop3A_794 = tpu.vector_load %arg7[%parallel_loop3A_792, %parallel_loop3A_793] {strides = array<i32>} : memref<128x512xf32, #tpu.memory_space<vmem>>, vector<1x16xf32>,
      %parallel_loop3A_795 = vector.shape_cast %parallel_loop3A_794 : vector<1x16xf32> to vector<16xf32>
      %parallel_loop3A_796 = vector.shape_cast %parallel_loop3A_791 : vector<16xf32> to vector<1x16xf32>
      tpu.vector_store %arg7[%parallel_loop3A_792, %parallel_loop3A_793], %parallel_loop3A_796 {strides = array<i32>} : memref<128x512xf32, #tpu.memory_space<vmem>>, vector<1x16xf32>,
      %parallel_loop3A_797 = arith.index_cast %parallel_loop3A_724 : i32 to index
      %parallel_loop3A_798 = arith.constant 128 : index
      %parallel_loop3A_799 = tpu.vector_load %arg6[%parallel_loop3A_797, %parallel_loop3A_798] {strides = array<i32>} : memref<8x512xf32, #tpu.memory_space<vmem>>, vector<1x16xf32>,
      %parallel_loop3A_800 = vector.shape_cast %parallel_loop3A_799 : vector<1x16xf32> to vector<16xf32>
      %parallel_loop3A_801 = arith.index_cast %parallel_loop3A_722 : i32 to index
      %parallel_loop3A_802 = arith.constant 128 : index
      %parallel_loop3A_803 = tpu.vector_load %arg7[%parallel_loop3A_801, %parallel_loop3A_802] {strides = array<i32>} : memref<128x512xf32, #tpu.memory_space<vmem>>, vector<1x16xf32>,
      %parallel_loop3A_804 = vector.shape_cast %parallel_loop3A_803 : vector<1x16xf32> to vector<16xf32>
      %parallel_loop3A_805 = vector.shape_cast %parallel_loop3A_800 : vector<16xf32> to vector<1x16xf32>
      tpu.vector_store %arg7[%parallel_loop3A_801, %parallel_loop3A_802], %parallel_loop3A_805 {strides = array<i32>} : memref<128x512xf32, #tpu.memory_space<vmem>>, vector<1x16xf32>,
      %parallel_loop3A_806 = arith.index_cast %parallel_loop3A_724 : i32 to index
      %parallel_loop3A_807 = arith.constant 144 : index
      %parallel_loop3A_808 = tpu.vector_load %arg6[%parallel_loop3A_806, %parallel_loop3A_807] {strides = array<i32>} : memref<8x512xf32, #tpu.memory_space<vmem>>, vector<1x16xf32>,
      %parallel_loop3A_809 = vector.shape_cast %parallel_loop3A_808 : vector<1x16xf32> to vector<16xf32>
      %parallel_loop3A_810 = arith.index_cast %parallel_loop3A_722 : i32 to index
      %parallel_loop3A_811 = arith.constant 144 : index
      %parallel_loop3A_812 = tpu.vector_load %arg7[%parallel_loop3A_810, %parallel_loop3A_811] {strides = array<i32>} : memref<128x512xf32, #tpu.memory_space<vmem>>, vector<1x16xf32>,
      %parallel_loop3A_813 = vector.shape_cast %parallel_loop3A_812 : vector<1x16xf32> to vector<16xf32>
      %parallel_loop3A_814 = vector.shape_cast %parallel_loop3A_809 : vector<16xf32> to vector<1x16xf32>
      tpu.vector_store %arg7[%parallel_loop3A_810, %parallel_loop3A_811], %parallel_loop3A_814 {strides = array<i32>} : memref<128x512xf32, #tpu.memory_space<vmem>>, vector<1x16xf32>,
      %parallel_loop3A_815 = arith.index_cast %parallel_loop3A_724 : i32 to index
      %parallel_loop3A_816 = arith.constant 160 : index
      %parallel_loop3A_817 = tpu.vector_load %arg6[%parallel_loop3A_815, %parallel_loop3A_816] {strides = array<i32>} : memref<8x512xf32, #tpu.memory_space<vmem>>, vector<1x16xf32>,
      %parallel_loop3A_818 = vector.shape_cast %parallel_loop3A_817 : vector<1x16xf32> to vector<16xf32>
      %parallel_loop3A_819 = arith.index_cast %parallel_loop3A_722 : i32 to index
      %parallel_loop3A_820 = arith.constant 160 : index
      %parallel_loop3A_821 = tpu.vector_load %arg7[%parallel_loop3A_819, %parallel_loop3A_820] {strides = array<i32>} : memref<128x512xf32, #tpu.memory_space<vmem>>, vector<1x16xf32>,
      %parallel_loop3A_822 = vector.shape_cast %parallel_loop3A_821 : vector<1x16xf32> to vector<16xf32>
      %parallel_loop3A_823 = vector.shape_cast %parallel_loop3A_818 : vector<16xf32> to vector<1x16xf32>
      tpu.vector_store %arg7[%parallel_loop3A_819, %parallel_loop3A_820], %parallel_loop3A_823 {strides = array<i32>} : memref<128x512xf32, #tpu.memory_space<vmem>>, vector<1x16xf32>,
      %parallel_loop3A_824 = arith.index_cast %parallel_loop3A_724 : i32 to index
      %parallel_loop3A_825 = arith.constant 176 : index
      %parallel_loop3A_826 = tpu.vector_load %arg6[%parallel_loop3A_824, %parallel_loop3A_825] {strides = array<i32>} : memref<8x512xf32, #tpu.memory_space<vmem>>, vector<1x16xf32>,
      %parallel_loop3A_827 = vector.shape_cast %parallel_loop3A_826 : vector<1x16xf32> to vector<16xf32>
      %parallel_loop3A_828 = arith.index_cast %parallel_loop3A_722 : i32 to index
      %parallel_loop3A_829 = arith.constant 176 : index
      %parallel_loop3A_830 = tpu.vector_load %arg7[%parallel_loop3A_828, %parallel_loop3A_829] {strides = array<i32>} : memref<128x512xf32, #tpu.memory_space<vmem>>, vector<1x16xf32>,
      %parallel_loop3A_831 = vector.shape_cast %parallel_loop3A_830 : vector<1x16xf32> to vector<16xf32>
      %parallel_loop3A_832 = vector.shape_cast %parallel_loop3A_827 : vector<16xf32> to vector<1x16xf32>
      tpu.vector_store %arg7[%parallel_loop3A_828, %parallel_loop3A_829], %parallel_loop3A_832 {strides = array<i32>} : memref<128x512xf32, #tpu.memory_space<vmem>>, vector<1x16xf32>,
      %parallel_loop3A_833 = arith.index_cast %parallel_loop3A_724 : i32 to index
      %parallel_loop3A_834 = arith.constant 192 : index
      %parallel_loop3A_835 = tpu.vector_load %arg6[%parallel_loop3A_833, %parallel_loop3A_834] {strides = array<i32>} : memref<8x512xf32, #tpu.memory_space<vmem>>, vector<1x16xf32>,
      %parallel_loop3A_836 = vector.shape_cast %parallel_loop3A_835 : vector<1x16xf32> to vector<16xf32>
      %parallel_loop3A_837 = arith.index_cast %parallel_loop3A_722 : i32 to index
      %parallel_loop3A_838 = arith.constant 192 : index
      %parallel_loop3A_839 = tpu.vector_load %arg7[%parallel_loop3A_837, %parallel_loop3A_838] {strides = array<i32>} : memref<128x512xf32, #tpu.memory_space<vmem>>, vector<1x16xf32>,
      %parallel_loop3A_840 = vector.shape_cast %parallel_loop3A_839 : vector<1x16xf32> to vector<16xf32>
      %parallel_loop3A_841 = vector.shape_cast %parallel_loop3A_836 : vector<16xf32> to vector<1x16xf32>
      tpu.vector_store %arg7[%parallel_loop3A_837, %parallel_loop3A_838], %parallel_loop3A_841 {strides = array<i32>} : memref<128x512xf32, #tpu.memory_space<vmem>>, vector<1x16xf32>,
      %parallel_loop3A_842 = arith.index_cast %parallel_loop3A_724 : i32 to index
      %parallel_loop3A_843 = arith.constant 208 : index
      %parallel_loop3A_844 = tpu.vector_load %arg6[%parallel_loop3A_842, %parallel_loop3A_843] {strides = array<i32>} : memref<8x512xf32, #tpu.memory_space<vmem>>, vector<1x16xf32>,
      %parallel_loop3A_845 = vector.shape_cast %parallel_loop3A_844 : vector<1x16xf32> to vector<16xf32>
      %parallel_loop3A_846 = arith.index_cast %parallel_loop3A_722 : i32 to index
      %parallel_loop3A_847 = arith.constant 208 : index
      %parallel_loop3A_848 = tpu.vector_load %arg7[%parallel_loop3A_846, %parallel_loop3A_847] {strides = array<i32>} : memref<128x512xf32, #tpu.memory_space<vmem>>, vector<1x16xf32>,
      %parallel_loop3A_849 = vector.shape_cast %parallel_loop3A_848 : vector<1x16xf32> to vector<16xf32>
      %parallel_loop3A_850 = vector.shape_cast %parallel_loop3A_845 : vector<16xf32> to vector<1x16xf32>
      tpu.vector_store %arg7[%parallel_loop3A_846, %parallel_loop3A_847], %parallel_loop3A_850 {strides = array<i32>} : memref<128x512xf32, #tpu.memory_space<vmem>>, vector<1x16xf32>,
      %parallel_loop3A_851 = arith.index_cast %parallel_loop3A_724 : i32 to index
      %parallel_loop3A_852 = arith.constant 224 : index
      %parallel_loop3A_853 = tpu.vector_load %arg6[%parallel_loop3A_851, %parallel_loop3A_852] {strides = array<i32>} : memref<8x512xf32, #tpu.memory_space<vmem>>, vector<1x16xf32>,
      %parallel_loop3A_854 = vector.shape_cast %parallel_loop3A_853 : vector<1x16xf32> to vector<16xf32>
      %parallel_loop3A_855 = arith.index_cast %parallel_loop3A_722 : i32 to index
      %parallel_loop3A_856 = arith.constant 224 : index
      %parallel_loop3A_857 = tpu.vector_load %arg7[%parallel_loop3A_855, %parallel_loop3A_856] {strides = array<i32>} : memref<128x512xf32, #tpu.memory_space<vmem>>, vector<1x16xf32>,
      %parallel_loop3A_858 = vector.shape_cast %parallel_loop3A_857 : vector<1x16xf32> to vector<16xf32>
      %parallel_loop3A_859 = vector.shape_cast %parallel_loop3A_854 : vector<16xf32> to vector<1x16xf32>
      tpu.vector_store %arg7[%parallel_loop3A_855, %parallel_loop3A_856], %parallel_loop3A_859 {strides = array<i32>} : memref<128x512xf32, #tpu.memory_space<vmem>>, vector<1x16xf32>,
      %parallel_loop3A_860 = arith.index_cast %parallel_loop3A_724 : i32 to index
      %parallel_loop3A_861 = arith.constant 240 : index
      %parallel_loop3A_862 = tpu.vector_load %arg6[%parallel_loop3A_860, %parallel_loop3A_861] {strides = array<i32>} : memref<8x512xf32, #tpu.memory_space<vmem>>, vector<1x16xf32>,
      %parallel_loop3A_863 = vector.shape_cast %parallel_loop3A_862 : vector<1x16xf32> to vector<16xf32>
      %parallel_loop3A_864 = arith.index_cast %parallel_loop3A_722 : i32 to index
      %parallel_loop3A_865 = arith.constant 240 : index
      %parallel_loop3A_866 = tpu.vector_load %arg7[%parallel_loop3A_864, %parallel_loop3A_865] {strides = array<i32>} : memref<128x512xf32, #tpu.memory_space<vmem>>, vector<1x16xf32>,
      %parallel_loop3A_867 = vector.shape_cast %parallel_loop3A_866 : vector<1x16xf32> to vector<16xf32>
      %parallel_loop3A_868 = vector.shape_cast %parallel_loop3A_863 : vector<16xf32> to vector<1x16xf32>
      tpu.vector_store %arg7[%parallel_loop3A_864, %parallel_loop3A_865], %parallel_loop3A_868 {strides = array<i32>} : memref<128x512xf32, #tpu.memory_space<vmem>>, vector<1x16xf32>,
      %parallel_loop3A_869 = arith.index_cast %parallel_loop3A_724 : i32 to index
      %parallel_loop3A_870 = arith.constant 256 : index
      %parallel_loop3A_871 = tpu.vector_load %arg6[%parallel_loop3A_869, %parallel_loop3A_870] {strides = array<i32>} : memref<8x512xf32, #tpu.memory_space<vmem>>, vector<1x16xf32>,
      %parallel_loop3A_872 = vector.shape_cast %parallel_loop3A_871 : vector<1x16xf32> to vector<16xf32>
      %parallel_loop3A_873 = arith.index_cast %parallel_loop3A_722 : i32 to index
      %parallel_loop3A_874 = arith.constant 256 : index
      %parallel_loop3A_875 = tpu.vector_load %arg7[%parallel_loop3A_873, %parallel_loop3A_874] {strides = array<i32>} : memref<128x512xf32, #tpu.memory_space<vmem>>, vector<1x16xf32>,
      %parallel_loop3A_876 = vector.shape_cast %parallel_loop3A_875 : vector<1x16xf32> to vector<16xf32>
      %parallel_loop3A_877 = vector.shape_cast %parallel_loop3A_872 : vector<16xf32> to vector<1x16xf32>
      tpu.vector_store %arg7[%parallel_loop3A_873, %parallel_loop3A_874], %parallel_loop3A_877 {strides = array<i32>} : memref<128x512xf32, #tpu.memory_space<vmem>>, vector<1x16xf32>,
      %parallel_loop3A_878 = arith.index_cast %parallel_loop3A_724 : i32 to index
      %parallel_loop3A_879 = arith.constant 272 : index
      %parallel_loop3A_880 = tpu.vector_load %arg6[%parallel_loop3A_878, %parallel_loop3A_879] {strides = array<i32>} : memref<8x512xf32, #tpu.memory_space<vmem>>, vector<1x16xf32>,
      %parallel_loop3A_881 = vector.shape_cast %parallel_loop3A_880 : vector<1x16xf32> to vector<16xf32>
      %parallel_loop3A_882 = arith.index_cast %parallel_loop3A_722 : i32 to index
      %parallel_loop3A_883 = arith.constant 272 : index
      %parallel_loop3A_884 = tpu.vector_load %arg7[%parallel_loop3A_882, %parallel_loop3A_883] {strides = array<i32>} : memref<128x512xf32, #tpu.memory_space<vmem>>, vector<1x16xf32>,
      %parallel_loop3A_885 = vector.shape_cast %parallel_loop3A_884 : vector<1x16xf32> to vector<16xf32>
      %parallel_loop3A_886 = vector.shape_cast %parallel_loop3A_881 : vector<16xf32> to vector<1x16xf32>
      tpu.vector_store %arg7[%parallel_loop3A_882, %parallel_loop3A_883], %parallel_loop3A_886 {strides = array<i32>} : memref<128x512xf32, #tpu.memory_space<vmem>>, vector<1x16xf32>,
      %parallel_loop3A_887 = arith.index_cast %parallel_loop3A_724 : i32 to index
      %parallel_loop3A_888 = arith.constant 288 : index
      %parallel_loop3A_889 = tpu.vector_load %arg6[%parallel_loop3A_887, %parallel_loop3A_888] {strides = array<i32>} : memref<8x512xf32, #tpu.memory_space<vmem>>, vector<1x16xf32>,
      %parallel_loop3A_890 = vector.shape_cast %parallel_loop3A_889 : vector<1x16xf32> to vector<16xf32>
      %parallel_loop3A_891 = arith.index_cast %parallel_loop3A_722 : i32 to index
      %parallel_loop3A_892 = arith.constant 288 : index
      %parallel_loop3A_893 = tpu.vector_load %arg7[%parallel_loop3A_891, %parallel_loop3A_892] {strides = array<i32>} : memref<128x512xf32, #tpu.memory_space<vmem>>, vector<1x16xf32>,
      %parallel_loop3A_894 = vector.shape_cast %parallel_loop3A_893 : vector<1x16xf32> to vector<16xf32>
      %parallel_loop3A_895 = vector.shape_cast %parallel_loop3A_890 : vector<16xf32> to vector<1x16xf32>
      tpu.vector_store %arg7[%parallel_loop3A_891, %parallel_loop3A_892], %parallel_loop3A_895 {strides = array<i32>} : memref<128x512xf32, #tpu.memory_space<vmem>>, vector<1x16xf32>,
      %parallel_loop3A_896 = arith.index_cast %parallel_loop3A_724 : i32 to index
      %parallel_loop3A_897 = arith.constant 304 : index
      %parallel_loop3A_898 = tpu.vector_load %arg6[%parallel_loop3A_896, %parallel_loop3A_897] {strides = array<i32>} : memref<8x512xf32, #tpu.memory_space<vmem>>, vector<1x16xf32>,
      %parallel_loop3A_899 = vector.shape_cast %parallel_loop3A_898 : vector<1x16xf32> to vector<16xf32>
      %parallel_loop3A_900 = arith.index_cast %parallel_loop3A_722 : i32 to index
      %parallel_loop3A_901 = arith.constant 304 : index
      %parallel_loop3A_902 = tpu.vector_load %arg7[%parallel_loop3A_900, %parallel_loop3A_901] {strides = array<i32>} : memref<128x512xf32, #tpu.memory_space<vmem>>, vector<1x16xf32>,
      %parallel_loop3A_903 = vector.shape_cast %parallel_loop3A_902 : vector<1x16xf32> to vector<16xf32>
      %parallel_loop3A_904 = vector.shape_cast %parallel_loop3A_899 : vector<16xf32> to vector<1x16xf32>
      tpu.vector_store %arg7[%parallel_loop3A_900, %parallel_loop3A_901], %parallel_loop3A_904 {strides = array<i32>} : memref<128x512xf32, #tpu.memory_space<vmem>>, vector<1x16xf32>,
      %parallel_loop3A_905 = arith.index_cast %parallel_loop3A_724 : i32 to index
      %parallel_loop3A_906 = arith.constant 320 : index
      %parallel_loop3A_907 = tpu.vector_load %arg6[%parallel_loop3A_905, %parallel_loop3A_906] {strides = array<i32>} : memref<8x512xf32, #tpu.memory_space<vmem>>, vector<1x16xf32>,
      %parallel_loop3A_908 = vector.shape_cast %parallel_loop3A_907 : vector<1x16xf32> to vector<16xf32>
      %parallel_loop3A_909 = arith.index_cast %parallel_loop3A_722 : i32 to index
      %parallel_loop3A_910 = arith.constant 320 : index
      %parallel_loop3A_911 = tpu.vector_load %arg7[%parallel_loop3A_909, %parallel_loop3A_910] {strides = array<i32>} : memref<128x512xf32, #tpu.memory_space<vmem>>, vector<1x16xf32>,
      %parallel_loop3A_912 = vector.shape_cast %parallel_loop3A_911 : vector<1x16xf32> to vector<16xf32>
      %parallel_loop3A_913 = vector.shape_cast %parallel_loop3A_908 : vector<16xf32> to vector<1x16xf32>
      tpu.vector_store %arg7[%parallel_loop3A_909, %parallel_loop3A_910], %parallel_loop3A_913 {strides = array<i32>} : memref<128x512xf32, #tpu.memory_space<vmem>>, vector<1x16xf32>,
      %parallel_loop3A_914 = arith.index_cast %parallel_loop3A_724 : i32 to index
      %parallel_loop3A_915 = arith.constant 336 : index
      %parallel_loop3A_916 = tpu.vector_load %arg6[%parallel_loop3A_914, %parallel_loop3A_915] {strides = array<i32>} : memref<8x512xf32, #tpu.memory_space<vmem>>, vector<1x16xf32>,
      %parallel_loop3A_917 = vector.shape_cast %parallel_loop3A_916 : vector<1x16xf32> to vector<16xf32>
      %parallel_loop3A_918 = arith.index_cast %parallel_loop3A_722 : i32 to index
      %parallel_loop3A_919 = arith.constant 336 : index
      %parallel_loop3A_920 = tpu.vector_load %arg7[%parallel_loop3A_918, %parallel_loop3A_919] {strides = array<i32>} : memref<128x512xf32, #tpu.memory_space<vmem>>, vector<1x16xf32>,
      %parallel_loop3A_921 = vector.shape_cast %parallel_loop3A_920 : vector<1x16xf32> to vector<16xf32>
      %parallel_loop3A_922 = vector.shape_cast %parallel_loop3A_917 : vector<16xf32> to vector<1x16xf32>
      tpu.vector_store %arg7[%parallel_loop3A_918, %parallel_loop3A_919], %parallel_loop3A_922 {strides = array<i32>} : memref<128x512xf32, #tpu.memory_space<vmem>>, vector<1x16xf32>,
      %parallel_loop3A_923 = arith.index_cast %parallel_loop3A_724 : i32 to index
      %parallel_loop3A_924 = arith.constant 352 : index
      %parallel_loop3A_925 = tpu.vector_load %arg6[%parallel_loop3A_923, %parallel_loop3A_924] {strides = array<i32>} : memref<8x512xf32, #tpu.memory_space<vmem>>, vector<1x16xf32>,
      %parallel_loop3A_926 = vector.shape_cast %parallel_loop3A_925 : vector<1x16xf32> to vector<16xf32>
      %parallel_loop3A_927 = arith.index_cast %parallel_loop3A_722 : i32 to index
      %parallel_loop3A_928 = arith.constant 352 : index
      %parallel_loop3A_929 = tpu.vector_load %arg7[%parallel_loop3A_927, %parallel_loop3A_928] {strides = array<i32>} : memref<128x512xf32, #tpu.memory_space<vmem>>, vector<1x16xf32>,
      %parallel_loop3A_930 = vector.shape_cast %parallel_loop3A_929 : vector<1x16xf32> to vector<16xf32>
      %parallel_loop3A_931 = vector.shape_cast %parallel_loop3A_926 : vector<16xf32> to vector<1x16xf32>
      tpu.vector_store %arg7[%parallel_loop3A_927, %parallel_loop3A_928], %parallel_loop3A_931 {strides = array<i32>} : memref<128x512xf32, #tpu.memory_space<vmem>>, vector<1x16xf32>,
      %parallel_loop3A_932 = arith.index_cast %parallel_loop3A_724 : i32 to index
      %parallel_loop3A_933 = arith.constant 368 : index
      %parallel_loop3A_934 = tpu.vector_load %arg6[%parallel_loop3A_932, %parallel_loop3A_933] {strides = array<i32>} : memref<8x512xf32, #tpu.memory_space<vmem>>, vector<1x16xf32>,
      %parallel_loop3A_935 = vector.shape_cast %parallel_loop3A_934 : vector<1x16xf32> to vector<16xf32>
      %parallel_loop3A_936 = arith.index_cast %parallel_loop3A_722 : i32 to index
      %parallel_loop3A_937 = arith.constant 368 : index
      %parallel_loop3A_938 = tpu.vector_load %arg7[%parallel_loop3A_936, %parallel_loop3A_937] {strides = array<i32>} : memref<128x512xf32, #tpu.memory_space<vmem>>, vector<1x16xf32>,
      %parallel_loop3A_939 = vector.shape_cast %parallel_loop3A_938 : vector<1x16xf32> to vector<16xf32>
      %parallel_loop3A_940 = vector.shape_cast %parallel_loop3A_935 : vector<16xf32> to vector<1x16xf32>
      tpu.vector_store %arg7[%parallel_loop3A_936, %parallel_loop3A_937], %parallel_loop3A_940 {strides = array<i32>} : memref<128x512xf32, #tpu.memory_space<vmem>>, vector<1x16xf32>,
      %parallel_loop3A_941 = arith.index_cast %parallel_loop3A_724 : i32 to index
      %parallel_loop3A_942 = arith.constant 384 : index
      %parallel_loop3A_943 = tpu.vector_load %arg6[%parallel_loop3A_941, %parallel_loop3A_942] {strides = array<i32>} : memref<8x512xf32, #tpu.memory_space<vmem>>, vector<1x16xf32>,
      %parallel_loop3A_944 = vector.shape_cast %parallel_loop3A_943 : vector<1x16xf32> to vector<16xf32>
      %parallel_loop3A_945 = arith.index_cast %parallel_loop3A_722 : i32 to index
      %parallel_loop3A_946 = arith.constant 384 : index
      %parallel_loop3A_947 = tpu.vector_load %arg7[%parallel_loop3A_945, %parallel_loop3A_946] {strides = array<i32>} : memref<128x512xf32, #tpu.memory_space<vmem>>, vector<1x16xf32>,
      %parallel_loop3A_948 = vector.shape_cast %parallel_loop3A_947 : vector<1x16xf32> to vector<16xf32>
      %parallel_loop3A_949 = vector.shape_cast %parallel_loop3A_944 : vector<16xf32> to vector<1x16xf32>
      tpu.vector_store %arg7[%parallel_loop3A_945, %parallel_loop3A_946], %parallel_loop3A_949 {strides = array<i32>} : memref<128x512xf32, #tpu.memory_space<vmem>>, vector<1x16xf32>,
      %parallel_loop3A_950 = arith.index_cast %parallel_loop3A_724 : i32 to index
      %parallel_loop3A_951 = arith.constant 400 : index
      %parallel_loop3A_952 = tpu.vector_load %arg6[%parallel_loop3A_950, %parallel_loop3A_951] {strides = array<i32>} : memref<8x512xf32, #tpu.memory_space<vmem>>, vector<1x16xf32>,
      %parallel_loop3A_953 = vector.shape_cast %parallel_loop3A_952 : vector<1x16xf32> to vector<16xf32>
      %parallel_loop3A_954 = arith.index_cast %parallel_loop3A_722 : i32 to index
      %parallel_loop3A_955 = arith.constant 400 : index
      %parallel_loop3A_956 = tpu.vector_load %arg7[%parallel_loop3A_954, %parallel_loop3A_955] {strides = array<i32>} : memref<128x512xf32, #tpu.memory_space<vmem>>, vector<1x16xf32>,
      %parallel_loop3A_957 = vector.shape_cast %parallel_loop3A_956 : vector<1x16xf32> to vector<16xf32>
      %parallel_loop3A_958 = vector.shape_cast %parallel_loop3A_953 : vector<16xf32> to vector<1x16xf32>
      tpu.vector_store %arg7[%parallel_loop3A_954, %parallel_loop3A_955], %parallel_loop3A_958 {strides = array<i32>} : memref<128x512xf32, #tpu.memory_space<vmem>>, vector<1x16xf32>,
      %parallel_loop3A_959 = arith.index_cast %parallel_loop3A_724 : i32 to index
      %parallel_loop3A_960 = arith.constant 416 : index
      %parallel_loop3A_961 = tpu.vector_load %arg6[%parallel_loop3A_959, %parallel_loop3A_960] {strides = array<i32>} : memref<8x512xf32, #tpu.memory_space<vmem>>, vector<1x16xf32>,
      %parallel_loop3A_962 = vector.shape_cast %parallel_loop3A_961 : vector<1x16xf32> to vector<16xf32>
      %parallel_loop3A_963 = arith.index_cast %parallel_loop3A_722 : i32 to index
      %parallel_loop3A_964 = arith.constant 416 : index
      %parallel_loop3A_965 = tpu.vector_load %arg7[%parallel_loop3A_963, %parallel_loop3A_964] {strides = array<i32>} : memref<128x512xf32, #tpu.memory_space<vmem>>, vector<1x16xf32>,
      %parallel_loop3A_966 = vector.shape_cast %parallel_loop3A_965 : vector<1x16xf32> to vector<16xf32>
      %parallel_loop3A_967 = vector.shape_cast %parallel_loop3A_962 : vector<16xf32> to vector<1x16xf32>
      tpu.vector_store %arg7[%parallel_loop3A_963, %parallel_loop3A_964], %parallel_loop3A_967 {strides = array<i32>} : memref<128x512xf32, #tpu.memory_space<vmem>>, vector<1x16xf32>,
      %parallel_loop3A_968 = arith.index_cast %parallel_loop3A_724 : i32 to index
      %parallel_loop3A_969 = arith.constant 432 : index
      %parallel_loop3A_970 = tpu.vector_load %arg6[%parallel_loop3A_968, %parallel_loop3A_969] {strides = array<i32>} : memref<8x512xf32, #tpu.memory_space<vmem>>, vector<1x16xf32>,
      %parallel_loop3A_971 = vector.shape_cast %parallel_loop3A_970 : vector<1x16xf32> to vector<16xf32>
      %parallel_loop3A_972 = arith.index_cast %parallel_loop3A_722 : i32 to index
      %parallel_loop3A_973 = arith.constant 432 : index
      %parallel_loop3A_974 = tpu.vector_load %arg7[%parallel_loop3A_972, %parallel_loop3A_973] {strides = array<i32>} : memref<128x512xf32, #tpu.memory_space<vmem>>, vector<1x16xf32>,
      %parallel_loop3A_975 = vector.shape_cast %parallel_loop3A_974 : vector<1x16xf32> to vector<16xf32>
      %parallel_loop3A_976 = vector.shape_cast %parallel_loop3A_971 : vector<16xf32> to vector<1x16xf32>
      tpu.vector_store %arg7[%parallel_loop3A_972, %parallel_loop3A_973], %parallel_loop3A_976 {strides = array<i32>} : memref<128x512xf32, #tpu.memory_space<vmem>>, vector<1x16xf32>,
      %parallel_loop3A_977 = arith.index_cast %parallel_loop3A_724 : i32 to index
      %parallel_loop3A_978 = arith.constant 448 : index
      %parallel_loop3A_979 = tpu.vector_load %arg6[%parallel_loop3A_977, %parallel_loop3A_978] {strides = array<i32>} : memref<8x512xf32, #tpu.memory_space<vmem>>, vector<1x16xf32>,
      %parallel_loop3A_980 = vector.shape_cast %parallel_loop3A_979 : vector<1x16xf32> to vector<16xf32>
      %parallel_loop3A_981 = arith.index_cast %parallel_loop3A_722 : i32 to index
      %parallel_loop3A_982 = arith.constant 448 : index
      %parallel_loop3A_983 = tpu.vector_load %arg7[%parallel_loop3A_981, %parallel_loop3A_982] {strides = array<i32>} : memref<128x512xf32, #tpu.memory_space<vmem>>, vector<1x16xf32>,
      %parallel_loop3A_984 = vector.shape_cast %parallel_loop3A_983 : vector<1x16xf32> to vector<16xf32>
      %parallel_loop3A_985 = vector.shape_cast %parallel_loop3A_980 : vector<16xf32> to vector<1x16xf32>
      tpu.vector_store %arg7[%parallel_loop3A_981, %parallel_loop3A_982], %parallel_loop3A_985 {strides = array<i32>} : memref<128x512xf32, #tpu.memory_space<vmem>>, vector<1x16xf32>,
      %parallel_loop3A_986 = arith.index_cast %parallel_loop3A_724 : i32 to index
      %parallel_loop3A_987 = arith.constant 464 : index
      %parallel_loop3A_988 = tpu.vector_load %arg6[%parallel_loop3A_986, %parallel_loop3A_987] {strides = array<i32>} : memref<8x512xf32, #tpu.memory_space<vmem>>, vector<1x16xf32>,
      %parallel_loop3A_989 = vector.shape_cast %parallel_loop3A_988 : vector<1x16xf32> to vector<16xf32>
      %parallel_loop3A_990 = arith.index_cast %parallel_loop3A_722 : i32 to index
      %parallel_loop3A_991 = arith.constant 464 : index
      %parallel_loop3A_992 = tpu.vector_load %arg7[%parallel_loop3A_990, %parallel_loop3A_991] {strides = array<i32>} : memref<128x512xf32, #tpu.memory_space<vmem>>, vector<1x16xf32>,
      %parallel_loop3A_993 = vector.shape_cast %parallel_loop3A_992 : vector<1x16xf32> to vector<16xf32>
      %parallel_loop3A_994 = vector.shape_cast %parallel_loop3A_989 : vector<16xf32> to vector<1x16xf32>
      tpu.vector_store %arg7[%parallel_loop3A_990, %parallel_loop3A_991], %parallel_loop3A_994 {strides = array<i32>} : memref<128x512xf32, #tpu.memory_space<vmem>>, vector<1x16xf32>,
      %parallel_loop3A_995 = arith.index_cast %parallel_loop3A_724 : i32 to index
      %parallel_loop3A_996 = arith.constant 480 : index
      %parallel_loop3A_997 = tpu.vector_load %arg6[%parallel_loop3A_995, %parallel_loop3A_996] {strides = array<i32>} : memref<8x512xf32, #tpu.memory_space<vmem>>, vector<1x16xf32>,
      %parallel_loop3A_998 = vector.shape_cast %parallel_loop3A_997 : vector<1x16xf32> to vector<16xf32>
      %parallel_loop3A_999 = arith.index_cast %parallel_loop3A_722 : i32 to index
      %parallel_loop3A_1000 = arith.constant 480 : index
      %parallel_loop3A_1001 = tpu.vector_load %arg7[%parallel_loop3A_999, %parallel_loop3A_1000] {strides = array<i32>} : memref<128x512xf32, #tpu.memory_space<vmem>>, vector<1x16xf32>,
      %parallel_loop3A_1002 = vector.shape_cast %parallel_loop3A_1001 : vector<1x16xf32> to vector<16xf32>
      %parallel_loop3A_1003 = vector.shape_cast %parallel_loop3A_998 : vector<16xf32> to vector<1x16xf32>
      tpu.vector_store %arg7[%parallel_loop3A_999, %parallel_loop3A_1000], %parallel_loop3A_1003 {strides = array<i32>} : memref<128x512xf32, #tpu.memory_space<vmem>>, vector<1x16xf32>,
      %parallel_loop3A_1004 = arith.index_cast %parallel_loop3A_724 : i32 to index
      %parallel_loop3A_1005 = arith.constant 496 : index
      %parallel_loop3A_1006 = tpu.vector_load %arg6[%parallel_loop3A_1004, %parallel_loop3A_1005] {strides = array<i32>} : memref<8x512xf32, #tpu.memory_space<vmem>>, vector<1x16xf32>,
      %parallel_loop3A_1007 = vector.shape_cast %parallel_loop3A_1006 : vector<1x16xf32> to vector<16xf32>
      %parallel_loop3A_1008 = arith.index_cast %parallel_loop3A_722 : i32 to index
      %parallel_loop3A_1009 = arith.constant 496 : index
      %parallel_loop3A_1010 = tpu.vector_load %arg7[%parallel_loop3A_1008, %parallel_loop3A_1009] {strides = array<i32>} : memref<128x512xf32, #tpu.memory_space<vmem>>, vector<1x16xf32>,
      %parallel_loop3A_1011 = vector.shape_cast %parallel_loop3A_1010 : vector<1x16xf32> to vector<16xf32>
      %parallel_loop3A_1012 = vector.shape_cast %parallel_loop3A_1007 : vector<16xf32> to vector<1x16xf32>
      tpu.vector_store %arg7[%parallel_loop3A_1008, %parallel_loop3A_1009], %parallel_loop3A_1012 {strides = array<i32>} : memref<128x512xf32, #tpu.memory_space<vmem>>, vector<1x16xf32>,
    } {sc.loop_unroll_factor = 2 : i64, sc.parallel_access}
    %add3A_682 = arith.constant 64 : i32
    %add3A_683 = arith.addi %mul3A_2, %add3A_682 : i32
    %dma_start3A_684 = arith.constant 1 : i32
    %dma_start3A_685 = arith.constant 64 : i32
    %dma_start3A_686 = arith.constant 0 : i32
    %dma_start3A_687 = tpu.memref_slice %arg7[%dma_start3A_685, %dma_start3A_686] : memref<128x512xf32, #tpu.memory_space<vmem>> -> memref<64x512xf32, #tpu.memory_space<vmem>>
    %dma_start3A_688 = arith.constant 0 : i32
    %dma_start3A_689 = tpu.memref_slice %arg4[%add3A_683, %dma_start3A_688] : memref<4096x512xf32, #tpu.memory_space<hbm>> -> memref<64x512xf32, #tpu.memory_space<hbm>>
    %dma_start3A_690 = tpu.memref_slice %arg10[%dma_start3A_684] : memref<2x!tpu.dma_semaphore, #tpu.memory_space<semaphore_mem>> -> memref<1x!tpu.dma_semaphore, #tpu.memory_space<semaphore_mem>>
    %dma_start3A_691 = tpu.memref_squeeze %dma_start3A_690 : memref<1x!tpu.dma_semaphore, #tpu.memory_space<semaphore_mem>> -> memref<!tpu.dma_semaphore, #tpu.memory_space<semaphore_mem>>
    %dma_start3A_692 = arith.constant 0 : i32
    %dma_start3A_693 = tpu.memref_slice %arg4[%add3A_683, %dma_start3A_692] : memref<4096x512xf32, #tpu.memory_space<hbm>> -> memref<64x512xf32, #tpu.memory_space<hbm>>
    %dma_start3A_694 = arith.constant 64 : i32
    %dma_start3A_695 = arith.constant 0 : i32
    %dma_start3A_696 = tpu.memref_slice %arg7[%dma_start3A_694, %dma_start3A_695] : memref<128x512xf32, #tpu.memory_space<vmem>> -> memref<64x512xf32, #tpu.memory_space<vmem>>
    tpu.enqueue_dma source(%dma_start3A_696 : memref<64x512xf32, #tpu.memory_space<vmem>>) target(%dma_start3A_693 : memref<64x512xf32, #tpu.memory_space<hbm>>) target_semaphore(%dma_start3A_691 : memref<!tpu.dma_semaphore, #tpu.memory_space<semaphore_mem>>)
    %dma_wait3A = arith.constant 0 : i32
    %dma_wait3A_697 = arith.constant 0 : i32
    %dma_wait3A_698 = arith.constant 0 : i32
    %dma_wait3A_699 = tpu.memref_slice %arg7[%dma_wait3A_697, %dma_wait3A_698] : memref<128x512xf32, #tpu.memory_space<vmem>> -> memref<64x512xf32, #tpu.memory_space<vmem>>
    %dma_wait3A_700 = arith.constant 0 : i32
    %dma_wait3A_701 = tpu.memref_slice %arg4[%add3A_666, %dma_wait3A_700] : memref<4096x512xf32, #tpu.memory_space<hbm>> -> memref<64x512xf32, #tpu.memory_space<hbm>>
    %dma_wait3A_702 = tpu.memref_slice %arg10[%dma_wait3A] : memref<2x!tpu.dma_semaphore, #tpu.memory_space<semaphore_mem>> -> memref<1x!tpu.dma_semaphore, #tpu.memory_space<semaphore_mem>>
    %dma_wait3A_703 = tpu.memref_squeeze %dma_wait3A_702 : memref<1x!tpu.dma_semaphore, #tpu.memory_space<semaphore_mem>> -> memref<!tpu.dma_semaphore, #tpu.memory_space<semaphore_mem>>
    %dma_wait3A_704 = arith.constant 0 : i32
    %dma_wait3A_705 = tpu.memref_slice %arg4[%add3A_666, %dma_wait3A_704] : memref<4096x512xf32, #tpu.memory_space<hbm>> -> memref<64x512xf32, #tpu.memory_space<hbm>>
    %dma_wait3A_706 = arith.constant 0 : i32
    %dma_wait3A_707 = arith.constant 0 : i32
    %dma_wait3A_708 = tpu.memref_slice %arg7[%dma_wait3A_706, %dma_wait3A_707] : memref<128x512xf32, #tpu.memory_space<vmem>> -> memref<64x512xf32, #tpu.memory_space<vmem>>
    tpu.wait_dma2 semaphore(%dma_wait3A_703 : memref<!tpu.dma_semaphore, #tpu.memory_space<semaphore_mem>>) src(%dma_wait3A_708 : memref<64x512xf32, #tpu.memory_space<vmem>>) dst(%dma_wait3A_705 : memref<64x512xf32, #tpu.memory_space<hbm>>)
    %dma_wait3A_709 = arith.constant 1 : i32
    %dma_wait3A_710 = arith.constant 64 : i32
    %dma_wait3A_711 = arith.constant 0 : i32
    %dma_wait3A_712 = tpu.memref_slice %arg7[%dma_wait3A_710, %dma_wait3A_711] : memref<128x512xf32, #tpu.memory_space<vmem>> -> memref<64x512xf32, #tpu.memory_space<vmem>>
    %dma_wait3A_713 = arith.constant 0 : i32
    %dma_wait3A_714 = tpu.memref_slice %arg4[%add3A_683, %dma_wait3A_713] : memref<4096x512xf32, #tpu.memory_space<hbm>> -> memref<64x512xf32, #tpu.memory_space<hbm>>
    %dma_wait3A_715 = tpu.memref_slice %arg10[%dma_wait3A_709] : memref<2x!tpu.dma_semaphore, #tpu.memory_space<semaphore_mem>> -> memref<1x!tpu.dma_semaphore, #tpu.memory_space<semaphore_mem>>
    %dma_wait3A_716 = tpu.memref_squeeze %dma_wait3A_715 : memref<1x!tpu.dma_semaphore, #tpu.memory_space<semaphore_mem>> -> memref<!tpu.dma_semaphore, #tpu.memory_space<semaphore_mem>>
    %dma_wait3A_717 = arith.constant 0 : i32
    %dma_wait3A_718 = tpu.memref_slice %arg4[%add3A_683, %dma_wait3A_717] : memref<4096x512xf32, #tpu.memory_space<hbm>> -> memref<64x512xf32, #tpu.memory_space<hbm>>
    %dma_wait3A_719 = arith.constant 64 : i32
    %dma_wait3A_720 = arith.constant 0 : i32
    %dma_wait3A_721 = tpu.memref_slice %arg7[%dma_wait3A_719, %dma_wait3A_720] : memref<128x512xf32, #tpu.memory_space<vmem>> -> memref<64x512xf32, #tpu.memory_space<vmem>>
    tpu.wait_dma2 semaphore(%dma_wait3A_716 : memref<!tpu.dma_semaphore, #tpu.memory_space<semaphore_mem>>) src(%dma_wait3A_721 : memref<64x512xf32, #tpu.memory_space<vmem>>) dst(%dma_wait3A_718 : memref<64x512xf32, #tpu.memory_space<hbm>>)
    return
  }
}

</mosaic_0001>

<sc_bundles>
// kernel: kernel.3.cloned.1.call-start
scs
__scs_entry_jumppad:
0x0: {  	(pc) =	sbr.rel $0x88, $3  }
0x1: {  	(tag) =	ssettag $0x0;
	lr =	simm.s32 $0x1  }
0x2: {  	[smem:$0x3F9F] =	sst lr;
	_ =	strace $0xD0000000  }
0x3: {  	_ = 	snop  }
0x4: {  	_ = 	snop  }
0x5: {  	_ = 	snop  }
0x6: {  	_ = 	snop  }
0x7: {  	_ = 	snop  }
__scs_overlays_trampoline_lowered:
0x8: {  	[smem:$0x3FAE] =	sst s0  }
0x9: {  	[smem:$0x3FAF] =	sst s1  }
0xa: {  	[smem:$0x3FB0] =	sst s2  }
0xb: {  	[smem:$0x3FB1] =	sst s3  }
0xc: {  	[smem:$0x3FB2] =	sst s4  }
0xd: {  	[smem:$0x3FB3] =	sst s5  }
0xe: {  	[smem:$0x3FB4] =	sst s6  }
0xf: {  	[smem:$0x3FB5] =	sst s7  }
0x10: {  	[smem:$0x3FB6] =	sst s8  }
0x11: {  	[smem:$0x3FB7] =	sst s9;
	s0 =	simm.s32 @!p0 $0x0  }
0x12: {  	s1 =	sld [smem:$0x3F9D];
	s0 =	simm.s32 @p0 $0x1  }
0x13: {  	[smem:$0x3FB8] =	sst s0;
	s0 =	simm.s32 @!p1 $0x0  }
0x14: {  	s2 =	sld [smem:$0x3F9C];
	s0 =	simm.s32 @p1 $0x1  }
0x15: {  	[smem:$0x3FB9] =	sst s0;
	s0 =	simm.s32 @!p2 $0x0  }
0x16: {  	s3 =	sld [smem:$0x3FDB];
	s0 =	simm.s32 @p2 $0x1  }
0x17: {  	s4 =	simm.s32 $0x1BF5;
	[smem:$0x3FBB] =	sst s0  }
0x18: {  	s0 =	sld [smem:$0x3F9E];
	_ =	swait.ge [sflag:s4], $0x0  }
0x19: {  	s7 =	sld [smem:$0x3F9F]  }
0x1a: {  	s8 =	sadd.s32 $0xFFFFE003, lr  }
0x1b: {  	s9 =	sadd.s32 $0xFFFFFEF7, lr;
	s5 =	simm.s32 $0xFFFFFFFF;
	p2 =	slt.u32 s8, $0xFFFFF086  }
0x1c: {  	p1 =	slt.u32 s9, $0xF7A;
	s5 =	simm.s32 @!p2 $0x0  }
0x1d: {  	s5 =	simm.s32 @p1 $0x1;
	p0 =	seq.s32 s7, s2  }
0x1e: {  	s7 =	smul.u32 @!p0 $0xF7A, s2;
	p2 =	seq.s32 @!p0 s5, $0x0  }
0x1f: {  	s9 =	smul.u32 $0xF7A, s1;
	s8 =	simm.s32 @!p0 $0x1BF5;
	p2 =	por !p2, p0  }
0x20: {  	[sflag:s8] =	ssyncset.s32 @!p0 $0xFFFFF086;
	s6 =	sadd.s32 @!p0 s3, s7;
	s7 =	simm.s32 @!p0 $0x108  }
0x21: {  	s3 =	sadd.s32 s3, s9;
	s6 =	sadd.s32 @!p0 $0x88, s6;
	s7 =	simm.s32 @p2 $0x1082  }
0x22: {  	[simem:s7], [sflag:s8] =	dma.local @!p0 [hbm:s6], $0xF7A  }
0x23: {  	s9 =	sor.u32 $0xD0000000, s2;
	s6 =	simm.s32 $0x108;
	_ =	swait.ge @!p0 [sflag:s8], $0x0  }
0x24: {  	s3 =	sadd.s32 $0x88, s3;
	s6 =	simm.s32 @!p1 $0x1082;
	[sflag:s4] =	ssyncset.s32 $0xFFFFF086  }
0x25: {  	[simem:s6], [sflag:s4] =	dma.local [hbm:s3], $0xF7A  }
0x26: {  	[smem:$0x3F9F] =	sst s1;
	(tag) =	ssettag s2;
	_ =	strace s9  }
0x27: {  	s1 =	sld [smem:$0x3FAF]  }
0x28: {  	s2 =	sld [smem:$0x3FB0]  }
0x29: {  	s4 =	sld [smem:$0x3FB2]  }
0x2a: {  	p0 =	seq.s32 s5, $0x0;
	s5 =	sld [smem:$0x3FB3]  }
0x2b: {  	s6 =	sld [smem:$0x3FB4]  }
0x2c: {  	s7 =	sld [smem:$0x3FB5]  }
0x2d: {  	s3 =	simm.s32 $0x108;
	s8 =	sld [smem:$0x3FB6]  }
0x2e: {  	s3 =	simm.s32 @!p0 $0x1082;
	s9 =	sld [smem:$0x3FB7]  }
0x2f: {  	lr =	sadd.s32 s0, s3;
	s0 =	sld [smem:$0x3FAE]  }
0x30: {  	s3 =	sld [smem:$0x3FB1]  }
0x31: {  	[smem:$0x3FBA] =	sst s10  }
0x32: {  	s10 =	sld [smem:$0x3FB8];
	_ =	sdelay $0x3  }
0x33: {  	p0 =	seq.s32 s10, $0x1;
	s10 =	sld [smem:$0x3FBA];
	_ =	sdelay $0x3  }
0x34: {  	[smem:$0x3FBA] =	sst s10  }
0x35: {  	s10 =	sld [smem:$0x3FB9];
	_ =	sdelay $0x3  }
0x36: {  	p1 =	seq.s32 s10, $0x1;
	s10 =	sld [smem:$0x3FBA];
	_ =	sdelay $0x3  }
0x37: {  	[smem:$0x3FBA] =	sst s10  }
0x38: {  	s10 =	sld [smem:$0x3FBB]  }
0x39: {  	_ = 	snop;
	(pc) =	sbr.ind lr, $3  }
0x3a: {  	_ = 	snop  }
0x3b: {  	_ = 	snop  }
0x3c: {  	p2 =	seq.s32 s10, $0x1;
	s10 =	sld [smem:$0x3FBA]  }
0x3d: {  	_ =	shalt  }
0x3e: {  	_ =	shalt  }
0x3f: {  	_ =	shalt  }
0x40: {  	_ =	shalt  }
0x41: {  	_ =	shalt  }
0x42: {  	_ =	shalt  }
0x43: {  	_ =	shalt  }
0x44: {  	_ =	shalt  }
0x45: {  	_ =	shalt  }
0x46: {  	_ =	shalt  }
0x47: {  	_ =	shalt  }
0x48: {  	_ =	shalt  }
0x49: {  	_ =	shalt  }
0x4a: {  	_ =	shalt  }
0x4b: {  	_ =	shalt  }
0x4c: {  	_ =	shalt  }
0x4d: {  	_ =	shalt  }
0x4e: {  	_ =	shalt  }
0x4f: {  	_ =	shalt  }
0x50: {  	_ =	shalt  }
0x51: {  	_ =	shalt  }
0x52: {  	_ =	shalt  }
0x53: {  	_ =	shalt  }
0x54: {  	_ =	shalt  }
0x55: {  	_ =	shalt  }
0x56: {  	_ =	shalt  }
0x57: {  	_ =	shalt  }
0x58: {  	_ =	shalt  }
0x59: {  	_ =	shalt  }
0x5a: {  	_ =	shalt  }
0x5b: {  	_ =	shalt  }
0x5c: {  	_ =	shalt  }
0x5d: {  	_ =	shalt  }
0x5e: {  	_ =	shalt  }
0x5f: {  	_ =	shalt  }
0x60: {  	_ =	shalt  }
0x61: {  	_ =	shalt  }
0x62: {  	_ =	shalt  }
0x63: {  	_ =	shalt  }
0x64: {  	_ =	shalt  }
0x65: {  	_ =	shalt  }
0x66: {  	_ =	shalt  }
0x67: {  	_ =	shalt  }
0x68: {  	_ =	shalt  }
0x69: {  	_ =	shalt  }
0x6a: {  	_ =	shalt  }
0x6b: {  	_ =	shalt  }
0x6c: {  	_ =	shalt  }
0x6d: {  	_ =	shalt  }
0x6e: {  	_ =	shalt  }
0x6f: {  	_ =	shalt  }
0x70: {  	_ =	shalt  }
0x71: {  	_ =	shalt  }
0x72: {  	_ =	shalt  }
0x73: {  	_ =	shalt  }
0x74: {  	_ =	shalt  }
0x75: {  	_ =	shalt  }
0x76: {  	_ =	shalt  }
0x77: {  	_ =	shalt  }
0x78: {  	_ =	shalt  }
0x79: {  	_ =	shalt  }
0x7a: {  	_ =	shalt  }
0x7b: {  	_ =	shalt  }
0x7c: {  	_ =	shalt  }
0x7d: {  	_ =	shalt  }
0x7e: {  	_ =	shalt  }
0x7f: {  	_ =	shalt  }
0x80: {  	_ =	shalt  }
0x81: {  	_ =	shalt  }
0x82: {  	_ =	shalt  }
0x83: {  	_ =	shalt  }
0x84: {  	_ =	shalt  }
0x85: {  	_ =	shalt  }
0x86: {  	_ =	shalt  }
0x87: {  	_ =	shalt  }
.Lfunc_end0:
.L_simem_size_0:
called_computation_lowered:
.L_overlay_start_0:
0x88: {  	s2 =	sld [smem:$0x3FD9]  }
0x89: {  	s3 =	sld [smem:$0x3FFE];
	_ =	sdelay $0x1  }
0x8a: {  	s1 =	srdreg.scid  }
0x8b: {  	s0 =	sand.u32 $0x1, s1  }
0x8c: {  	s18 =	sshll.u32 s0, $0xA;
	s2 =	sadd.s32 s3, s2  }
0x8d: {  	s2 =	sadd.s32 s2, s18  }
0x8e: {  	[smem:$0x3FC6] =	sst s2  }
0x8f: {  	_ = 	snop  }
0x90: {  	s2 =	sld [smem:$0x3FC9]  }
0x91: {  	s19 =	sld [smem:$0x3FC8]  }
0x92: {  	s4 =	sld [smem:$0x3FD0];
	(tm) =	ssettm $0x1  }
0x93: {  	s5 =	sld [smem:$0x3FFB];
	_ =	sdelay $0x3  }
0x94: {  	_ =	strace s5  }
0x95: {  	s5 =	sld [smem:$0x3FFC];
	_ =	sdelay $0x3  }
0x96: {  	_ =	strace s5  }
0x97: {  	s5 =	sld [smem:$0x3FFD];
	_ =	sdelay $0x3  }
0x98: {  	_ =	strace s5  }
0x99: {  	_ =	strace $0x8FFFFFFF  }
0x9a: {  	s20 =	sld [smem:$0x3FDB];
	_ =	sdelay $0x1  }
0x9b: {  	s6 =	simm.s32 $_scs_section_size  }
0x9c: {  	s7 =	simm.s32 $_size__tile_overlayer_lowered;
	s8 =	simm.s32 $_tile_overlayer_lowered  }
0x9d: {  	s23 =	simm.s32 $0x1BFF;
	s22 =	sshll.u32 s8, $0x1;
	s5 =	sadd.s32 s6, s20  }
0x9e: {  	s9 =	simm.s32 $0x0;
	s21 =	sshll.u32 s7, $0x1;
	s7 =	sadd.s32 s22, s5  }
0x9f: {  	[timem:s9], [sflag:s23] =	dma.local [hbm:s7], s21  }
0xa0: {  	_ =	swait.ge [sflag:s23], s21  }
0xa1: {  	s6 =	ssub.s32 $0x0, s21;
	[sflag:s23] =	ssyncset.done $0x0  }
0xa2: {  	[sflag:s23] =	ssyncadd.s32 s6;
	_ =	sdelay $0x1  }
0xa3: {  	s24 =	simm.s32 $0x1B8B  }
0xa4: {  	_ =	swait.ge [sflag:s24], $0x1  }
0xa5: {  	[sflag:s24] =	ssyncset.done $0x0  }
0xa6: {  	s25 =	simm.s32 $0x1B8E;
	[sflag:s24] =	ssyncadd.s32 $0xFFFFFFFF  }
0xa7: {  	s26 =	simm.s32 $execute0_lowered;
	[smem:$0x3FD2] =	sst s25  }
0xa8: {  	s6 =	sshll.u32 s26, $0x1;
	_ =	strace $0x80000046;
	[dreg:$0x1] =	wrdreg $0xFFFFFFFF  }
0xa9: {  	s28 =	simm.s32 $_size_execute0_lowered;
	s5 =	sadd.s32 s5, s6;
	[dreg:$0x0] =	wrdreg $0x0  }
0xaa: {  	s6 =	sshll.u32 s28, $0x1;
	[dreg:$0x2] =	wrdreg s5  }
0xab: {  	[dreg:$0x3] =	wrdreg s6  }
0xac: {  	[dreg:$0x4] =	wrdreg $0xC0  }
0xad: {  	_ =	task [dreg:s9], $0x5FFFF  }
0xae: {  	[dreg:$0x1] =	wrdreg $0xFFFFFFFF  }
0xaf: {  	[dreg:$0x0] =	wrdreg $0x60  }
0xb0: {  	[dreg:$0x2] =	wrdreg s2  }
0xb1: {  	[dreg:$0x3] =	wrdreg s19  }
0xb2: {  	[dreg:$0x4] =	wrdreg s4  }
0xb3: {  	[dreg:$0x5] =	wrdreg $0x9  }
0xb4: {  	_ =	task.clear_ibuf [dreg:s9], $0x6FFFF;
	_ =	strace $0x90000046  }
0xb5: {  	s29 =	simm.s32 $0x9;
	_ =	strace $0x80000048  }
0xb6: {  	_ =	swait.ge [sflag:s29], $0x1  }
0xb7: {  	[sflag:s29] =	ssyncadd.s32 $0xFFFFFFFF  }
0xb8: {  	_ =	strace $0x90000048  }
0xb9: {  	_ =	sfence  }
0xba: {  	s30 =	sld [smem:$0x0];
	_ =	sdelay $0x2  }
0xbb: {  	s31 =	sshll.u32 s1, $0xD;
	s1 =	sshrl.u32 s1, $0x2  }
0xbc: {  	s3 =	sand.u32 $0x4000, s31;
	s1 =	sadd.s32 s1, s30  }
0xbd: {  	s0 =	sor.u32 s3, s0;
	s1 =	sshll.u32 s1, $0x11  }
0xbe: {  	s0 =	sor.u32 s1, s0  }
0xbf: {  	s0 =	sadd.s32 $0x8F2B, s0  }
0xc0: {  	[sflag:s0] =	ssyncadd.remote.s32 $0x1  }
0xc1: {  	_ =	sfence.sel $0xFFFF  }
0xc2: {  	[dreg:$0x0] =	wrdreg $0xFFFFFFFF;
	(pc) =	sbr.abs _section_cstart, $3  }
0xc3: {  	[dreg:$0x1] =	wrdreg $0xFFFFFFFF  }
0xc4: {  	_ =	task.clear_ibuf [dreg:s9], $0x2FFFF;
	_ =	strace $0x9FFFFFFF  }
0xc5: {  	(tm) =	ssettm $0x7FFFFFFF  }
tec
execute0_lowered:
.L_overlay_start_1:
0x0: {  	(tag) =	ssettag $0x1  }
0x1: {  	s0 =	rddreg [dreg:$0x0]  }
0x2: {  	s1 =	rddreg [dreg:$0x2];
	s2 =	srdreg.scid  }
0x3: {  	s3 =	simm.s32 $0x0;
	s4 =	stileid.u32;
	s2 =	sand.u32 $0x1, s2  }
0x4: {  	s9 =	simm.s32 $0x4;
	s4 =	sshll.u32 s4, $0x8;
	s5 =	sshll.u32 s2, $0x7  }
0x5: {  	[smem:$0x7FF] =	sst s3;
	s2 =	ssub.s32 $0x2, s2;
	s4 =	sor.u32 s5, s4  }
0x6: {  	_ =	strace $0x80000047;
	s29 =	sshrl.u32 s2, $0x1;
	s6 =	sshrl.u32 s4, $0x3  }
0x7: {  	s7 =	sshll.u32 s4, $0x6;
	s2 =	ssub.s32 s2, s29;
	s0 =	sadd.s32 s0, s6  }
0x8: {  	s5 =	sadd.s32 s1, s7;
	s31 =	smax.u32 s2, $0x1;
	[dreg:$0x4] =	wrdreg s0  }
0x9: {  	s12 =	simm.s32 $0x2;
	s30 =	sadd.s32 $0x1000, s5;
	[dreg:$0x6] =	wrdreg s31  }
0xa: {  	s13 =	simm.s32 $0x3;
	s14 =	simm.s32 $0x0;
	[dreg:$0x5] =	wrdreg s30  }
.LBB2_1:
0xb: {  	s0 =	rddreg [dreg:$0x1];
	s1 =	simm.s32 $0x80  }
0xc: {  	[tilespmem:s1], [sflag:$0x1] =	stream.linear.gather [hbm4b:s0+s3], $0x1000, $0x38;
	[tilespmem:$0x11080] =	vst v63  }
0xd: {  	s4 =	rddreg [dreg:$0x4]  }
0xe: {  	[tilespmem:s3], [sflag:$0x4] =	stream.linear.gather [hbm4b:s4+s3], $0x80, $0x38;
	[tilespmem:$0x11080] =	vst v63  }
0xf: {  	_ =	swait.ge [sflag:s9], $0x80  }
0x10: {  	[sflag:s9] =	ssyncset.done $0x0  }
0x11: {  	[sflag:s9] =	ssyncadd.s32 $0xFFFFFF80  }
0x12: {  	v0 =	vld [tilespmem:$0x0];
	_ =	sdelay $0x4  }
0x13: {  	(v2sf) =	vpush v0, $0x0  }
0x14: {  	(v2sf) =	vpush v0, $0x1  }
0x15: {  	(v2sf) =	vpush v0, $0x2  }
0x16: {  	(v2sf) =	vpush v0, $0x3  }
0x17: {  	(v2sf) =	vpush v0, $0x4  }
0x18: {  	(v2sf) =	vpush v0, $0x5  }
0x19: {  	(v2sf) =	vpush v0, $0x6  }
0x1a: {  	(v2sf) =	vpush v0, $0x7  }
0x1b: {  	(v2sf) =	vpush v0, $0x8  }
0x1c: {  	(v2sf) =	vpush v0, $0x9  }
0x1d: {  	(v2sf) =	vpush v0, $0xA  }
0x1e: {  	v1 =	vld [tilespmem:$0x10];
	(v2sf) =	vpush v0, $0xB  }
0x1f: {  	(v2sf) =	vpush v0, $0xC  }
0x20: {  	(v2sf) =	vpush v0, $0xD  }
0x21: {  	(v2sf) =	vpush v0, $0xE  }
0x22: {  	s6 =	spop (v2sf);
	(v2sf) =	vpush v0, $0xF  }
0x23: {  	[smem:$0x0] =	sst s6;
	s7 =	spop (v2sf);
	(v2sf) =	vpush v1, $0x0  }
0x24: {  	[smem:$0x1] =	sst s7;
	s8 =	spop (v2sf);
	(v2sf) =	vpush v1, $0x1  }
0x25: {  	[smem:$0x2] =	sst s8;
	s10 =	spop (v2sf);
	(v2sf) =	vpush v1, $0x2  }
0x26: {  	[smem:$0x3] =	sst s10;
	s11 =	spop (v2sf);
	(v2sf) =	vpush v1, $0x3  }
0x27: {  	[smem:$0x4] =	sst s11;
	s15 =	spop (v2sf);
	(v2sf) =	vpush v1, $0x4  }
0x28: {  	[smem:$0x5] =	sst s15;
	s16 =	spop (v2sf);
	(v2sf) =	vpush v1, $0x5  }
0x29: {  	[smem:$0x6] =	sst s16;
	s17 =	spop (v2sf);
	(v2sf) =	vpush v1, $0x6  }
0x2a: {  	[smem:$0x7] =	sst s17;
	s18 =	spop (v2sf);
	(v2sf) =	vpush v1, $0x7  }
0x2b: {  	[smem:$0x8] =	sst s18;
	s19 =	spop (v2sf);
	(v2sf) =	vpush v1, $0x8  }
0x2c: {  	[smem:$0x9] =	sst s19;
	s20 =	spop (v2sf);
	(v2sf) =	vpush v1, $0x9  }
0x2d: {  	[smem:$0xA] =	sst s20;
	s21 =	spop (v2sf);
	(v2sf) =	vpush v1, $0xA  }
0x2e: {  	v0 =	vld [tilespmem:$0x20];
	[smem:$0xB] =	sst s21;
	s22 =	spop (v2sf);
	(v2sf) =	vpush v1, $0xB  }
0x2f: {  	[smem:$0xC] =	sst s22;
	s23 =	spop (v2sf);
	(v2sf) =	vpush v1, $0xC  }
0x30: {  	[smem:$0xD] =	sst s23;
	s24 =	spop (v2sf);
	(v2sf) =	vpush v1, $0xD  }
0x31: {  	[smem:$0xE] =	sst s24;
	s25 =	spop (v2sf);
	(v2sf) =	vpush v1, $0xE  }
0x32: {  	[smem:$0xF] =	sst s25;
	s26 =	spop (v2sf);
	(v2sf) =	vpush v1, $0xF  }
0x33: {  	[smem:$0x10] =	sst s26;
	s1 =	spop (v2sf);
	(v2sf) =	vpush v0, $0x0  }
0x34: {  	[smem:$0x11] =	sst s1;
	s2 =	spop (v2sf);
	(v2sf) =	vpush v0, $0x1  }
0x35: {  	[smem:$0x12] =	sst s2;
	s4 =	spop (v2sf);
	(v2sf) =	vpush v0, $0x2  }
0x36: {  	[smem:$0x13] =	sst s4;
	s6 =	spop (v2sf);
	(v2sf) =	vpush v0, $0x3  }
0x37: {  	[smem:$0x14] =	sst s6;
	s7 =	spop (v2sf);
	(v2sf) =	vpush v0, $0x4  }
0x38: {  	[smem:$0x15] =	sst s7;
	s8 =	spop (v2sf);
	(v2sf) =	vpush v0, $0x5  }
0x39: {  	[smem:$0x16] =	sst s8;
	s10 =	spop (v2sf);
	(v2sf) =	vpush v0, $0x6  }
0x3a: {  	[smem:$0x17] =	sst s10;
	s11 =	spop (v2sf);
	(v2sf) =	vpush v0, $0x7  }
0x3b: {  	[smem:$0x18] =	sst s11;
	s15 =	spop (v2sf);
	(v2sf) =	vpush v0, $0x8  }
0x3c: {  	[smem:$0x19] =	sst s15;
	s16 =	spop (v2sf);
	(v2sf) =	vpush v0, $0x9  }
0x3d: {  	[smem:$0x1A] =	sst s16;
	s17 =	spop (v2sf);
	(v2sf) =	vpush v0, $0xA  }
0x3e: {  	[smem:$0x1B] =	sst s17;
	s18 =	spop (v2sf);
	(v2sf) =	vpush v0, $0xB  }
0x3f: {  	[smem:$0x1C] =	sst s18;
	s19 =	spop (v2sf)  }
0x40: {  	[smem:$0x1D] =	sst s19;
	s20 =	spop (v2sf)  }
0x41: {  	[smem:$0x1E] =	sst s20;
	s21 =	spop (v2sf)  }
0x42: {  	[smem:$0x1F] =	sst s21;
	s22 =	spop (v2sf)  }
0x43: {  	[smem:$0x20] =	sst s22;
	s23 =	spop (v2sf)  }
0x44: {  	[smem:$0x21] =	sst s23;
	s24 =	spop (v2sf)  }
0x45: {  	[smem:$0x22] =	sst s24;
	s25 =	spop (v2sf)  }
0x46: {  	[smem:$0x23] =	sst s25;
	s26 =	spop (v2sf)  }
0x47: {  	[smem:$0x24] =	sst s26;
	s1 =	spop (v2sf)  }
0x48: {  	[smem:$0x25] =	sst s1;
	s2 =	spop (v2sf)  }
0x49: {  	[smem:$0x26] =	sst s2;
	s4 =	spop (v2sf)  }
0x4a: {  	[smem:$0x27] =	sst s4;
	s6 =	spop (v2sf)  }
0x4b: {  	[smem:$0x28] =	sst s6;
	s7 =	spop (v2sf)  }
0x4c: {  	[smem:$0x29] =	sst s7;
	s8 =	spop (v2sf)  }
0x4d: {  	[smem:$0x2A] =	sst s8;
	s10 =	spop (v2sf)  }
0x4e: {  	[smem:$0x2B] =	sst s10  }
0x4f: {  	(v2sf) =	vpush v0, $0xC  }
0x50: {  	v1 =	vld [tilespmem:$0x30];
	_ =	sdelay $0x1  }
0x51: {  	(v2sf) =	vpush v0, $0xD  }
0x52: {  	(v2sf) =	vpush v0, $0xE  }
0x53: {  	(v2sf) =	vpush v0, $0xF  }
0x54: {  	(v2sf) =	vpush v1, $0x0  }
0x55: {  	(v2sf) =	vpush v1, $0x1  }
0x56: {  	(v2sf) =	vpush v1, $0x2  }
0x57: {  	(v2sf) =	vpush v1, $0x3  }
0x58: {  	(v2sf) =	vpush v1, $0x4  }
0x59: {  	(v2sf) =	vpush v1, $0x5  }
0x5a: {  	(v2sf) =	vpush v1, $0x6  }
0x5b: {  	(v2sf) =	vpush v1, $0x7  }
0x5c: {  	(v2sf) =	vpush v1, $0x8  }
0x5d: {  	(v2sf) =	vpush v1, $0x9  }
0x5e: {  	(v2sf) =	vpush v1, $0xA  }
0x5f: {  	v0 =	vld [tilespmem:$0x40];
	s11 =	spop (v2sf);
	(v2sf) =	vpush v1, $0xB  }
0x60: {  	[smem:$0x2C] =	sst s11;
	s15 =	spop (v2sf);
	(v2sf) =	vpush v1, $0xC  }
0x61: {  	[smem:$0x2D] =	sst s15;
	s16 =	spop (v2sf);
	(v2sf) =	vpush v1, $0xD  }
0x62: {  	[smem:$0x2E] =	sst s16;
	s17 =	spop (v2sf);
	(v2sf) =	vpush v1, $0xE  }
0x63: {  	[smem:$0x2F] =	sst s17;
	s18 =	spop (v2sf);
	(v2sf) =	vpush v1, $0xF  }
0x64: {  	[smem:$0x30] =	sst s18;
	s19 =	spop (v2sf);
	(v2sf) =	vpush v0, $0x0  }
0x65: {  	[smem:$0x31] =	sst s19;
	s20 =	spop (v2sf);
	(v2sf) =	vpush v0, $0x1  }
0x66: {  	[smem:$0x32] =	sst s20;
	s21 =	spop (v2sf);
	(v2sf) =	vpush v0, $0x2  }
0x67: {  	[smem:$0x33] =	sst s21;
	s22 =	spop (v2sf);
	(v2sf) =	vpush v0, $0x3  }
0x68: {  	[smem:$0x34] =	sst s22;
	s23 =	spop (v2sf);
	(v2sf) =	vpush v0, $0x4  }
0x69: {  	[smem:$0x35] =	sst s23;
	s24 =	spop (v2sf);
	(v2sf) =	vpush v0, $0x5  }
0x6a: {  	[smem:$0x36] =	sst s24;
	s25 =	spop (v2sf);
	(v2sf) =	vpush v0, $0x6  }
0x6b: {  	[smem:$0x37] =	sst s25;
	s26 =	spop (v2sf);
	(v2sf) =	vpush v0, $0x7  }
0x6c: {  	[smem:$0x38] =	sst s26;
	s1 =	spop (v2sf);
	(v2sf) =	vpush v0, $0x8  }
0x6d: {  	[smem:$0x39] =	sst s1;
	s2 =	spop (v2sf);
	(v2sf) =	vpush v0, $0x9  }
0x6e: {  	[smem:$0x3A] =	sst s2;
	s4 =	spop (v2sf);
	(v2sf) =	vpush v0, $0xA  }
0x6f: {  	v1 =	vld [tilespmem:$0x50];
	[smem:$0x3B] =	sst s4;
	s6 =	spop (v2sf);
	(v2sf) =	vpush v0, $0xB  }
0x70: {  	[smem:$0x3C] =	sst s6;
	s7 =	spop (v2sf);
	(v2sf) =	vpush v0, $0xC  }
0x71: {  	[smem:$0x3D] =	sst s7;
	s8 =	spop (v2sf);
	(v2sf) =	vpush v0, $0xD  }
0x72: {  	[smem:$0x3E] =	sst s8;
	s10 =	spop (v2sf);
	(v2sf) =	vpush v0, $0xE  }
0x73: {  	[smem:$0x3F] =	sst s10;
	s11 =	spop (v2sf);
	(v2sf) =	vpush v0, $0xF  }
0x74: {  	[smem:$0x40] =	sst s11;
	s15 =	spop (v2sf);
	(v2sf) =	vpush v1, $0x0  }
0x75: {  	[smem:$0x41] =	sst s15;
	s16 =	spop (v2sf);
	(v2sf) =	vpush v1, $0x1  }
0x76: {  	[smem:$0x42] =	sst s16;
	s17 =	spop (v2sf);
	(v2sf) =	vpush v1, $0x2  }
0x77: {  	[smem:$0x43] =	sst s17;
	s18 =	spop (v2sf);
	(v2sf) =	vpush v1, $0x3  }
0x78: {  	[smem:$0x44] =	sst s18;
	s19 =	spop (v2sf);
	(v2sf) =	vpush v1, $0x4  }
0x79: {  	[smem:$0x45] =	sst s19;
	s20 =	spop (v2sf);
	(v2sf) =	vpush v1, $0x5  }
0x7a: {  	[smem:$0x46] =	sst s20;
	s21 =	spop (v2sf);
	(v2sf) =	vpush v1, $0x6  }
0x7b: {  	[smem:$0x47] =	sst s21;
	s22 =	spop (v2sf);
	(v2sf) =	vpush v1, $0x7  }
0x7c: {  	[smem:$0x48] =	sst s22;
	s23 =	spop (v2sf);
	(v2sf) =	vpush v1, $0x8  }
0x7d: {  	[smem:$0x49] =	sst s23;
	s24 =	spop (v2sf);
	(v2sf) =	vpush v1, $0x9  }
0x7e: {  	[smem:$0x4A] =	sst s24;
	s25 =	spop (v2sf);
	(v2sf) =	vpush v1, $0xA  }
0x7f: {  	v0 =	vld [tilespmem:$0x60];
	[smem:$0x4B] =	sst s25;
	s26 =	spop (v2sf);
	(v2sf) =	vpush v1, $0xB  }
0x80: {  	[smem:$0x4C] =	sst s26;
	s1 =	spop (v2sf);
	(v2sf) =	vpush v1, $0xC  }
0x81: {  	[smem:$0x4D] =	sst s1;
	s2 =	spop (v2sf);
	(v2sf) =	vpush v1, $0xD  }
0x82: {  	[smem:$0x4E] =	sst s2;
	s4 =	spop (v2sf);
	(v2sf) =	vpush v1, $0xE  }
0x83: {  	[smem:$0x4F] =	sst s4;
	s6 =	spop (v2sf);
	(v2sf) =	vpush v1, $0xF  }
0x84: {  	[smem:$0x50] =	sst s6;
	s7 =	spop (v2sf);
	(v2sf) =	vpush v0, $0x0  }
0x85: {  	[smem:$0x51] =	sst s7;
	s8 =	spop (v2sf);
	(v2sf) =	vpush v0, $0x1  }
0x86: {  	[smem:$0x52] =	sst s8;
	s10 =	spop (v2sf);
	(v2sf) =	vpush v0, $0x2  }
0x87: {  	[smem:$0x53] =	sst s10;
	s11 =	spop (v2sf);
	(v2sf) =	vpush v0, $0x3  }
0x88: {  	[smem:$0x54] =	sst s11;
	s15 =	spop (v2sf);
	(v2sf) =	vpush v0, $0x4  }
0x89: {  	[smem:$0x55] =	sst s15;
	s16 =	spop (v2sf);
	(v2sf) =	vpush v0, $0x5  }
0x8a: {  	[smem:$0x56] =	sst s16;
	s17 =	spop (v2sf);
	(v2sf) =	vpush v0, $0x6  }
0x8b: {  	[smem:$0x57] =	sst s17;
	s18 =	spop (v2sf);
	(v2sf) =	vpush v0, $0x7  }
0x8c: {  	[smem:$0x58] =	sst s18;
	s19 =	spop (v2sf);
	(v2sf) =	vpush v0, $0x8  }
0x8d: {  	[smem:$0x59] =	sst s19;
	s20 =	spop (v2sf);
	(v2sf) =	vpush v0, $0x9  }
0x8e: {  	[smem:$0x5A] =	sst s20;
	s21 =	spop (v2sf);
	(v2sf) =	vpush v0, $0xA  }
0x8f: {  	v1 =	vld [tilespmem:$0x70];
	[smem:$0x5B] =	sst s21;
	s22 =	spop (v2sf);
	(v2sf) =	vpush v0, $0xB  }
0x90: {  	[smem:$0x5C] =	sst s22;
	s23 =	spop (v2sf);
	(v2sf) =	vpush v0, $0xC  }
0x91: {  	[smem:$0x5D] =	sst s23;
	s24 =	spop (v2sf);
	(v2sf) =	vpush v0, $0xD  }
0x92: {  	[smem:$0x5E] =	sst s24;
	s25 =	spop (v2sf);
	(v2sf) =	vpush v0, $0xE  }
0x93: {  	[smem:$0x5F] =	sst s25;
	s26 =	spop (v2sf);
	(v2sf) =	vpush v0, $0xF  }
0x94: {  	[smem:$0x60] =	sst s26;
	s1 =	spop (v2sf);
	(v2sf) =	vpush v1, $0x0  }
0x95: {  	[smem:$0x61] =	sst s1;
	s2 =	spop (v2sf);
	(v2sf) =	vpush v1, $0x1  }
0x96: {  	[smem:$0x62] =	sst s2;
	s4 =	spop (v2sf);
	(v2sf) =	vpush v1, $0x2  }
0x97: {  	[smem:$0x63] =	sst s4;
	s6 =	spop (v2sf);
	(v2sf) =	vpush v1, $0x3  }
0x98: {  	[smem:$0x64] =	sst s6;
	s7 =	spop (v2sf);
	(v2sf) =	vpush v1, $0x4  }
0x99: {  	[smem:$0x65] =	sst s7;
	s8 =	spop (v2sf);
	(v2sf) =	vpush v1, $0x5  }
0x9a: {  	[smem:$0x66] =	sst s8;
	s10 =	spop (v2sf);
	(v2sf) =	vpush v1, $0x6  }
0x9b: {  	[smem:$0x67] =	sst s10;
	s11 =	spop (v2sf);
	(v2sf) =	vpush v1, $0x7  }
0x9c: {  	[smem:$0x68] =	sst s11;
	s15 =	spop (v2sf);
	(v2sf) =	vpush v1, $0x8  }
0x9d: {  	[smem:$0x69] =	sst s15;
	s16 =	spop (v2sf);
	(v2sf) =	vpush v1, $0x9  }
0x9e: {  	[smem:$0x6A] =	sst s16;
	s17 =	spop (v2sf);
	(v2sf) =	vpush v1, $0xA  }
0x9f: {  	[smem:$0x6B] =	sst s17;
	s18 =	spop (v2sf);
	(v2sf) =	vpush v1, $0xB  }
0xa0: {  	[smem:$0x6C] =	sst s18;
	s19 =	spop (v2sf);
	(v2sf) =	vpush v1, $0xC  }
0xa1: {  	[smem:$0x6D] =	sst s19;
	s20 =	spop (v2sf);
	(v2sf) =	vpush v1, $0xD  }
0xa2: {  	[smem:$0x6E] =	sst s20;
	s21 =	spop (v2sf);
	(v2sf) =	vpush v1, $0xE  }
0xa3: {  	[smem:$0x6F] =	sst s21;
	s22 =	spop (v2sf);
	(v2sf) =	vpush v1, $0xF  }
0xa4: {  	s23 =	spop (v2sf);
	[smem:$0x70] =	sst s22  }
0xa5: {  	s24 =	spop (v2sf);
	[smem:$0x71] =	sst s23  }
0xa6: {  	s25 =	spop (v2sf);
	[smem:$0x72] =	sst s24  }
0xa7: {  	s26 =	spop (v2sf);
	[smem:$0x73] =	sst s25  }
0xa8: {  	s2 =	spop (v2sf);
	[smem:$0x74] =	sst s26  }
0xa9: {  	s4 =	spop (v2sf);
	[smem:$0x75] =	sst s2  }
0xaa: {  	s6 =	spop (v2sf);
	[smem:$0x76] =	sst s4  }
0xab: {  	s7 =	spop (v2sf);
	[smem:$0x77] =	sst s6  }
0xac: {  	s8 =	spop (v2sf);
	[smem:$0x78] =	sst s7  }
0xad: {  	s10 =	spop (v2sf);
	[smem:$0x79] =	sst s8  }
0xae: {  	s11 =	spop (v2sf);
	[smem:$0x7A] =	sst s10  }
0xaf: {  	s15 =	spop (v2sf);
	[smem:$0x7B] =	sst s11  }
0xb0: {  	s16 =	spop (v2sf);
	[smem:$0x7C] =	sst s15  }
0xb1: {  	s17 =	spop (v2sf);
	[smem:$0x7D] =	sst s16  }
0xb2: {  	[smem:$0x7E] =	sst s17;
	s18 =	spop (v2sf)  }
0xb3: {  	s19 =	simm.s32 $0x1;
	[smem:$0x7F] =	sst s18  }
0xb4: {  	_ =	swait.ge [sflag:s19], $0x1000  }
0xb5: {  	[sflag:s19] =	ssyncset.done $0x0  }
0xb6: {  	[sflag:s19] =	ssyncadd.s32 $0xFFFFF000  }
0xb7: {  	s0 =	sld [smem:$0x1];
	_ =	sdelay $0x2  }
0xb8: {  	s20 =	sld [smem:$0x0];
	s2 =	sshll.u32 s0, $0x9;
	s0 =	sshll.u32 s0, $0x7  }
0xb9: {  	s2 =	sand.u32 $0xFFFFF000, s2;
	s0 =	sand.u32 $0x380, s0  }
0xba: {  	s15 =	sor.u32 s0, s2  }
0xbb: {  	s8 =	sshll.u32 s20, $0x9;
	s1 =	sshll.u32 s20, $0x7;
	v0 =	vld [tilespmem:s15+$0x80]  }
0xbc: {  	s21 =	sand.u32 $0xFFFFF000, s8;
	s1 =	sand.u32 $0x380, s1  }
0xbd: {  	s16 =	sor.u32 s1, s21  }
0xbe: {  	s22 =	sand.u32 $0x7000, s3;
	s23 =	sand.u32 $0x300, s3;
	v1 =	vld [tilespmem:s16+$0x80]  }
0xbf: {  	s0 =	sor.u32 s23, s22  }
0xc0: {  	[tilespmem:s0+$0x1100] =	vst v0  }
0xc1: {  	v0 =	vld [tilespmem:s15+$0x90];
	_ =	sdelay $0x1  }
0xc2: {  	[tilespmem:s0+$0x1080] =	vst v1  }
0xc3: {  	v1 =	vld [tilespmem:s16+$0x90];
	_ =	sdelay $0x1  }
0xc4: {  	[tilespmem:s0+$0x1110] =	vst v0  }
0xc5: {  	v0 =	vld [tilespmem:s15+$0xA0];
	_ =	sdelay $0x1  }
0xc6: {  	[tilespmem:s0+$0x1090] =	vst v1  }
0xc7: {  	v1 =	vld [tilespmem:s16+$0xA0];
	_ =	sdelay $0x1  }
0xc8: {  	[tilespmem:s0+$0x1120] =	vst v0  }
0xc9: {  	v0 =	vld [tilespmem:s15+$0xB0];
	_ =	sdelay $0x1  }
0xca: {  	[tilespmem:s0+$0x10A0] =	vst v1  }
0xcb: {  	v1 =	vld [tilespmem:s16+$0xB0];
	_ =	sdelay $0x1  }
0xcc: {  	[tilespmem:s0+$0x1130] =	vst v0  }
0xcd: {  	v0 =	vld [tilespmem:s15+$0xC0];
	_ =	sdelay $0x1  }
0xce: {  	[tilespmem:s0+$0x10B0] =	vst v1  }
0xcf: {  	v1 =	vld [tilespmem:s16+$0xC0];
	_ =	sdelay $0x1  }
0xd0: {  	[tilespmem:s0+$0x1140] =	vst v0  }
0xd1: {  	v0 =	vld [tilespmem:s15+$0xD0];
	_ =	sdelay $0x1  }
0xd2: {  	[tilespmem:s0+$0x10C0] =	vst v1  }
0xd3: {  	v1 =	vld [tilespmem:s16+$0xD0];
	_ =	sdelay $0x1  }
0xd4: {  	[tilespmem:s0+$0x1150] =	vst v0  }
0xd5: {  	v0 =	vld [tilespmem:s15+$0xE0];
	_ =	sdelay $0x1  }
0xd6: {  	[tilespmem:s0+$0x10D0] =	vst v1  }
0xd7: {  	v1 =	vld [tilespmem:s16+$0xE0];
	_ =	sdelay $0x1  }
0xd8: {  	[tilespmem:s0+$0x1160] =	vst v0  }
0xd9: {  	v0 =	vld [tilespmem:s15+$0xF0];
	_ =	sdelay $0x1  }
0xda: {  	[tilespmem:s0+$0x10E0] =	vst v1  }
0xdb: {  	v1 =	vld [tilespmem:s16+$0xF0];
	_ =	sdelay $0x1  }
0xdc: {  	[tilespmem:s0+$0x1170] =	vst v0  }
0xdd: {  	v0 =	vld [tilespmem:s15+$0x480];
	_ =	sdelay $0x1  }
0xde: {  	[tilespmem:s0+$0x10F0] =	vst v1  }
0xdf: {  	v1 =	vld [tilespmem:s16+$0x480];
	_ =	sdelay $0x1  }
0xe0: {  	[tilespmem:s0+$0x1500] =	vst v0  }
0xe1: {  	v0 =	vld [tilespmem:s15+$0x490];
	_ =	sdelay $0x1  }
0xe2: {  	[tilespmem:s0+$0x1480] =	vst v1  }
0xe3: {  	v1 =	vld [tilespmem:s16+$0x490]  }
0xe4: {  	s24 =	sld [smem:$0x3]  }
0xe5: {  	s25 =	sld [smem:$0x2];
	[tilespmem:s0+$0x1510] =	vst v0  }
0xe6: {  	v0 =	vld [tilespmem:s15+$0x4A0]  }
0xe7: {  	s26 =	sshll.u32 s24, $0x9;
	s1 =	sshll.u32 s24, $0x7  }
0xe8: {  	s8 =	sand.u32 $0xFFFFF000, s26;
	s1 =	sand.u32 $0x380, s1;
	[tilespmem:s0+$0x1490] =	vst v1  }
0xe9: {  	s17 =	sor.u32 s1, s8;
	v1 =	vld [tilespmem:s16+$0x4A0]  }
0xea: {  	s10 =	sshll.u32 s25, $0x9;
	s2 =	sshll.u32 s25, $0x7;
	v2 =	vld [tilespmem:s17+$0x80]  }
0xeb: {  	s4 =	sand.u32 $0xFFFFF000, s10;
	s2 =	sand.u32 $0x380, s2;
	[tilespmem:s0+$0x1520] =	vst v0  }
0xec: {  	s6 =	simm.s32 $0x100;
	s19 =	simm.s32 $0x400;
	s18 =	sor.u32 s2, s4;
	v0 =	vld [tilespmem:s15+$0x4B0]  }
0xed: {  	s7 =	sand.u32 $0x7000, s19;
	s1 =	sand.u32 $0x300, s6;
	v3 =	vld [tilespmem:s18+$0x80]  }
0xee: {  	s22 =	sor.u32 s1, s7;
	[tilespmem:s0+$0x14A0] =	vst v1  }
0xef: {  	[tilespmem:s22+$0x1100] =	vst v2;
	v1 =	vld [tilespmem:s16+$0x4B0]  }
0xf0: {  	v2 =	vld [tilespmem:s17+$0x90]  }
0xf1: {  	[tilespmem:s0+$0x1530] =	vst v0  }
0xf2: {  	[tilespmem:s22+$0x1080] =	vst v3;
	v0 =	vld [tilespmem:s15+$0x4C0]  }
0xf3: {  	v3 =	vld [tilespmem:s18+$0x90]  }
0xf4: {  	[tilespmem:s0+$0x14B0] =	vst v1  }
0xf5: {  	[tilespmem:s22+$0x1110] =	vst v2;
	v1 =	vld [tilespmem:s16+$0x4C0]  }
0xf6: {  	v2 =	vld [tilespmem:s17+$0xA0]  }
0xf7: {  	[tilespmem:s0+$0x1540] =	vst v0  }
0xf8: {  	[tilespmem:s22+$0x1090] =	vst v3;
	v0 =	vld [tilespmem:s15+$0x4D0]  }
0xf9: {  	v3 =	vld [tilespmem:s18+$0xA0]  }
0xfa: {  	[tilespmem:s0+$0x14C0] =	vst v1  }
0xfb: {  	[tilespmem:s22+$0x1120] =	vst v2;
	v1 =	vld [tilespmem:s16+$0x4D0]  }
0xfc: {  	v2 =	vld [tilespmem:s17+$0xB0]  }
0xfd: {  	[tilespmem:s0+$0x1550] =	vst v0  }
0xfe: {  	[tilespmem:s22+$0x10A0] =	vst v3;
	v0 =	vld [tilespmem:s15+$0x4E0]  }
0xff: {  	v3 =	vld [tilespmem:s18+$0xB0]  }
0x100: {  	[tilespmem:s0+$0x14D0] =	vst v1  }
0x101: {  	[tilespmem:s22+$0x1130] =	vst v2;
	v1 =	vld [tilespmem:s16+$0x4E0]  }
0x102: {  	v2 =	vld [tilespmem:s17+$0xC0]  }
0x103: {  	[tilespmem:s0+$0x1560] =	vst v0  }
0x104: {  	[tilespmem:s22+$0x10B0] =	vst v3;
	v0 =	vld [tilespmem:s15+$0x4F0]  }
0x105: {  	v3 =	vld [tilespmem:s18+$0xC0]  }
0x106: {  	[tilespmem:s0+$0x14E0] =	vst v1  }
0x107: {  	[tilespmem:s22+$0x1140] =	vst v2;
	v1 =	vld [tilespmem:s16+$0x4F0]  }
0x108: {  	v2 =	vld [tilespmem:s17+$0xD0]  }
0x109: {  	[tilespmem:s0+$0x1570] =	vst v0  }
0x10a: {  	[tilespmem:s22+$0x10C0] =	vst v3;
	v0 =	vld [tilespmem:s15+$0x880]  }
0x10b: {  	v3 =	vld [tilespmem:s18+$0xD0]  }
0x10c: {  	[tilespmem:s0+$0x14F0] =	vst v1  }
0x10d: {  	[tilespmem:s22+$0x1150] =	vst v2;
	v1 =	vld [tilespmem:s16+$0x880]  }
0x10e: {  	v2 =	vld [tilespmem:s17+$0xE0]  }
0x10f: {  	[tilespmem:s0+$0x1900] =	vst v0  }
0x110: {  	[tilespmem:s22+$0x10D0] =	vst v3;
	v0 =	vld [tilespmem:s15+$0x890]  }
0x111: {  	v3 =	vld [tilespmem:s18+$0xE0]  }
0x112: {  	[tilespmem:s0+$0x1880] =	vst v1  }
0x113: {  	[tilespmem:s22+$0x1160] =	vst v2;
	v1 =	vld [tilespmem:s16+$0x890]  }
0x114: {  	v2 =	vld [tilespmem:s17+$0xF0]  }
0x115: {  	[tilespmem:s0+$0x1910] =	vst v0  }
0x116: {  	[tilespmem:s22+$0x10E0] =	vst v3;
	v0 =	vld [tilespmem:s15+$0x8A0]  }
0x117: {  	v3 =	vld [tilespmem:s18+$0xF0]  }
0x118: {  	[tilespmem:s0+$0x1890] =	vst v1  }
0x119: {  	[tilespmem:s22+$0x1170] =	vst v2;
	v1 =	vld [tilespmem:s16+$0x8A0]  }
0x11a: {  	v2 =	vld [tilespmem:s17+$0x480]  }
0x11b: {  	[tilespmem:s0+$0x1920] =	vst v0  }
0x11c: {  	[tilespmem:s22+$0x10F0] =	vst v3;
	v0 =	vld [tilespmem:s15+$0x8B0]  }
0x11d: {  	v3 =	vld [tilespmem:s18+$0x480]  }
0x11e: {  	[tilespmem:s0+$0x18A0] =	vst v1  }
0x11f: {  	[tilespmem:s22+$0x1500] =	vst v2;
	v1 =	vld [tilespmem:s16+$0x8B0]  }
0x120: {  	v2 =	vld [tilespmem:s17+$0x490]  }
0x121: {  	[tilespmem:s0+$0x1930] =	vst v0  }
0x122: {  	[tilespmem:s22+$0x1480] =	vst v3;
	v0 =	vld [tilespmem:s15+$0x8C0]  }
0x123: {  	v3 =	vld [tilespmem:s18+$0x490]  }
0x124: {  	s8 =	sld [smem:$0x5];
	[tilespmem:s0+$0x18B0] =	vst v1  }
0x125: {  	s10 =	sld [smem:$0x4];
	[tilespmem:s22+$0x1510] =	vst v2;
	v1 =	vld [tilespmem:s16+$0x8C0]  }
0x126: {  	v2 =	vld [tilespmem:s17+$0x4A0]  }
0x127: {  	s11 =	sshll.u32 s8, $0x9;
	s1 =	sshll.u32 s8, $0x7;
	[tilespmem:s0+$0x1940] =	vst v0  }
0x128: {  	[tilespmem:s22+$0x1490] =	vst v3;
	s8 =	sand.u32 $0xFFFFF000, s11;
	s1 =	sand.u32 $0x380, s1;
	v0 =	vld [tilespmem:s15+$0x8D0]  }
0x129: {  	v3 =	vld [tilespmem:s18+$0x4A0];
	s21 =	sor.u32 s1, s8  }
0x12a: {  	s20 =	sshll.u32 s10, $0x9;
	s2 =	sshll.u32 s10, $0x7;
	v4 =	vld [tilespmem:s21+$0x80];
	[tilespmem:s0+$0x18C0] =	vst v1  }
0x12b: {  	s1 =	sand.u32 $0xFFFFF000, s20;
	s2 =	sand.u32 $0x380, s2;
	[tilespmem:s22+$0x1520] =	vst v2;
	v1 =	vld [tilespmem:s16+$0x8D0]  }
0x12c: {  	s25 =	simm.s32 $0x200;
	s26 =	simm.s32 $0x800;
	s20 =	sor.u32 s2, s1;
	v2 =	vld [tilespmem:s17+$0x4B0]  }
0x12d: {  	s23 =	sand.u32 $0x7000, s26;
	s24 =	sand.u32 $0x300, s25;
	v5 =	vld [tilespmem:s20+$0x80];
	[tilespmem:s0+$0x1950] =	vst v0  }
0x12e: {  	s23 =	sor.u32 s24, s23;
	[tilespmem:s22+$0x14A0] =	vst v3;
	v0 =	vld [tilespmem:s15+$0x8E0]  }
0x12f: {  	v3 =	vld [tilespmem:s18+$0x4B0];
	[tilespmem:s23+$0x1100] =	vst v4  }
0x130: {  	v4 =	vld [tilespmem:s21+$0x90];
	[tilespmem:s0+$0x18D0] =	vst v1  }
0x131: {  	[tilespmem:s22+$0x1530] =	vst v2;
	v1 =	vld [tilespmem:s16+$0x8E0]  }
0x132: {  	[tilespmem:s23+$0x1080] =	vst v5;
	v2 =	vld [tilespmem:s17+$0x4C0]  }
0x133: {  	v5 =	vld [tilespmem:s20+$0x90];
	[tilespmem:s0+$0x1960] =	vst v0  }
0x134: {  	[tilespmem:s22+$0x14B0] =	vst v3;
	v0 =	vld [tilespmem:s15+$0x8F0]  }
0x135: {  	v3 =	vld [tilespmem:s18+$0x4C0];
	[tilespmem:s23+$0x1110] =	vst v4  }
0x136: {  	v4 =	vld [tilespmem:s21+$0xA0];
	[tilespmem:s0+$0x18E0] =	vst v1  }
0x137: {  	[tilespmem:s22+$0x1540] =	vst v2;
	v1 =	vld [tilespmem:s16+$0x8F0]  }
0x138: {  	[tilespmem:s23+$0x1090] =	vst v5;
	v2 =	vld [tilespmem:s17+$0x4D0]  }
0x139: {  	v5 =	vld [tilespmem:s20+$0xA0];
	[tilespmem:s0+$0x1970] =	vst v0  }
0x13a: {  	s2 =	sand.u32 $0x3, s3;
	[tilespmem:s22+$0x14C0] =	vst v3;
	v0 =	vld [tilespmem:s15+$0xC80]  }
0x13b: {  	s1 =	sshll.u32 s2, $0x8;
	v3 =	vld [tilespmem:s18+$0x4D0];
	[tilespmem:s23+$0x1120] =	vst v4  }
0x13c: {  	s1 =	sadd.s32 $0x0, s1;
	v4 =	vld [tilespmem:s21+$0xB0];
	[tilespmem:s0+$0x18F0] =	vst v1  }
0x13d: {  	s24 =	sadd.s32 $0x80, s1;
	[tilespmem:s22+$0x1550] =	vst v2;
	v1 =	vld [tilespmem:s16+$0xC80]  }
0x13e: {  	s4 =	sor.u32 $0xC00, s24;
	[tilespmem:s23+$0x10A0] =	vst v5;
	v2 =	vld [tilespmem:s17+$0x4E0]  }
0x13f: {  	v5 =	vld [tilespmem:s20+$0xB0];
	[tilespmem:s4+$0x1080] =	vst v0  }
0x140: {  	[tilespmem:s22+$0x14D0] =	vst v3;
	v0 =	vld [tilespmem:s15+$0xC90]  }
0x141: {  	s6 =	sor.u32 $0xC00, s1;
	v3 =	vld [tilespmem:s18+$0x4E0];
	[tilespmem:s23+$0x1130] =	vst v4  }
0x142: {  	v4 =	vld [tilespmem:s21+$0xC0];
	[tilespmem:s6+$0x1080] =	vst v1  }
0x143: {  	[tilespmem:s22+$0x1560] =	vst v2;
	v1 =	vld [tilespmem:s16+$0xC90]  }
0x144: {  	s7 =	sor.u32 $0xC10, s24;
	[tilespmem:s23+$0x10B0] =	vst v5;
	v2 =	vld [tilespmem:s17+$0x4F0]  }
0x145: {  	v5 =	vld [tilespmem:s20+$0xC0];
	[tilespmem:s7+$0x1080] =	vst v0  }
0x146: {  	[tilespmem:s22+$0x14E0] =	vst v3;
	v0 =	vld [tilespmem:s15+$0xCA0]  }
0x147: {  	s8 =	sor.u32 $0xC10, s1;
	v3 =	vld [tilespmem:s18+$0x4F0];
	[tilespmem:s23+$0x1140] =	vst v4  }
0x148: {  	v4 =	vld [tilespmem:s21+$0xD0];
	[tilespmem:s8+$0x1080] =	vst v1  }
0x149: {  	[tilespmem:s22+$0x1570] =	vst v2;
	v1 =	vld [tilespmem:s16+$0xCA0]  }
0x14a: {  	s10 =	sor.u32 $0xC20, s24;
	[tilespmem:s23+$0x10C0] =	vst v5;
	v2 =	vld [tilespmem:s17+$0x880]  }
0x14b: {  	v5 =	vld [tilespmem:s20+$0xD0];
	[tilespmem:s10+$0x1080] =	vst v0  }
0x14c: {  	[tilespmem:s22+$0x14F0] =	vst v3;
	v0 =	vld [tilespmem:s15+$0xCB0]  }
0x14d: {  	s11 =	sor.u32 $0xC20, s1;
	v3 =	vld [tilespmem:s18+$0x880];
	[tilespmem:s23+$0x1150] =	vst v4  }
0x14e: {  	v4 =	vld [tilespmem:s21+$0xE0];
	[tilespmem:s11+$0x1080] =	vst v1  }
0x14f: {  	[tilespmem:s22+$0x1900] =	vst v2;
	v1 =	vld [tilespmem:s16+$0xCB0]  }
0x150: {  	s2 =	sor.u32 $0xC30, s24;
	[tilespmem:s23+$0x10D0] =	vst v5;
	v2 =	vld [tilespmem:s17+$0x890]  }
0x151: {  	v5 =	vld [tilespmem:s20+$0xE0];
	[tilespmem:s2+$0x1080] =	vst v0  }
0x152: {  	[tilespmem:s22+$0x1880] =	vst v3;
	v0 =	vld [tilespmem:s15+$0xCC0]  }
0x153: {  	s4 =	sor.u32 $0xC30, s1;
	v3 =	vld [tilespmem:s18+$0x890];
	[tilespmem:s23+$0x1160] =	vst v4  }
0x154: {  	v4 =	vld [tilespmem:s21+$0xF0];
	[tilespmem:s4+$0x1080] =	vst v1  }
0x155: {  	[tilespmem:s22+$0x1910] =	vst v2;
	v1 =	vld [tilespmem:s16+$0xCC0]  }
0x156: {  	s6 =	sor.u32 $0xC40, s24;
	[tilespmem:s23+$0x10E0] =	vst v5;
	v2 =	vld [tilespmem:s17+$0x8A0]  }
0x157: {  	v5 =	vld [tilespmem:s20+$0xF0];
	[tilespmem:s6+$0x1080] =	vst v0  }
0x158: {  	[tilespmem:s22+$0x1890] =	vst v3;
	v0 =	vld [tilespmem:s15+$0xCD0]  }
0x159: {  	s7 =	sor.u32 $0xC40, s1;
	v3 =	vld [tilespmem:s18+$0x8A0];
	[tilespmem:s23+$0x1170] =	vst v4  }
0x15a: {  	v4 =	vld [tilespmem:s21+$0x480];
	[tilespmem:s7+$0x1080] =	vst v1  }
0x15b: {  	[tilespmem:s22+$0x1920] =	vst v2;
	v1 =	vld [tilespmem:s16+$0xCD0]  }
0x15c: {  	s8 =	sor.u32 $0xC50, s24;
	[tilespmem:s23+$0x10F0] =	vst v5;
	v5 =	vld [tilespmem:s17+$0x8B0]  }
0x15d: {  	v6 =	vld [tilespmem:s20+$0x480];
	[tilespmem:s8+$0x1080] =	vst v0  }
0x15e: {  	[tilespmem:s22+$0x18A0] =	vst v3;
	v7 =	vld [tilespmem:s15+$0xCE0]  }
0x15f: {  	s10 =	sor.u32 $0xC50, s1;
	v2 =	vld [tilespmem:s18+$0x8B0];
	[tilespmem:s23+$0x1500] =	vst v4  }
0x160: {  	v3 =	vld [tilespmem:s21+$0x490];
	[tilespmem:s10+$0x1080] =	vst v1  }
0x161: {  	s30 =	simm.s32 $0x0;
	[tilespmem:s22+$0x1930] =	vst v5;
	v0 =	vld [tilespmem:s16+$0xCE0]  }
0x162: {  	s29 =	simm.s32 $0x800;
	s31 =	sor.u32 $0xC60, s1;
	s11 =	sor.u32 $0xC60, s24;
	[tilespmem:s23+$0x1480] =	vst v6;
	v1 =	vld [tilespmem:s17+$0x8C0]  }
0x163: {  	s28 =	sor.u32 $0xC70, s1;
	s0 =	simm.s32 $0x4;
	s2 =	simm.s32 $0x7;
	v4 =	vld [tilespmem:s20+$0x490];
	[tilespmem:s11+$0x1080] =	vst v7  }
.LBB2_2:
0x164: {  	s1 =	sld [smem:s2+$0x0];
	s0 =	sadd.s32 $0x2, s0;
	[tilespmem:s22+$0x18B0] =	vst v2;
	v2 =	vld [tilespmem:s15+$0xCF0];
	s15 =	smov.u32 s17  }
0x165: {  	s17 =	smov.u32 s21;
	s8 =	sld [smem:s2+$0xFFFFFFFF];
	p0 =	slt.u32 s0, $0x3E;
	[tilespmem:s23+$0x1510] =	vst v3;
	v3 =	vld [tilespmem:s18+$0x8C0]  }
0x166: {  	v5 =	vld [tilespmem:s17+$0x4A0];
	[tilespmem:s31+$0x1080] =	vst v0  }
0x167: {  	s10 =	sshll.u32 s1, $0x9;
	s1 =	sshll.u32 s1, $0x7;
	[tilespmem:s22+$0x1940] =	vst v1;
	v0 =	vld [tilespmem:s16+$0xCF0];
	s16 =	smov.u32 s18  }
0x168: {  	s11 =	sor.u32 $0xC70, s24;
	s10 =	sand.u32 $0xFFFFF000, s10;
	s1 =	sand.u32 $0x380, s1;
	[tilespmem:s23+$0x1490] =	vst v4;
	v1 =	vld [tilespmem:s15+$0x8D0]  }
0x169: {  	s18 =	sshll.u32 s8, $0x9;
	s8 =	sshll.u32 s8, $0x7;
	s21 =	sor.u32 s1, s10;
	v4 =	vld [tilespmem:s20+$0x4A0];
	[tilespmem:s11+$0x1080] =	vst v2  }
0x16a: {  	s1 =	sand.u32 $0xFFFFF000, s18;
	s8 =	sand.u32 $0x380, s8;
	s18 =	smov.u32 s20;
	v2 =	vld [tilespmem:s21+$0x80];
	[tilespmem:s22+$0x18C0] =	vst v3  }
0x16b: {  	s20 =	sor.u32 s8, s1;
	[tilespmem:s23+$0x1520] =	vst v5;
	v3 =	vld [tilespmem:s16+$0x8D0]  }
0x16c: {  	s25 =	sadd.s32 $0x100, s25;
	s26 =	sadd.s32 $0x400, s26;
	v5 =	vld [tilespmem:s17+$0x4B0];
	[tilespmem:s28+$0x1080] =	vst v0  }
0x16d: {  	s1 =	sand.u32 $0x7000, s26;
	s8 =	sand.u32 $0x300, s25;
	v0 =	vld [tilespmem:s20+$0x80];
	[tilespmem:s22+$0x1950] =	vst v1  }
0x16e: {  	s11 =	sor.u32 s8, s1;
	[tilespmem:s23+$0x14A0] =	vst v4;
	v1 =	vld [tilespmem:s15+$0x8E0]  }
0x16f: {  	[tilespmem:s11+$0x1100] =	vst v2;
	v2 =	vld [tilespmem:s18+$0x4B0]  }
0x170: {  	v4 =	vld [tilespmem:s21+$0x90];
	[tilespmem:s22+$0x18D0] =	vst v3  }
0x171: {  	[tilespmem:s23+$0x1530] =	vst v5;
	v3 =	vld [tilespmem:s16+$0x8E0]  }
0x172: {  	[tilespmem:s11+$0x1080] =	vst v0;
	v0 =	vld [tilespmem:s17+$0x4C0]  }
0x173: {  	v5 =	vld [tilespmem:s20+$0x90];
	[tilespmem:s22+$0x1960] =	vst v1  }
0x174: {  	[tilespmem:s23+$0x14B0] =	vst v2;
	v1 =	vld [tilespmem:s15+$0x8F0]  }
0x175: {  	[tilespmem:s11+$0x1110] =	vst v4;
	v2 =	vld [tilespmem:s18+$0x4C0]  }
0x176: {  	v4 =	vld [tilespmem:s21+$0xA0];
	[tilespmem:s22+$0x18E0] =	vst v3  }
0x177: {  	[tilespmem:s23+$0x1540] =	vst v0;
	v0 =	vld [tilespmem:s16+$0x8F0]  }
0x178: {  	[tilespmem:s11+$0x1090] =	vst v5;
	v3 =	vld [tilespmem:s17+$0x4D0]  }
0x179: {  	s30 =	sadd.s32 $0x1, s30;
	v5 =	vld [tilespmem:s20+$0xA0];
	[tilespmem:s22+$0x1970] =	vst v1  }
0x17a: {  	s1 =	sand.u32 $0x3, s30;
	[tilespmem:s23+$0x14C0] =	vst v2;
	v1 =	vld [tilespmem:s15+$0xC80]  }
0x17b: {  	s1 =	sshll.u32 s1, $0x8;
	[tilespmem:s11+$0x1120] =	vst v4;
	v2 =	vld [tilespmem:s18+$0x4D0]  }
0x17c: {  	s28 =	sadd.s32 s1, s19;
	s19 =	smov.u32 s29;
	s29 =	smov.u32 s26;
	v4 =	vld [tilespmem:s21+$0xB0];
	[tilespmem:s22+$0x18F0] =	vst v0  }
0x17d: {  	s4 =	sor.u32 $0xC00, s28;
	s6 =	sor.u32 $0xC10, s28;
	s24 =	sadd.s32 $0x80, s28;
	[tilespmem:s23+$0x1550] =	vst v3;
	v0 =	vld [tilespmem:s16+$0xC80]  }
0x17e: {  	s7 =	sor.u32 $0xC20, s28;
	s10 =	sor.u32 $0xC30, s28;
	s22 =	sor.u32 $0xC00, s24;
	[tilespmem:s11+$0x10A0] =	vst v5;
	v3 =	vld [tilespmem:s17+$0x4E0]  }
0x17f: {  	s8 =	sor.u32 $0xC40, s28;
	s1 =	sor.u32 $0xC50, s28;
	s31 =	sor.u32 $0xC60, s28;
	v5 =	vld [tilespmem:s20+$0xB0];
	[tilespmem:s22+$0x1080] =	vst v1  }
0x180: {  	s28 =	sor.u32 $0xC70, s28;
	s22 =	smov.u32 s23;
	[tilespmem:s23+$0x14D0] =	vst v2;
	v1 =	vld [tilespmem:s15+$0xC90];
	s23 =	smov.u32 s11  }
0x181: {  	[tilespmem:s23+$0x1130] =	vst v4;
	v2 =	vld [tilespmem:s18+$0x4E0]  }
0x182: {  	v4 =	vld [tilespmem:s21+$0xC0];
	[tilespmem:s4+$0x1080] =	vst v0  }
0x183: {  	[tilespmem:s22+$0x1560] =	vst v3;
	v0 =	vld [tilespmem:s16+$0xC90]  }
0x184: {  	s4 =	sor.u32 $0xC10, s24;
	[tilespmem:s23+$0x10B0] =	vst v5;
	v3 =	vld [tilespmem:s17+$0x4F0]  }
0x185: {  	v5 =	vld [tilespmem:s20+$0xC0];
	[tilespmem:s4+$0x1080] =	vst v1  }
0x186: {  	[tilespmem:s22+$0x14E0] =	vst v2;
	v1 =	vld [tilespmem:s15+$0xCA0]  }
0x187: {  	[tilespmem:s23+$0x1140] =	vst v4;
	v2 =	vld [tilespmem:s18+$0x4F0]  }
0x188: {  	v4 =	vld [tilespmem:s21+$0xD0];
	[tilespmem:s6+$0x1080] =	vst v0  }
0x189: {  	[tilespmem:s22+$0x1570] =	vst v3;
	v0 =	vld [tilespmem:s16+$0xCA0]  }
0x18a: {  	s4 =	sor.u32 $0xC20, s24;
	[tilespmem:s23+$0x10C0] =	vst v5;
	v3 =	vld [tilespmem:s17+$0x880]  }
0x18b: {  	v5 =	vld [tilespmem:s20+$0xD0];
	[tilespmem:s4+$0x1080] =	vst v1  }
0x18c: {  	[tilespmem:s22+$0x14F0] =	vst v2;
	v1 =	vld [tilespmem:s15+$0xCB0]  }
0x18d: {  	[tilespmem:s23+$0x1150] =	vst v4;
	v2 =	vld [tilespmem:s18+$0x880]  }
0x18e: {  	v4 =	vld [tilespmem:s21+$0xE0];
	[tilespmem:s7+$0x1080] =	vst v0  }
0x18f: {  	[tilespmem:s22+$0x1900] =	vst v3;
	v0 =	vld [tilespmem:s16+$0xCB0]  }
0x190: {  	s4 =	sor.u32 $0xC30, s24;
	[tilespmem:s23+$0x10D0] =	vst v5;
	v3 =	vld [tilespmem:s17+$0x890]  }
0x191: {  	v5 =	vld [tilespmem:s20+$0xE0];
	[tilespmem:s4+$0x1080] =	vst v1  }
0x192: {  	[tilespmem:s22+$0x1880] =	vst v2;
	v1 =	vld [tilespmem:s15+$0xCC0]  }
0x193: {  	[tilespmem:s23+$0x1160] =	vst v4;
	v2 =	vld [tilespmem:s18+$0x890]  }
0x194: {  	v4 =	vld [tilespmem:s21+$0xF0];
	[tilespmem:s10+$0x1080] =	vst v0  }
0x195: {  	[tilespmem:s22+$0x1910] =	vst v3;
	v0 =	vld [tilespmem:s16+$0xCC0]  }
0x196: {  	s4 =	sor.u32 $0xC40, s24;
	[tilespmem:s23+$0x10E0] =	vst v5;
	v3 =	vld [tilespmem:s17+$0x8A0]  }
0x197: {  	v5 =	vld [tilespmem:s20+$0xF0];
	[tilespmem:s4+$0x1080] =	vst v1  }
0x198: {  	[tilespmem:s22+$0x1890] =	vst v2;
	v1 =	vld [tilespmem:s15+$0xCD0]  }
0x199: {  	[tilespmem:s23+$0x1170] =	vst v4;
	v2 =	vld [tilespmem:s18+$0x8A0]  }
0x19a: {  	v4 =	vld [tilespmem:s21+$0x480];
	[tilespmem:s8+$0x1080] =	vst v0  }
0x19b: {  	[tilespmem:s22+$0x1920] =	vst v3;
	v0 =	vld [tilespmem:s16+$0xCD0]  }
0x19c: {  	s4 =	sor.u32 $0xC50, s24;
	[tilespmem:s23+$0x10F0] =	vst v5;
	v5 =	vld [tilespmem:s17+$0x8B0]  }
0x19d: {  	v6 =	vld [tilespmem:s20+$0x480];
	[tilespmem:s4+$0x1080] =	vst v1  }
0x19e: {  	[tilespmem:s22+$0x18A0] =	vst v2;
	v7 =	vld [tilespmem:s15+$0xCE0]  }
.Ltmp0:
0x19f: {  	[tilespmem:s23+$0x1500] =	vst v4;
	v2 =	vld [tilespmem:s18+$0x8B0];
	(pc) =	sbr.rel @p0 .LBB2_2-.Ltmp0, $4  }
0x1a0: {  	v3 =	vld [tilespmem:s21+$0x490];
	[tilespmem:s1+$0x1080] =	vst v0  }
0x1a1: {  	[tilespmem:s22+$0x1930] =	vst v5;
	v0 =	vld [tilespmem:s16+$0xCE0]  }
0x1a2: {  	s1 =	sor.u32 $0xC60, s24;
	[tilespmem:s23+$0x1480] =	vst v6;
	v1 =	vld [tilespmem:s17+$0x8C0]  }
0x1a3: {  	s2 =	sadd.s32 $0x2, s2;
	v4 =	vld [tilespmem:s20+$0x490];
	[tilespmem:s1+$0x1080] =	vst v7  }
0x1a4: {  	_ =	sdelay $0x2  }
0x1a5: {  	[tilespmem:s23+$0x1510] =	vst v3  }
0x1a6: {  	v3 =	vld [tilespmem:s21+$0x4A0];
	[tilespmem:s23+$0x1490] =	vst v4  }
0x1a7: {  	v4 =	vld [tilespmem:s20+$0x4A0];
	_ =	sdelay $0x3  }
0x1a8: {  	[tilespmem:s23+$0x1520] =	vst v3  }
0x1a9: {  	v3 =	vld [tilespmem:s21+$0x4B0];
	[tilespmem:s23+$0x14A0] =	vst v4  }
0x1aa: {  	v4 =	vld [tilespmem:s20+$0x4B0];
	_ =	sdelay $0x3  }
0x1ab: {  	[tilespmem:s23+$0x1530] =	vst v3  }
0x1ac: {  	v3 =	vld [tilespmem:s21+$0x4C0];
	[tilespmem:s23+$0x14B0] =	vst v4  }
0x1ad: {  	v4 =	vld [tilespmem:s20+$0x4C0];
	_ =	sdelay $0x3  }
0x1ae: {  	[tilespmem:s23+$0x1540] =	vst v3  }
0x1af: {  	v3 =	vld [tilespmem:s21+$0x4D0];
	[tilespmem:s23+$0x14C0] =	vst v4  }
0x1b0: {  	v4 =	vld [tilespmem:s20+$0x4D0];
	_ =	sdelay $0x3  }
0x1b1: {  	[tilespmem:s23+$0x1550] =	vst v3  }
0x1b2: {  	v3 =	vld [tilespmem:s21+$0x4E0];
	[tilespmem:s23+$0x14D0] =	vst v4  }
0x1b3: {  	v4 =	vld [tilespmem:s20+$0x4E0];
	_ =	sdelay $0x3  }
0x1b4: {  	[tilespmem:s23+$0x1560] =	vst v3  }
0x1b5: {  	v3 =	vld [tilespmem:s21+$0x4F0];
	[tilespmem:s23+$0x14E0] =	vst v4  }
0x1b6: {  	v4 =	vld [tilespmem:s20+$0x4F0];
	_ =	sdelay $0x3  }
0x1b7: {  	[tilespmem:s23+$0x1570] =	vst v3  }
0x1b8: {  	v3 =	vld [tilespmem:s21+$0x880];
	[tilespmem:s23+$0x14F0] =	vst v4  }
0x1b9: {  	v4 =	vld [tilespmem:s20+$0x880];
	_ =	sdelay $0x3  }
0x1ba: {  	[tilespmem:s23+$0x1900] =	vst v3  }
0x1bb: {  	v3 =	vld [tilespmem:s21+$0x890];
	[tilespmem:s23+$0x1880] =	vst v4  }
0x1bc: {  	v4 =	vld [tilespmem:s20+$0x890];
	_ =	sdelay $0x3  }
0x1bd: {  	[tilespmem:s23+$0x1910] =	vst v3  }
0x1be: {  	v3 =	vld [tilespmem:s21+$0x8A0];
	[tilespmem:s23+$0x1890] =	vst v4  }
0x1bf: {  	v4 =	vld [tilespmem:s20+$0x8A0];
	_ =	sdelay $0x3  }
0x1c0: {  	[tilespmem:s23+$0x1920] =	vst v3  }
0x1c1: {  	v3 =	vld [tilespmem:s21+$0x8B0];
	[tilespmem:s23+$0x18A0] =	vst v4  }
0x1c2: {  	v4 =	vld [tilespmem:s20+$0x8B0];
	_ =	sdelay $0x2  }
0x1c3: {  	[tilespmem:s22+$0x18B0] =	vst v2  }
0x1c4: {  	v2 =	vld [tilespmem:s18+$0x8C0];
	[tilespmem:s23+$0x1930] =	vst v3  }
0x1c5: {  	v3 =	vld [tilespmem:s21+$0x8C0];
	[tilespmem:s23+$0x18B0] =	vst v4  }
0x1c6: {  	v4 =	vld [tilespmem:s20+$0x8C0];
	_ =	sdelay $0x1  }
0x1c7: {  	[tilespmem:s22+$0x1940] =	vst v1  }
0x1c8: {  	v1 =	vld [tilespmem:s17+$0x8D0];
	[tilespmem:s22+$0x18C0] =	vst v2  }
0x1c9: {  	v2 =	vld [tilespmem:s18+$0x8D0];
	[tilespmem:s23+$0x1940] =	vst v3  }
0x1ca: {  	v3 =	vld [tilespmem:s21+$0x8D0];
	[tilespmem:s23+$0x18C0] =	vst v4  }
0x1cb: {  	v4 =	vld [tilespmem:s20+$0x8D0];
	_ =	sdelay $0x1  }
0x1cc: {  	[tilespmem:s22+$0x1950] =	vst v1  }
0x1cd: {  	v1 =	vld [tilespmem:s17+$0x8E0];
	[tilespmem:s22+$0x18D0] =	vst v2  }
0x1ce: {  	v2 =	vld [tilespmem:s18+$0x8E0];
	[tilespmem:s23+$0x1950] =	vst v3  }
0x1cf: {  	v3 =	vld [tilespmem:s21+$0x8E0];
	[tilespmem:s23+$0x18D0] =	vst v4  }
0x1d0: {  	v4 =	vld [tilespmem:s20+$0x8E0];
	_ =	sdelay $0x1  }
0x1d1: {  	[tilespmem:s22+$0x1960] =	vst v1  }
0x1d2: {  	v1 =	vld [tilespmem:s17+$0x8F0];
	[tilespmem:s22+$0x18E0] =	vst v2  }
0x1d3: {  	v2 =	vld [tilespmem:s18+$0x8F0];
	[tilespmem:s23+$0x1960] =	vst v3  }
0x1d4: {  	v3 =	vld [tilespmem:s21+$0x8F0];
	[tilespmem:s23+$0x18E0] =	vst v4  }
0x1d5: {  	v4 =	vld [tilespmem:s20+$0x8F0];
	_ =	sdelay $0x1  }
0x1d6: {  	s0 =	sadd.s32 $0x1, s30;
	[tilespmem:s22+$0x1970] =	vst v1  }
0x1d7: {  	s1 =	sand.u32 $0x3, s0;
	v1 =	vld [tilespmem:s17+$0xC80];
	[tilespmem:s22+$0x18F0] =	vst v2  }
0x1d8: {  	s2 =	sadd.s32 $0x1, s0;
	s1 =	sshll.u32 s1, $0x8;
	v2 =	vld [tilespmem:s18+$0xC80];
	[tilespmem:s23+$0x1970] =	vst v3  }
0x1d9: {  	s0 =	sadd.s32 s1, s19;
	s22 =	sand.u32 $0x3, s2;
	v3 =	vld [tilespmem:s21+$0xC80];
	[tilespmem:s23+$0x18F0] =	vst v4  }
0x1da: {  	s2 =	sadd.s32 $0x80, s0;
	s1 =	sshll.u32 s22, $0x8;
	v4 =	vld [tilespmem:s20+$0xC80]  }
0x1db: {  	s4 =	sor.u32 $0xC00, s2;
	s1 =	sadd.s32 s1, s29  }
0x1dc: {  	s6 =	sor.u32 $0xC00, s0;
	[tilespmem:s4+$0x1080] =	vst v1;
	s19 =	sadd.s32 $0x80, s1  }
0x1dd: {  	v1 =	vld [tilespmem:s17+$0xC90];
	s25 =	sor.u32 $0xC00, s19;
	[tilespmem:s6+$0x1080] =	vst v2  }
0x1de: {  	s26 =	sor.u32 $0xC00, s1;
	v2 =	vld [tilespmem:s18+$0xC90];
	[tilespmem:s25+$0x1080] =	vst v3  }
0x1df: {  	v3 =	vld [tilespmem:s21+$0xC90];
	[tilespmem:s26+$0x1080] =	vst v4  }
0x1e0: {  	v4 =	vld [tilespmem:s20+$0xC90]  }
0x1e1: {  	s7 =	sor.u32 $0xC10, s2  }
0x1e2: {  	s8 =	sor.u32 $0xC10, s0;
	[tilespmem:s7+$0x1080] =	vst v1  }
0x1e3: {  	s10 =	sor.u32 $0xC10, s19;
	v1 =	vld [tilespmem:s17+$0xCA0];
	[tilespmem:s8+$0x1080] =	vst v2  }
0x1e4: {  	s11 =	sor.u32 $0xC10, s1;
	v2 =	vld [tilespmem:s18+$0xCA0];
	[tilespmem:s10+$0x1080] =	vst v3  }
0x1e5: {  	v3 =	vld [tilespmem:s21+$0xCA0];
	[tilespmem:s11+$0x1080] =	vst v4  }
0x1e6: {  	v4 =	vld [tilespmem:s20+$0xCA0]  }
0x1e7: {  	s22 =	sor.u32 $0xC20, s2  }
0x1e8: {  	[tilespmem:s22+$0x1080] =	vst v1;
	s23 =	sor.u32 $0xC20, s0  }
0x1e9: {  	v1 =	vld [tilespmem:s17+$0xCB0];
	[tilespmem:s23+$0x1080] =	vst v2;
	s25 =	sor.u32 $0xC20, s19  }
0x1ea: {  	v2 =	vld [tilespmem:s18+$0xCB0];
	s26 =	sor.u32 $0xC20, s1;
	[tilespmem:s25+$0x1080] =	vst v3  }
0x1eb: {  	v3 =	vld [tilespmem:s21+$0xCB0];
	[tilespmem:s26+$0x1080] =	vst v4  }
0x1ec: {  	v4 =	vld [tilespmem:s20+$0xCB0]  }
0x1ed: {  	s7 =	sor.u32 $0xC30, s2  }
0x1ee: {  	s8 =	sor.u32 $0xC30, s0;
	[tilespmem:s7+$0x1080] =	vst v1  }
0x1ef: {  	v1 =	vld [tilespmem:s17+$0xCC0];
	[tilespmem:s8+$0x1080] =	vst v2;
	s10 =	sor.u32 $0xC30, s19  }
0x1f0: {  	v2 =	vld [tilespmem:s18+$0xCC0];
	s11 =	sor.u32 $0xC30, s1;
	[tilespmem:s10+$0x1080] =	vst v3  }
0x1f1: {  	v3 =	vld [tilespmem:s21+$0xCC0];
	[tilespmem:s11+$0x1080] =	vst v4  }
0x1f2: {  	v4 =	vld [tilespmem:s20+$0xCC0]  }
0x1f3: {  	s22 =	sor.u32 $0xC40, s2  }
0x1f4: {  	[tilespmem:s22+$0x1080] =	vst v1;
	s23 =	sor.u32 $0xC40, s0  }
0x1f5: {  	v1 =	vld [tilespmem:s17+$0xCD0];
	[tilespmem:s23+$0x1080] =	vst v2;
	s25 =	sor.u32 $0xC40, s19  }
0x1f6: {  	v2 =	vld [tilespmem:s18+$0xCD0];
	s26 =	sor.u32 $0xC40, s1;
	[tilespmem:s25+$0x1080] =	vst v3  }
0x1f7: {  	v3 =	vld [tilespmem:s21+$0xCD0];
	[tilespmem:s26+$0x1080] =	vst v4  }
0x1f8: {  	v4 =	vld [tilespmem:s20+$0xCD0]  }
0x1f9: {  	s7 =	sor.u32 $0xC50, s2  }
0x1fa: {  	[tilespmem:s7+$0x1080] =	vst v1;
	s8 =	sor.u32 $0xC50, s0  }
0x1fb: {  	v1 =	vld [tilespmem:s17+$0xCE0];
	[tilespmem:s8+$0x1080] =	vst v2;
	s10 =	sor.u32 $0xC50, s19  }
0x1fc: {  	v2 =	vld [tilespmem:s18+$0xCE0];
	s11 =	sor.u32 $0xC50, s1;
	[tilespmem:s10+$0x1080] =	vst v3  }
0x1fd: {  	v3 =	vld [tilespmem:s21+$0xCE0];
	[tilespmem:s11+$0x1080] =	vst v4  }
0x1fe: {  	v4 =	vld [tilespmem:s20+$0xCE0]  }
0x1ff: {  	v5 =	vld [tilespmem:s15+$0xCF0];
	[tilespmem:s31+$0x1080] =	vst v0;
	s15 =	sor.u32 $0xC60, s2  }
0x200: {  	v0 =	vld [tilespmem:s16+$0xCF0];
	s16 =	sor.u32 $0xC60, s0;
	[tilespmem:s15+$0x1080] =	vst v1  }
0x201: {  	s22 =	sor.u32 $0xC60, s19;
	v1 =	vld [tilespmem:s17+$0xCF0];
	[tilespmem:s16+$0x1080] =	vst v2  }
0x202: {  	s23 =	sor.u32 $0xC60, s1;
	v2 =	vld [tilespmem:s18+$0xCF0];
	[tilespmem:s22+$0x1080] =	vst v3  }
0x203: {  	s24 =	sor.u32 $0xC70, s24;
	v3 =	vld [tilespmem:s21+$0xCF0];
	[tilespmem:s23+$0x1080] =	vst v4  }
0x204: {  	[tilespmem:s24+$0x1080] =	vst v5;
	v4 =	vld [tilespmem:s20+$0xCF0]  }
0x205: {  	[tilespmem:s28+$0x1080] =	vst v0;
	s2 =	sor.u32 $0xC70, s2  }
0x206: {  	[tilespmem:s2+$0x1080] =	vst v1;
	s0 =	sor.u32 $0xC70, s0  }
0x207: {  	s25 =	sor.u32 $0xC70, s19;
	[tilespmem:s0+$0x1080] =	vst v2  }
0x208: {  	s1 =	sor.u32 $0xC70, s1;
	[tilespmem:s25+$0x1080] =	vst v3  }
0x209: {  	s19 =	simm.s32 $0x0;
	s26 =	simm.s32 $0x1080;
	[tilespmem:s1+$0x1080] =	vst v4  }
0x20a: {  	[hbm4b:s5+s19] =	stream.linear.scatter [tilespmem:s26], [sflag:$0x2], $0x8000, $0x38;
	[tilespmem:$0x11080] =	vst v63  }
0x20b: {  	s0 =	sld [smem:$0x41];
	_ =	sdelay $0x2  }
0x20c: {  	s31 =	sld [smem:$0x40];
	s4 =	sshll.u32 s0, $0x9;
	s0 =	sshll.u32 s0, $0x7  }
0x20d: {  	s2 =	sand.u32 $0xFFFFF000, s4;
	s0 =	sand.u32 $0x380, s0  }
0x20e: {  	s15 =	sor.u32 s0, s2  }
0x20f: {  	s6 =	sshll.u32 s31, $0x9;
	s1 =	sshll.u32 s31, $0x7;
	v0 =	vld [tilespmem:s15+$0x80]  }
0x210: {  	s7 =	sand.u32 $0xFFFFF000, s6;
	s1 =	sand.u32 $0x380, s1  }
0x211: {  	s8 =	simm.s32 $0x2000;
	s10 =	simm.s32 $0x8000;
	s16 =	sor.u32 s1, s7  }
0x212: {  	s0 =	sand.u32 $0x300, s8;
	s1 =	sand.u32 $0xF000, s10;
	v1 =	vld [tilespmem:s16+$0x80]  }
0x213: {  	s0 =	sor.u32 s0, s1  }
0x214: {  	[tilespmem:s0+$0x1100] =	vst v0  }
0x215: {  	v0 =	vld [tilespmem:s15+$0x90];
	_ =	sdelay $0x1  }
0x216: {  	[tilespmem:s0+$0x1080] =	vst v1  }
0x217: {  	v1 =	vld [tilespmem:s16+$0x90];
	_ =	sdelay $0x1  }
0x218: {  	[tilespmem:s0+$0x1110] =	vst v0  }
0x219: {  	v0 =	vld [tilespmem:s15+$0xA0];
	_ =	sdelay $0x1  }
0x21a: {  	[tilespmem:s0+$0x1090] =	vst v1  }
0x21b: {  	v1 =	vld [tilespmem:s16+$0xA0];
	_ =	sdelay $0x1  }
0x21c: {  	[tilespmem:s0+$0x1120] =	vst v0  }
0x21d: {  	v0 =	vld [tilespmem:s15+$0xB0];
	_ =	sdelay $0x1  }
0x21e: {  	[tilespmem:s0+$0x10A0] =	vst v1  }
0x21f: {  	v1 =	vld [tilespmem:s16+$0xB0];
	_ =	sdelay $0x1  }
0x220: {  	[tilespmem:s0+$0x1130] =	vst v0  }
0x221: {  	v0 =	vld [tilespmem:s15+$0xC0];
	_ =	sdelay $0x1  }
0x222: {  	[tilespmem:s0+$0x10B0] =	vst v1  }
0x223: {  	v1 =	vld [tilespmem:s16+$0xC0];
	_ =	sdelay $0x1  }
0x224: {  	[tilespmem:s0+$0x1140] =	vst v0  }
0x225: {  	v0 =	vld [tilespmem:s15+$0xD0];
	_ =	sdelay $0x1  }
0x226: {  	[tilespmem:s0+$0x10C0] =	vst v1  }
0x227: {  	v1 =	vld [tilespmem:s16+$0xD0];
	_ =	sdelay $0x1  }
0x228: {  	[tilespmem:s0+$0x1150] =	vst v0  }
0x229: {  	v0 =	vld [tilespmem:s15+$0xE0];
	_ =	sdelay $0x1  }
0x22a: {  	[tilespmem:s0+$0x10D0] =	vst v1  }
0x22b: {  	v1 =	vld [tilespmem:s16+$0xE0];
	_ =	sdelay $0x1  }
0x22c: {  	[tilespmem:s0+$0x1160] =	vst v0  }
0x22d: {  	v0 =	vld [tilespmem:s15+$0xF0];
	_ =	sdelay $0x1  }
0x22e: {  	[tilespmem:s0+$0x10E0] =	vst v1  }
0x22f: {  	v1 =	vld [tilespmem:s16+$0xF0];
	_ =	sdelay $0x1  }
0x230: {  	[tilespmem:s0+$0x1170] =	vst v0  }
0x231: {  	v0 =	vld [tilespmem:s15+$0x480];
	_ =	sdelay $0x1  }
0x232: {  	[tilespmem:s0+$0x10F0] =	vst v1  }
0x233: {  	v1 =	vld [tilespmem:s16+$0x480];
	_ =	sdelay $0x1  }
0x234: {  	[tilespmem:s0+$0x1500] =	vst v0  }
0x235: {  	v0 =	vld [tilespmem:s15+$0x490];
	_ =	sdelay $0x1  }
0x236: {  	[tilespmem:s0+$0x1480] =	vst v1  }
0x237: {  	v1 =	vld [tilespmem:s16+$0x490]  }
0x238: {  	s11 =	sld [smem:$0x43]  }
0x239: {  	s17 =	sld [smem:$0x42];
	[tilespmem:s0+$0x1510] =	vst v0  }
0x23a: {  	v0 =	vld [tilespmem:s15+$0x4A0]  }
0x23b: {  	s18 =	sshll.u32 s11, $0x9;
	s1 =	sshll.u32 s11, $0x7  }
0x23c: {  	s4 =	sand.u32 $0xFFFFF000, s18;
	s1 =	sand.u32 $0x380, s1;
	[tilespmem:s0+$0x1490] =	vst v1  }
0x23d: {  	s20 =	sshll.u32 s17, $0x9;
	s2 =	sshll.u32 s17, $0x7;
	s17 =	sor.u32 s1, s4;
	v1 =	vld [tilespmem:s16+$0x4A0]  }
0x23e: {  	v2 =	vld [tilespmem:s17+$0x80]  }
0x23f: {  	s21 =	sand.u32 $0xFFFFF000, s20;
	s2 =	sand.u32 $0x380, s2;
	[tilespmem:s0+$0x1520] =	vst v0  }
0x240: {  	s22 =	simm.s32 $0x2100;
	s23 =	simm.s32 $0x8400;
	s18 =	sor.u32 s2, s21;
	v0 =	vld [tilespmem:s15+$0x4B0]  }
0x241: {  	s1 =	sand.u32 $0x300, s22;
	s2 =	sand.u32 $0xF000, s23;
	v3 =	vld [tilespmem:s18+$0x80]  }
0x242: {  	s21 =	sor.u32 s1, s2;
	[tilespmem:s0+$0x14A0] =	vst v1  }
0x243: {  	[tilespmem:s21+$0x1100] =	vst v2;
	v1 =	vld [tilespmem:s16+$0x4B0]  }
0x244: {  	v2 =	vld [tilespmem:s17+$0x90]  }
0x245: {  	[tilespmem:s0+$0x1530] =	vst v0  }
0x246: {  	[tilespmem:s21+$0x1080] =	vst v3;
	v0 =	vld [tilespmem:s15+$0x4C0]  }
0x247: {  	v3 =	vld [tilespmem:s18+$0x90]  }
0x248: {  	[tilespmem:s0+$0x14B0] =	vst v1  }
0x249: {  	[tilespmem:s21+$0x1110] =	vst v2;
	v1 =	vld [tilespmem:s16+$0x4C0]  }
0x24a: {  	v2 =	vld [tilespmem:s17+$0xA0]  }
0x24b: {  	[tilespmem:s0+$0x1540] =	vst v0  }
0x24c: {  	[tilespmem:s21+$0x1090] =	vst v3;
	v0 =	vld [tilespmem:s15+$0x4D0]  }
0x24d: {  	v3 =	vld [tilespmem:s18+$0xA0]  }
0x24e: {  	[tilespmem:s0+$0x14C0] =	vst v1  }
0x24f: {  	[tilespmem:s21+$0x1120] =	vst v2;
	v1 =	vld [tilespmem:s16+$0x4D0]  }
0x250: {  	v2 =	vld [tilespmem:s17+$0xB0]  }
0x251: {  	[tilespmem:s0+$0x1550] =	vst v0  }
0x252: {  	[tilespmem:s21+$0x10A0] =	vst v3;
	v0 =	vld [tilespmem:s15+$0x4E0]  }
0x253: {  	v3 =	vld [tilespmem:s18+$0xB0]  }
0x254: {  	[tilespmem:s0+$0x14D0] =	vst v1  }
0x255: {  	[tilespmem:s21+$0x1130] =	vst v2;
	v1 =	vld [tilespmem:s16+$0x4E0]  }
0x256: {  	v2 =	vld [tilespmem:s17+$0xC0]  }
0x257: {  	[tilespmem:s0+$0x1560] =	vst v0  }
0x258: {  	[tilespmem:s21+$0x10B0] =	vst v3;
	v0 =	vld [tilespmem:s15+$0x4F0]  }
0x259: {  	v3 =	vld [tilespmem:s18+$0xC0]  }
0x25a: {  	[tilespmem:s0+$0x14E0] =	vst v1  }
0x25b: {  	[tilespmem:s21+$0x1140] =	vst v2;
	v1 =	vld [tilespmem:s16+$0x4F0]  }
0x25c: {  	v2 =	vld [tilespmem:s17+$0xD0]  }
0x25d: {  	[tilespmem:s0+$0x1570] =	vst v0  }
0x25e: {  	[tilespmem:s21+$0x10C0] =	vst v3;
	v0 =	vld [tilespmem:s15+$0x880]  }
0x25f: {  	v3 =	vld [tilespmem:s18+$0xD0]  }
0x260: {  	[tilespmem:s0+$0x14F0] =	vst v1  }
0x261: {  	[tilespmem:s21+$0x1150] =	vst v2;
	v1 =	vld [tilespmem:s16+$0x880]  }
0x262: {  	v2 =	vld [tilespmem:s17+$0xE0]  }
0x263: {  	[tilespmem:s0+$0x1900] =	vst v0  }
0x264: {  	[tilespmem:s21+$0x10D0] =	vst v3;
	v0 =	vld [tilespmem:s15+$0x890]  }
0x265: {  	v3 =	vld [tilespmem:s18+$0xE0]  }
0x266: {  	[tilespmem:s0+$0x1880] =	vst v1  }
0x267: {  	[tilespmem:s21+$0x1160] =	vst v2;
	v1 =	vld [tilespmem:s16+$0x890]  }
0x268: {  	v2 =	vld [tilespmem:s17+$0xF0]  }
0x269: {  	[tilespmem:s0+$0x1910] =	vst v0  }
0x26a: {  	[tilespmem:s21+$0x10E0] =	vst v3;
	v0 =	vld [tilespmem:s15+$0x8A0]  }
0x26b: {  	v3 =	vld [tilespmem:s18+$0xF0]  }
0x26c: {  	[tilespmem:s0+$0x1890] =	vst v1  }
0x26d: {  	[tilespmem:s21+$0x1170] =	vst v2;
	v1 =	vld [tilespmem:s16+$0x8A0]  }
0x26e: {  	v2 =	vld [tilespmem:s17+$0x480]  }
0x26f: {  	[tilespmem:s0+$0x1920] =	vst v0  }
0x270: {  	[tilespmem:s21+$0x10F0] =	vst v3;
	v0 =	vld [tilespmem:s15+$0x8B0]  }
0x271: {  	v3 =	vld [tilespmem:s18+$0x480]  }
0x272: {  	[tilespmem:s0+$0x18A0] =	vst v1  }
0x273: {  	[tilespmem:s21+$0x1500] =	vst v2;
	v1 =	vld [tilespmem:s16+$0x8B0]  }
0x274: {  	v2 =	vld [tilespmem:s17+$0x490]  }
0x275: {  	[tilespmem:s0+$0x1930] =	vst v0  }
0x276: {  	[tilespmem:s21+$0x1480] =	vst v3;
	v0 =	vld [tilespmem:s15+$0x8C0]  }
0x277: {  	v3 =	vld [tilespmem:s18+$0x490]  }
0x278: {  	s24 =	sld [smem:$0x45];
	[tilespmem:s0+$0x18B0] =	vst v1  }
0x279: {  	s25 =	sld [smem:$0x44];
	[tilespmem:s21+$0x1510] =	vst v2;
	v1 =	vld [tilespmem:s16+$0x8C0]  }
0x27a: {  	v2 =	vld [tilespmem:s17+$0x4A0]  }
0x27b: {  	s26 =	sshll.u32 s24, $0x9;
	s1 =	sshll.u32 s24, $0x7;
	[tilespmem:s0+$0x1940] =	vst v0  }
0x27c: {  	[tilespmem:s21+$0x1490] =	vst v3;
	s4 =	sand.u32 $0xFFFFF000, s26;
	s1 =	sand.u32 $0x380, s1;
	v0 =	vld [tilespmem:s15+$0x8D0]  }
0x27d: {  	v3 =	vld [tilespmem:s18+$0x4A0];
	s22 =	sor.u32 s1, s4  }
0x27e: {  	s31 =	sshll.u32 s25, $0x9;
	s2 =	sshll.u32 s25, $0x7;
	v4 =	vld [tilespmem:s22+$0x80];
	[tilespmem:s0+$0x18C0] =	vst v1  }
0x27f: {  	s1 =	sand.u32 $0xFFFFF000, s31;
	s2 =	sand.u32 $0x380, s2;
	[tilespmem:s21+$0x1520] =	vst v2;
	v1 =	vld [tilespmem:s16+$0x8D0]  }
0x280: {  	s25 =	simm.s32 $0x2200;
	s26 =	simm.s32 $0x8800;
	s20 =	sor.u32 s2, s1;
	v2 =	vld [tilespmem:s17+$0x4B0]  }
0x281: {  	s4 =	sand.u32 $0x300, s25;
	s2 =	sand.u32 $0xF000, s26;
	v5 =	vld [tilespmem:s20+$0x80];
	[tilespmem:s0+$0x1950] =	vst v0  }
0x282: {  	s23 =	sor.u32 s4, s2;
	[tilespmem:s21+$0x14A0] =	vst v3;
	v0 =	vld [tilespmem:s15+$0x8E0]  }
0x283: {  	v3 =	vld [tilespmem:s18+$0x4B0];
	[tilespmem:s23+$0x1100] =	vst v4  }
0x284: {  	v4 =	vld [tilespmem:s22+$0x90];
	[tilespmem:s0+$0x18D0] =	vst v1  }
0x285: {  	[tilespmem:s21+$0x1530] =	vst v2;
	v1 =	vld [tilespmem:s16+$0x8E0]  }
0x286: {  	[tilespmem:s23+$0x1080] =	vst v5;
	v2 =	vld [tilespmem:s17+$0x4C0]  }
0x287: {  	v5 =	vld [tilespmem:s20+$0x90];
	[tilespmem:s0+$0x1960] =	vst v0  }
0x288: {  	[tilespmem:s21+$0x14B0] =	vst v3;
	v0 =	vld [tilespmem:s15+$0x8F0]  }
0x289: {  	v3 =	vld [tilespmem:s18+$0x4C0];
	[tilespmem:s23+$0x1110] =	vst v4  }
0x28a: {  	v4 =	vld [tilespmem:s22+$0xA0];
	[tilespmem:s0+$0x18E0] =	vst v1  }
0x28b: {  	[tilespmem:s21+$0x1540] =	vst v2;
	v1 =	vld [tilespmem:s16+$0x8F0]  }
0x28c: {  	[tilespmem:s23+$0x1090] =	vst v5;
	v2 =	vld [tilespmem:s17+$0x4D0]  }
0x28d: {  	v5 =	vld [tilespmem:s20+$0xA0];
	[tilespmem:s0+$0x1970] =	vst v0  }
0x28e: {  	s6 =	sand.u32 $0x3, s19;
	[tilespmem:s21+$0x14C0] =	vst v3;
	v0 =	vld [tilespmem:s15+$0xC80]  }
0x28f: {  	s1 =	sshll.u32 s6, $0x8;
	v3 =	vld [tilespmem:s18+$0x4D0];
	[tilespmem:s23+$0x1120] =	vst v4  }
0x290: {  	s1 =	sadd.s32 $0x0, s1;
	v4 =	vld [tilespmem:s22+$0xB0];
	[tilespmem:s0+$0x18F0] =	vst v1  }
0x291: {  	s24 =	sadd.s32 $0x8080, s1;
	[tilespmem:s21+$0x1550] =	vst v2;
	v1 =	vld [tilespmem:s16+$0xC80]  }
0x292: {  	s7 =	sor.u32 $0xC00, s24;
	[tilespmem:s23+$0x10A0] =	vst v5;
	v2 =	vld [tilespmem:s17+$0x4E0]  }
0x293: {  	v5 =	vld [tilespmem:s20+$0xB0];
	[tilespmem:s7+$0x1080] =	vst v0  }
0x294: {  	s1 =	sadd.s32 $0x8000, s1;
	[tilespmem:s21+$0x14D0] =	vst v3;
	v0 =	vld [tilespmem:s15+$0xC90]  }
0x295: {  	s8 =	sor.u32 $0xC00, s1;
	v3 =	vld [tilespmem:s18+$0x4E0];
	[tilespmem:s23+$0x1130] =	vst v4  }
0x296: {  	v4 =	vld [tilespmem:s22+$0xC0];
	[tilespmem:s8+$0x1080] =	vst v1  }
0x297: {  	[tilespmem:s21+$0x1560] =	vst v2;
	v1 =	vld [tilespmem:s16+$0xC90]  }
0x298: {  	s10 =	sor.u32 $0xC10, s24;
	[tilespmem:s23+$0x10B0] =	vst v5;
	v2 =	vld [tilespmem:s17+$0x4F0]  }
0x299: {  	v5 =	vld [tilespmem:s20+$0xC0];
	[tilespmem:s10+$0x1080] =	vst v0  }
0x29a: {  	[tilespmem:s21+$0x14E0] =	vst v3;
	v0 =	vld [tilespmem:s15+$0xCA0]  }
0x29b: {  	s11 =	sor.u32 $0xC10, s1;
	v3 =	vld [tilespmem:s18+$0x4F0];
	[tilespmem:s23+$0x1140] =	vst v4  }
0x29c: {  	v4 =	vld [tilespmem:s22+$0xD0];
	[tilespmem:s11+$0x1080] =	vst v1  }
0x29d: {  	[tilespmem:s21+$0x1570] =	vst v2;
	v1 =	vld [tilespmem:s16+$0xCA0]  }
0x29e: {  	s31 =	sor.u32 $0xC20, s24;
	[tilespmem:s23+$0x10C0] =	vst v5;
	v2 =	vld [tilespmem:s17+$0x880]  }
0x29f: {  	v5 =	vld [tilespmem:s20+$0xD0];
	[tilespmem:s31+$0x1080] =	vst v0  }
0x2a0: {  	[tilespmem:s21+$0x14F0] =	vst v3;
	v0 =	vld [tilespmem:s15+$0xCB0]  }
0x2a1: {  	s2 =	sor.u32 $0xC20, s1;
	v3 =	vld [tilespmem:s18+$0x880];
	[tilespmem:s23+$0x1150] =	vst v4  }
0x2a2: {  	v4 =	vld [tilespmem:s22+$0xE0];
	[tilespmem:s2+$0x1080] =	vst v1  }
0x2a3: {  	[tilespmem:s21+$0x1900] =	vst v2;
	v1 =	vld [tilespmem:s16+$0xCB0]  }
0x2a4: {  	s4 =	sor.u32 $0xC30, s24;
	[tilespmem:s23+$0x10D0] =	vst v5;
	v2 =	vld [tilespmem:s17+$0x890]  }
0x2a5: {  	v5 =	vld [tilespmem:s20+$0xE0];
	[tilespmem:s4+$0x1080] =	vst v0  }
0x2a6: {  	[tilespmem:s21+$0x1880] =	vst v3;
	v0 =	vld [tilespmem:s15+$0xCC0]  }
0x2a7: {  	s6 =	sor.u32 $0xC30, s1;
	v3 =	vld [tilespmem:s18+$0x890];
	[tilespmem:s23+$0x1160] =	vst v4  }
0x2a8: {  	v4 =	vld [tilespmem:s22+$0xF0];
	[tilespmem:s6+$0x1080] =	vst v1  }
0x2a9: {  	[tilespmem:s21+$0x1910] =	vst v2;
	v1 =	vld [tilespmem:s16+$0xCC0]  }
0x2aa: {  	s7 =	sor.u32 $0xC40, s24;
	[tilespmem:s23+$0x10E0] =	vst v5;
	v2 =	vld [tilespmem:s17+$0x8A0]  }
0x2ab: {  	v5 =	vld [tilespmem:s20+$0xF0];
	[tilespmem:s7+$0x1080] =	vst v0  }
0x2ac: {  	[tilespmem:s21+$0x1890] =	vst v3;
	v0 =	vld [tilespmem:s15+$0xCD0]  }
0x2ad: {  	s8 =	sor.u32 $0xC40, s1;
	v3 =	vld [tilespmem:s18+$0x8A0];
	[tilespmem:s23+$0x1170] =	vst v4  }
0x2ae: {  	v4 =	vld [tilespmem:s22+$0x480];
	[tilespmem:s8+$0x1080] =	vst v1  }
0x2af: {  	[tilespmem:s21+$0x1920] =	vst v2;
	v1 =	vld [tilespmem:s16+$0xCD0]  }
0x2b0: {  	s10 =	sor.u32 $0xC50, s24;
	[tilespmem:s23+$0x10F0] =	vst v5;
	v5 =	vld [tilespmem:s17+$0x8B0]  }
0x2b1: {  	v6 =	vld [tilespmem:s20+$0x480];
	[tilespmem:s10+$0x1080] =	vst v0  }
0x2b2: {  	[tilespmem:s21+$0x18A0] =	vst v3;
	v7 =	vld [tilespmem:s15+$0xCE0]  }
0x2b3: {  	s11 =	sor.u32 $0xC50, s1;
	v2 =	vld [tilespmem:s18+$0x8B0];
	[tilespmem:s23+$0x1500] =	vst v4  }
0x2b4: {  	v3 =	vld [tilespmem:s22+$0x490];
	[tilespmem:s11+$0x1080] =	vst v1  }
0x2b5: {  	[tilespmem:s21+$0x1930] =	vst v5;
	v0 =	vld [tilespmem:s16+$0xCE0]  }
0x2b6: {  	s29 =	simm.s32 $0x0;
	s30 =	sor.u32 $0xC60, s1;
	s31 =	sor.u32 $0xC60, s24;
	[tilespmem:s23+$0x1480] =	vst v6;
	v1 =	vld [tilespmem:s17+$0x8C0]  }
0x2b7: {  	s28 =	sor.u32 $0xC70, s1;
	s0 =	simm.s32 $0x44;
	s2 =	simm.s32 $0x47;
	v4 =	vld [tilespmem:s20+$0x490];
	[tilespmem:s31+$0x1080] =	vst v7  }
.LBB2_4:
0x2b8: {  	s1 =	sld [smem:s2+$0x0];
	s0 =	sadd.s32 $0x2, s0;
	[tilespmem:s21+$0x18B0] =	vst v2;
	v2 =	vld [tilespmem:s15+$0xCF0];
	s15 =	smov.u32 s17  }
0x2b9: {  	s17 =	smov.u32 s22;
	s4 =	sld [smem:s2+$0xFFFFFFFF];
	p0 =	slt.u32 s0, $0x7E;
	[tilespmem:s23+$0x1510] =	vst v3;
	v3 =	vld [tilespmem:s18+$0x8C0]  }
0x2ba: {  	v5 =	vld [tilespmem:s17+$0x4A0];
	[tilespmem:s30+$0x1080] =	vst v0  }
0x2bb: {  	s6 =	sshll.u32 s1, $0x9;
	s1 =	sshll.u32 s1, $0x7;
	[tilespmem:s21+$0x1940] =	vst v1;
	v0 =	vld [tilespmem:s16+$0xCF0];
	s16 =	smov.u32 s18  }
0x2bc: {  	s7 =	sor.u32 $0xC70, s24;
	s6 =	sand.u32 $0xFFFFF000, s6;
	s1 =	sand.u32 $0x380, s1;
	[tilespmem:s23+$0x1490] =	vst v4;
	v1 =	vld [tilespmem:s15+$0x8D0]  }
0x2bd: {  	s8 =	sshll.u32 s4, $0x9;
	s4 =	sshll.u32 s4, $0x7;
	s22 =	sor.u32 s1, s6;
	v4 =	vld [tilespmem:s20+$0x4A0];
	[tilespmem:s7+$0x1080] =	vst v2  }
0x2be: {  	s18 =	smov.u32 s20;
	s1 =	sand.u32 $0xFFFFF000, s8;
	s4 =	sand.u32 $0x380, s4;
	v2 =	vld [tilespmem:s22+$0x80];
	[tilespmem:s21+$0x18C0] =	vst v3  }
0x2bf: {  	s20 =	sor.u32 s4, s1;
	[tilespmem:s23+$0x1520] =	vst v5;
	v3 =	vld [tilespmem:s16+$0x8D0]  }
0x2c0: {  	s25 =	sadd.s32 $0x100, s25;
	s26 =	sadd.s32 $0x400, s26;
	v5 =	vld [tilespmem:s17+$0x4B0];
	[tilespmem:s28+$0x1080] =	vst v0  }
0x2c1: {  	s1 =	sand.u32 $0xF000, s26;
	s4 =	sand.u32 $0x300, s25;
	v0 =	vld [tilespmem:s20+$0x80];
	[tilespmem:s21+$0x1950] =	vst v1  }
0x2c2: {  	s1 =	sor.u32 s4, s1;
	[tilespmem:s23+$0x14A0] =	vst v4;
	v1 =	vld [tilespmem:s15+$0x8E0]  }
0x2c3: {  	[tilespmem:s1+$0x1100] =	vst v2;
	v2 =	vld [tilespmem:s18+$0x4B0]  }
0x2c4: {  	v4 =	vld [tilespmem:s22+$0x90];
	[tilespmem:s21+$0x18D0] =	vst v3  }
0x2c5: {  	[tilespmem:s23+$0x1530] =	vst v5;
	v3 =	vld [tilespmem:s16+$0x8E0]  }
0x2c6: {  	[tilespmem:s1+$0x1080] =	vst v0;
	v0 =	vld [tilespmem:s17+$0x4C0]  }
0x2c7: {  	v5 =	vld [tilespmem:s20+$0x90];
	[tilespmem:s21+$0x1960] =	vst v1  }
0x2c8: {  	[tilespmem:s23+$0x14B0] =	vst v2;
	v1 =	vld [tilespmem:s15+$0x8F0]  }
0x2c9: {  	[tilespmem:s1+$0x1110] =	vst v4;
	v2 =	vld [tilespmem:s18+$0x4C0]  }
0x2ca: {  	v4 =	vld [tilespmem:s22+$0xA0];
	[tilespmem:s21+$0x18E0] =	vst v3  }
0x2cb: {  	[tilespmem:s23+$0x1540] =	vst v0;
	v0 =	vld [tilespmem:s16+$0x8F0]  }
0x2cc: {  	[tilespmem:s1+$0x1090] =	vst v5;
	v3 =	vld [tilespmem:s17+$0x4D0]  }
0x2cd: {  	s19 =	sadd.s32 $0x1, s19;
	v5 =	vld [tilespmem:s20+$0xA0];
	[tilespmem:s21+$0x1970] =	vst v1  }
0x2ce: {  	s4 =	sand.u32 $0x3, s19;
	[tilespmem:s23+$0x14C0] =	vst v2;
	v1 =	vld [tilespmem:s15+$0xC80]  }
0x2cf: {  	s29 =	sadd.s32 $0x400, s29;
	s4 =	sshll.u32 s4, $0x8;
	[tilespmem:s1+$0x1120] =	vst v4;
	v2 =	vld [tilespmem:s18+$0x4D0]  }
0x2d0: {  	s4 =	sadd.s32 s4, s29;
	v4 =	vld [tilespmem:s22+$0xB0];
	[tilespmem:s21+$0x18F0] =	vst v0;
	s21 =	smov.u32 s23;
	s23 =	smov.u32 s1  }
0x2d1: {  	s6 =	sadd.s32 $0x8000, s4;
	s24 =	sadd.s32 $0x8080, s4;
	[tilespmem:s21+$0x1550] =	vst v3;
	v0 =	vld [tilespmem:s16+$0xC80]  }
0x2d2: {  	s4 =	sor.u32 $0xC00, s6;
	s7 =	sor.u32 $0xC10, s6;
	s1 =	sor.u32 $0xC00, s24;
	[tilespmem:s23+$0x10A0] =	vst v5;
	v3 =	vld [tilespmem:s17+$0x4E0]  }
0x2d3: {  	s11 =	sor.u32 $0xC20, s6;
	s10 =	sor.u32 $0xC30, s6;
	s8 =	sor.u32 $0xC40, s6;
	v5 =	vld [tilespmem:s20+$0xB0];
	[tilespmem:s1+$0x1080] =	vst v1  }
0x2d4: {  	s30 =	sor.u32 $0xC60, s6;
	s28 =	sor.u32 $0xC70, s6;
	s1 =	sor.u32 $0xC50, s6;
	[tilespmem:s21+$0x14D0] =	vst v2;
	v1 =	vld [tilespmem:s15+$0xC90]  }
0x2d5: {  	[tilespmem:s23+$0x1130] =	vst v4;
	v2 =	vld [tilespmem:s18+$0x4E0]  }
0x2d6: {  	v4 =	vld [tilespmem:s22+$0xC0];
	[tilespmem:s4+$0x1080] =	vst v0  }
0x2d7: {  	[tilespmem:s21+$0x1560] =	vst v3;
	v0 =	vld [tilespmem:s16+$0xC90]  }
0x2d8: {  	s4 =	sor.u32 $0xC10, s24;
	[tilespmem:s23+$0x10B0] =	vst v5;
	v3 =	vld [tilespmem:s17+$0x4F0]  }
0x2d9: {  	v5 =	vld [tilespmem:s20+$0xC0];
	[tilespmem:s4+$0x1080] =	vst v1  }
0x2da: {  	[tilespmem:s21+$0x14E0] =	vst v2;
	v1 =	vld [tilespmem:s15+$0xCA0]  }
0x2db: {  	[tilespmem:s23+$0x1140] =	vst v4;
	v2 =	vld [tilespmem:s18+$0x4F0]  }
0x2dc: {  	v4 =	vld [tilespmem:s22+$0xD0];
	[tilespmem:s7+$0x1080] =	vst v0  }
0x2dd: {  	[tilespmem:s21+$0x1570] =	vst v3;
	v0 =	vld [tilespmem:s16+$0xCA0]  }
0x2de: {  	s4 =	sor.u32 $0xC20, s24;
	[tilespmem:s23+$0x10C0] =	vst v5;
	v3 =	vld [tilespmem:s17+$0x880]  }
0x2df: {  	v5 =	vld [tilespmem:s20+$0xD0];
	[tilespmem:s4+$0x1080] =	vst v1  }
0x2e0: {  	[tilespmem:s21+$0x14F0] =	vst v2;
	v1 =	vld [tilespmem:s15+$0xCB0]  }
0x2e1: {  	[tilespmem:s23+$0x1150] =	vst v4;
	v2 =	vld [tilespmem:s18+$0x880]  }
0x2e2: {  	v4 =	vld [tilespmem:s22+$0xE0];
	[tilespmem:s11+$0x1080] =	vst v0  }
0x2e3: {  	[tilespmem:s21+$0x1900] =	vst v3;
	v0 =	vld [tilespmem:s16+$0xCB0]  }
0x2e4: {  	s4 =	sor.u32 $0xC30, s24;
	[tilespmem:s23+$0x10D0] =	vst v5;
	v3 =	vld [tilespmem:s17+$0x890]  }
0x2e5: {  	v5 =	vld [tilespmem:s20+$0xE0];
	[tilespmem:s4+$0x1080] =	vst v1  }
0x2e6: {  	[tilespmem:s21+$0x1880] =	vst v2;
	v1 =	vld [tilespmem:s15+$0xCC0]  }
0x2e7: {  	[tilespmem:s23+$0x1160] =	vst v4;
	v2 =	vld [tilespmem:s18+$0x890]  }
0x2e8: {  	v4 =	vld [tilespmem:s22+$0xF0];
	[tilespmem:s10+$0x1080] =	vst v0  }
0x2e9: {  	[tilespmem:s21+$0x1910] =	vst v3;
	v0 =	vld [tilespmem:s16+$0xCC0]  }
0x2ea: {  	s4 =	sor.u32 $0xC40, s24;
	[tilespmem:s23+$0x10E0] =	vst v5;
	v3 =	vld [tilespmem:s17+$0x8A0]  }
0x2eb: {  	v5 =	vld [tilespmem:s20+$0xF0];
	[tilespmem:s4+$0x1080] =	vst v1  }
0x2ec: {  	[tilespmem:s21+$0x1890] =	vst v2;
	v1 =	vld [tilespmem:s15+$0xCD0]  }
0x2ed: {  	[tilespmem:s23+$0x1170] =	vst v4;
	v2 =	vld [tilespmem:s18+$0x8A0]  }
0x2ee: {  	v4 =	vld [tilespmem:s22+$0x480];
	[tilespmem:s8+$0x1080] =	vst v0  }
0x2ef: {  	[tilespmem:s21+$0x1920] =	vst v3;
	v0 =	vld [tilespmem:s16+$0xCD0]  }
0x2f0: {  	s4 =	sor.u32 $0xC50, s24;
	[tilespmem:s23+$0x10F0] =	vst v5;
	v5 =	vld [tilespmem:s17+$0x8B0]  }
0x2f1: {  	v6 =	vld [tilespmem:s20+$0x480];
	[tilespmem:s4+$0x1080] =	vst v1  }
0x2f2: {  	[tilespmem:s21+$0x18A0] =	vst v2;
	v7 =	vld [tilespmem:s15+$0xCE0]  }
.Ltmp1:
0x2f3: {  	[tilespmem:s23+$0x1500] =	vst v4;
	v2 =	vld [tilespmem:s18+$0x8B0];
	(pc) =	sbr.rel @p0 .LBB2_4-.Ltmp1, $4  }
0x2f4: {  	v3 =	vld [tilespmem:s22+$0x490];
	[tilespmem:s1+$0x1080] =	vst v0  }
0x2f5: {  	[tilespmem:s21+$0x1930] =	vst v5;
	v0 =	vld [tilespmem:s16+$0xCE0]  }
0x2f6: {  	s1 =	sor.u32 $0xC60, s24;
	[tilespmem:s23+$0x1480] =	vst v6;
	v1 =	vld [tilespmem:s17+$0x8C0]  }
0x2f7: {  	s2 =	sadd.s32 $0x2, s2;
	v4 =	vld [tilespmem:s20+$0x490];
	[tilespmem:s1+$0x1080] =	vst v7  }
0x2f8: {  	_ =	sdelay $0x2  }
0x2f9: {  	[tilespmem:s23+$0x1510] =	vst v3  }
0x2fa: {  	v3 =	vld [tilespmem:s22+$0x4A0];
	[tilespmem:s23+$0x1490] =	vst v4  }
0x2fb: {  	v4 =	vld [tilespmem:s20+$0x4A0];
	_ =	sdelay $0x3  }
0x2fc: {  	[tilespmem:s23+$0x1520] =	vst v3  }
0x2fd: {  	v3 =	vld [tilespmem:s22+$0x4B0];
	[tilespmem:s23+$0x14A0] =	vst v4  }
0x2fe: {  	v4 =	vld [tilespmem:s20+$0x4B0];
	_ =	sdelay $0x3  }
0x2ff: {  	[tilespmem:s23+$0x1530] =	vst v3  }
0x300: {  	v3 =	vld [tilespmem:s22+$0x4C0];
	[tilespmem:s23+$0x14B0] =	vst v4  }
0x301: {  	v4 =	vld [tilespmem:s20+$0x4C0];
	_ =	sdelay $0x3  }
0x302: {  	[tilespmem:s23+$0x1540] =	vst v3  }
0x303: {  	v3 =	vld [tilespmem:s22+$0x4D0];
	[tilespmem:s23+$0x14C0] =	vst v4  }
0x304: {  	v4 =	vld [tilespmem:s20+$0x4D0];
	_ =	sdelay $0x3  }
0x305: {  	[tilespmem:s23+$0x1550] =	vst v3  }
0x306: {  	v3 =	vld [tilespmem:s22+$0x4E0];
	[tilespmem:s23+$0x14D0] =	vst v4  }
0x307: {  	v4 =	vld [tilespmem:s20+$0x4E0];
	_ =	sdelay $0x3  }
0x308: {  	[tilespmem:s23+$0x1560] =	vst v3  }
0x309: {  	v3 =	vld [tilespmem:s22+$0x4F0];
	[tilespmem:s23+$0x14E0] =	vst v4  }
0x30a: {  	v4 =	vld [tilespmem:s20+$0x4F0];
	_ =	sdelay $0x3  }
0x30b: {  	[tilespmem:s23+$0x1570] =	vst v3  }
0x30c: {  	v3 =	vld [tilespmem:s22+$0x880];
	[tilespmem:s23+$0x14F0] =	vst v4  }
0x30d: {  	v4 =	vld [tilespmem:s20+$0x880];
	_ =	sdelay $0x3  }
0x30e: {  	[tilespmem:s23+$0x1900] =	vst v3  }
0x30f: {  	v3 =	vld [tilespmem:s22+$0x890];
	[tilespmem:s23+$0x1880] =	vst v4  }
0x310: {  	v4 =	vld [tilespmem:s20+$0x890];
	_ =	sdelay $0x3  }
0x311: {  	[tilespmem:s23+$0x1910] =	vst v3  }
0x312: {  	v3 =	vld [tilespmem:s22+$0x8A0];
	[tilespmem:s23+$0x1890] =	vst v4  }
0x313: {  	v4 =	vld [tilespmem:s20+$0x8A0];
	_ =	sdelay $0x3  }
0x314: {  	[tilespmem:s23+$0x1920] =	vst v3  }
0x315: {  	v3 =	vld [tilespmem:s22+$0x8B0];
	[tilespmem:s23+$0x18A0] =	vst v4  }
0x316: {  	v4 =	vld [tilespmem:s20+$0x8B0];
	_ =	sdelay $0x2  }
0x317: {  	[tilespmem:s21+$0x18B0] =	vst v2  }
0x318: {  	v2 =	vld [tilespmem:s18+$0x8C0];
	[tilespmem:s23+$0x1930] =	vst v3  }
0x319: {  	v3 =	vld [tilespmem:s22+$0x8C0];
	[tilespmem:s23+$0x18B0] =	vst v4  }
0x31a: {  	v4 =	vld [tilespmem:s20+$0x8C0];
	_ =	sdelay $0x1  }
0x31b: {  	[tilespmem:s21+$0x1940] =	vst v1  }
0x31c: {  	v1 =	vld [tilespmem:s17+$0x8D0];
	[tilespmem:s21+$0x18C0] =	vst v2  }
0x31d: {  	v2 =	vld [tilespmem:s18+$0x8D0];
	[tilespmem:s23+$0x1940] =	vst v3  }
0x31e: {  	v3 =	vld [tilespmem:s22+$0x8D0];
	[tilespmem:s23+$0x18C0] =	vst v4  }
0x31f: {  	v4 =	vld [tilespmem:s20+$0x8D0];
	_ =	sdelay $0x1  }
0x320: {  	[tilespmem:s21+$0x1950] =	vst v1  }
0x321: {  	v1 =	vld [tilespmem:s17+$0x8E0];
	[tilespmem:s21+$0x18D0] =	vst v2  }
0x322: {  	v2 =	vld [tilespmem:s18+$0x8E0];
	[tilespmem:s23+$0x1950] =	vst v3  }
0x323: {  	v3 =	vld [tilespmem:s22+$0x8E0];
	[tilespmem:s23+$0x18D0] =	vst v4  }
0x324: {  	v4 =	vld [tilespmem:s20+$0x8E0];
	_ =	sdelay $0x1  }
0x325: {  	[tilespmem:s21+$0x1960] =	vst v1  }
0x326: {  	v1 =	vld [tilespmem:s17+$0x8F0];
	[tilespmem:s21+$0x18E0] =	vst v2  }
0x327: {  	v2 =	vld [tilespmem:s18+$0x8F0];
	[tilespmem:s23+$0x1960] =	vst v3  }
0x328: {  	v3 =	vld [tilespmem:s22+$0x8F0];
	[tilespmem:s23+$0x18E0] =	vst v4  }
0x329: {  	v4 =	vld [tilespmem:s20+$0x8F0];
	_ =	sdelay $0x1  }
0x32a: {  	s0 =	sadd.s32 $0x1, s19;
	[tilespmem:s21+$0x1970] =	vst v1  }
0x32b: {  	s1 =	sand.u32 $0x3, s0;
	v1 =	vld [tilespmem:s17+$0xC80];
	[tilespmem:s21+$0x18F0] =	vst v2  }
0x32c: {  	s2 =	sadd.s32 $0x400, s29;
	s0 =	sadd.s32 $0x1, s0;
	s1 =	sshll.u32 s1, $0x8;
	v2 =	vld [tilespmem:s18+$0xC80];
	[tilespmem:s23+$0x1970] =	vst v3  }
0x32d: {  	s4 =	sand.u32 $0x3, s0;
	s1 =	sadd.s32 s1, s2;
	v3 =	vld [tilespmem:s22+$0xC80];
	[tilespmem:s23+$0x18F0] =	vst v4  }
0x32e: {  	s4 =	sshll.u32 s4, $0x8;
	s2 =	sadd.s32 $0x400, s2;
	s0 =	sadd.s32 $0x8080, s1;
	v4 =	vld [tilespmem:s20+$0xC80]  }
0x32f: {  	s1 =	sadd.s32 $0x8000, s1;
	s4 =	sadd.s32 s4, s2;
	s6 =	sor.u32 $0xC00, s0  }
0x330: {  	s7 =	sor.u32 $0xC00, s1;
	s2 =	sadd.s32 $0x8080, s4;
	[tilespmem:s6+$0x1080] =	vst v1  }
0x331: {  	s8 =	sadd.s32 $0x8000, s4;
	s11 =	sor.u32 $0xC00, s2;
	v1 =	vld [tilespmem:s17+$0xC90];
	[tilespmem:s7+$0x1080] =	vst v2  }
0x332: {  	s19 =	sor.u32 $0xC00, s8;
	v2 =	vld [tilespmem:s18+$0xC90];
	[tilespmem:s11+$0x1080] =	vst v3  }
0x333: {  	v3 =	vld [tilespmem:s22+$0xC90];
	[tilespmem:s19+$0x1080] =	vst v4  }
0x334: {  	v4 =	vld [tilespmem:s20+$0xC90]  }
0x335: {  	s21 =	sor.u32 $0xC10, s0  }
0x336: {  	[tilespmem:s21+$0x1080] =	vst v1;
	s23 =	sor.u32 $0xC10, s1  }
0x337: {  	s25 =	sor.u32 $0xC10, s2;
	v1 =	vld [tilespmem:s17+$0xCA0];
	[tilespmem:s23+$0x1080] =	vst v2  }
0x338: {  	s26 =	sor.u32 $0xC10, s8;
	v2 =	vld [tilespmem:s18+$0xCA0];
	[tilespmem:s25+$0x1080] =	vst v3  }
0x339: {  	v3 =	vld [tilespmem:s22+$0xCA0];
	[tilespmem:s26+$0x1080] =	vst v4  }
0x33a: {  	v4 =	vld [tilespmem:s20+$0xCA0]  }
0x33b: {  	s29 =	sor.u32 $0xC20, s0  }
0x33c: {  	s31 =	sor.u32 $0xC20, s1;
	[tilespmem:s29+$0x1080] =	vst v1  }
0x33d: {  	s7 =	sor.u32 $0xC20, s2;
	v1 =	vld [tilespmem:s17+$0xCB0];
	[tilespmem:s31+$0x1080] =	vst v2  }
0x33e: {  	s10 =	sor.u32 $0xC20, s8;
	v2 =	vld [tilespmem:s18+$0xCB0];
	[tilespmem:s7+$0x1080] =	vst v3  }
0x33f: {  	v3 =	vld [tilespmem:s22+$0xCB0];
	[tilespmem:s10+$0x1080] =	vst v4  }
0x340: {  	v4 =	vld [tilespmem:s20+$0xCB0]  }
0x341: {  	s11 =	sor.u32 $0xC30, s0  }
0x342: {  	[tilespmem:s11+$0x1080] =	vst v1;
	s19 =	sor.u32 $0xC30, s1  }
0x343: {  	s21 =	sor.u32 $0xC30, s2;
	v1 =	vld [tilespmem:s17+$0xCC0];
	[tilespmem:s19+$0x1080] =	vst v2  }
0x344: {  	s23 =	sor.u32 $0xC30, s8;
	v2 =	vld [tilespmem:s18+$0xCC0];
	[tilespmem:s21+$0x1080] =	vst v3  }
0x345: {  	v3 =	vld [tilespmem:s22+$0xCC0];
	[tilespmem:s23+$0x1080] =	vst v4  }
0x346: {  	v4 =	vld [tilespmem:s20+$0xCC0]  }
0x347: {  	s25 =	sor.u32 $0xC40, s0  }
0x348: {  	[tilespmem:s25+$0x1080] =	vst v1;
	s26 =	sor.u32 $0xC40, s1  }
0x349: {  	s29 =	sor.u32 $0xC40, s2;
	v1 =	vld [tilespmem:s17+$0xCD0];
	[tilespmem:s26+$0x1080] =	vst v2  }
0x34a: {  	s31 =	sor.u32 $0xC40, s8;
	v2 =	vld [tilespmem:s18+$0xCD0];
	[tilespmem:s29+$0x1080] =	vst v3  }
0x34b: {  	v3 =	vld [tilespmem:s22+$0xCD0];
	[tilespmem:s31+$0x1080] =	vst v4  }
0x34c: {  	v4 =	vld [tilespmem:s20+$0xCD0]  }
0x34d: {  	s6 =	sor.u32 $0xC50, s0  }
0x34e: {  	s7 =	sor.u32 $0xC50, s1;
	[tilespmem:s6+$0x1080] =	vst v1  }
0x34f: {  	v1 =	vld [tilespmem:s17+$0xCE0];
	s10 =	sor.u32 $0xC50, s2;
	[tilespmem:s7+$0x1080] =	vst v2  }
0x350: {  	s11 =	sor.u32 $0xC50, s8;
	v2 =	vld [tilespmem:s18+$0xCE0];
	[tilespmem:s10+$0x1080] =	vst v3  }
0x351: {  	v3 =	vld [tilespmem:s22+$0xCE0];
	[tilespmem:s11+$0x1080] =	vst v4  }
0x352: {  	[tilespmem:s30+$0x1080] =	vst v0;
	v4 =	vld [tilespmem:s20+$0xCE0]  }
0x353: {  	v0 =	vld [tilespmem:s16+$0xCF0];
	s19 =	sor.u32 $0xC60, s0  }
0x354: {  	v5 =	vld [tilespmem:s15+$0xCF0];
	s21 =	sor.u32 $0xC60, s1;
	[tilespmem:s19+$0x1080] =	vst v1  }
0x355: {  	v1 =	vld [tilespmem:s17+$0xCF0];
	s23 =	sor.u32 $0xC60, s2;
	[tilespmem:s21+$0x1080] =	vst v2  }
0x356: {  	s25 =	sor.u32 $0xC60, s8;
	v2 =	vld [tilespmem:s18+$0xCF0];
	[tilespmem:s23+$0x1080] =	vst v3  }
0x357: {  	v3 =	vld [tilespmem:s22+$0xCF0];
	[tilespmem:s25+$0x1080] =	vst v4  }
0x358: {  	[tilespmem:s28+$0x1080] =	vst v0;
	s26 =	sor.u32 $0xC70, s24;
	v4 =	vld [tilespmem:s20+$0xCF0]  }
0x359: {  	s0 =	sor.u32 $0xC70, s0;
	[tilespmem:s26+$0x1080] =	vst v5  }
0x35a: {  	s1 =	sor.u32 $0xC70, s1;
	[tilespmem:s0+$0x1080] =	vst v1  }
0x35b: {  	s28 =	sor.u32 $0xC70, s2;
	[tilespmem:s1+$0x1080] =	vst v2  }
0x35c: {  	s29 =	sor.u32 $0xC70, s8;
	[tilespmem:s28+$0x1080] =	vst v3  }
0x35d: {  	[tilespmem:s29+$0x1080] =	vst v4  }
0x35e: {  	s30 =	simm.s32 $0x9080;
	s0 =	rddreg [dreg:$0x5]  }
0x35f: {  	[hbm4b:s0+s3] =	stream.linear.scatter [tilespmem:s30], [sflag:$0x3], $0x8000, $0x38;
	[tilespmem:$0x11080] =	vst v63  }
0x360: {  	_ =	swait.ge [sflag:s12], $0x8000  }
0x361: {  	[sflag:s12] =	ssyncset.done $0x0  }
0x362: {  	[sflag:s12] =	ssyncadd.s32 $0xFFFF8000  }
0x363: {  	_ =	swait.ge [sflag:s13], $0x8000  }
0x364: {  	s14 =	sadd.s32 $0x1, s14;
	s31 =	rddreg [dreg:$0x6]  }
0x365: {  	p0 =	sne.s32 s14, s31  }
.Ltmp2:
0x366: {  	_ = 	snop;
	(pc) =	sbr.rel @p0 .LBB2_1-.Ltmp2, $3  }
0x367: {  	_ =	sdelay $0x1  }
0x368: {  	[sflag:s13] =	ssyncset.done $0x0  }
0x369: {  	[sflag:s13] =	ssyncadd.s32 $0xFFFF8000  }
0x36a: {  	_ =	sfence.sel $0x180000  }
0x36b: {  	[bflag:$0x0] =	sbarrier.arrive $0xFFFF  }
0x36c: {  	_ =	strace $0x90000047  }
0x36d: {  	s0 =	stileid.u32;
	[bflag:$0x2] =	sbarrier.arrive $0xFFFF  }
0x36e: {  	p0 =	sne.s32 s0, $0x0;
	s0 =	rddreg [dreg:$0x3]  }
0x36f: {  	s0 =	sadd.s32 @!p0 $0x100000, s0  }
0x370: {  	[sflag:s0] =	ssyncadd.tile.s32 @!p0 $0x1;
	_ =	shalt  }
.Lfunc_end2:
_tile_overlayer_lowered:
.L_overlay_start_2:
0x371: {  	(tag) =	ssettag $0x2  }
0x372: {  	s0 =	rddreg [dreg:$0x0];
	s2 =	stileid.u32  }
0x373: {  	s1 =	rddreg [dreg:$0x1];
	p0 =	sne.s32 s2, $0x0  }
0x374: {  	s3 =	rddreg [dreg:$0x2];
	[bflag:$0x3] =	sbarrier.arrive $0xFFFF;
	s2 =	simm.s32 @!p0 $0x1C04  }
0x375: {  	[timem:s3], [sflag:s2] =	dma.local @!p0 [hbm:s0], s1  }
0x376: {  	s0 =	simm.s32 @!p0 $0x4  }
0x377: {  	_ =	swait.ge @!p0 [sflag:s0], s1  }
0x378: {  	s1 =	ssub.s32 @!p0 $0x0, s1;
	[sflag:s0] =	ssyncset.done @!p0 $0x0  }
0x379: {  	[sflag:s0] =	ssyncadd.s32 @!p0 s1  }
0x37a: {  	[bflag:$0x3] =	sbarrier.arrive $0xFFFF  }
0x37b: {  	_ =	shalt  }

</sc_bundles>
